<compile_context>
chip_gen: v7x
topology: tpu7x:2x2x1
jax: 0.10.2.dev20260603
libtpu: 0.0.44.dev20260713+nightly
codegen_flags: <defaults>
</compile_context>

<pallas_src>
import functools

import jax
import jax.numpy as jnp
from jax import lax
from jax.experimental import pallas as pl
from jax.experimental.pallas import tpu as pltpu
from jax.experimental.pallas import tpu_sc as plsc

N_NODES = 10000
D = 128
N_EDGES = 320000
NC = 2
NS = 16
NW = NC * NS
K = 80
EPT = N_EDGES // NW
CHUNKS = EPT // K
ACC_ROWS = N_NODES
STRIPE = 624
TAIL0 = NS * STRIPE
TAIL = N_NODES - TAIL0


def _seg_sum_partials(x, idx, zeros):
    mesh = plsc.VectorSubcoreMesh(core_axis_name="c", subcore_axis_name="s")

    @functools.partial(
        pl.kernel,
        out_type=jax.ShapeDtypeStruct((NC, N_NODES, D), jnp.float32),
        mesh=mesh,
        scratch_types=[
            pltpu.VMEM((2, K), jnp.int32),
            pltpu.VMEM((2, K), jnp.int32),
            pltpu.VMEM((2, K), jnp.int32),
            pltpu.VMEM((2, K), jnp.int32),
            pltpu.VMEM((K, D), jnp.float32),
            pltpu.VMEM((K, D), jnp.float32),
            pltpu.VMEM_SHARED((ACC_ROWS, D), jnp.float32),
            pltpu.SemaphoreType.DMA,
            pltpu.SemaphoreType.DMA,
            pltpu.SemaphoreType.DMA,
            pltpu.SemaphoreType.DMA,
            pltpu.SemaphoreType.DMA,
            pltpu.SemaphoreType.DMA,
            pltpu.SemaphoreType.DMA,
            pltpu.SemaphoreType.DMA,
            pltpu.SemaphoreType.DMA,
        ],
    )
    def body(x_hbm, idx_hbm, zero_hbm, out_hbm,
             ib0, ib1, ib2, ib3, rows_a, rows_b, acc_sh,
             semi0, semi1, semi2, semi3, semr_a, semr_b,
             sems_a, sems_b, sem_init):
        c = lax.axis_index("c")
        s = lax.axis_index("s")
        wid = s * NC + c

        ibs = (ib0, ib1, ib2, ib3)
        semis = (semi0, semi1, semi2, semi3)
        rows = (rows_a, rows_b)
        semrs = (semr_a, semr_b)
        semss = (sems_a, sems_b)

        def widx(m4):
            pltpu.make_async_copy(idx_hbm.at[wid, 0], ibs[m4], semis[m4]).wait()

        def wrows(m2):
            pltpu.make_async_copy(x_hbm.at[ib0.at[0]], rows[m2], semrs[m2]).wait()

        def wscat(m2):
            pltpu.make_async_copy(rows[m2], acc_sh.at[ib0.at[1]],
                                  semss[m2]).wait()

        def gather(m4, m2):
            pltpu.async_copy(x_hbm.at[ibs[m4].at[0]], rows[m2], semrs[m2])

        def scatter(m4, m2):
            pltpu.async_copy(rows[m2], acc_sh.at[ibs[m4].at[1]],
                             semss[m2], add=True)

        def refill(jv, m4):
            pltpu.async_copy(idx_hbm.at[wid, jv], ibs[m4], semis[m4])

        for j in range(3):
            refill(j, j)

        r0 = s * STRIPE

        @pl.when(c == 0)
        def _():
            pltpu.async_copy(x_hbm.at[pl.ds(r0, STRIPE)],
                             acc_sh.at[pl.ds(r0, STRIPE)], sem_init)

            @pl.when(s == NS - 1)
            def _():
                pltpu.async_copy(x_hbm.at[pl.ds(TAIL0, TAIL)],
                                 acc_sh.at[pl.ds(TAIL0, TAIL)], sem_init)

        @pl.when(c != 0)
        def _():
            pltpu.async_copy(zero_hbm.at[pl.ds(r0, STRIPE)],
                             acc_sh.at[pl.ds(r0, STRIPE)], sem_init)

            @pl.when(s == NS - 1)
            def _():
                pltpu.async_copy(zero_hbm.at[pl.ds(TAIL0, TAIL)],
                                 acc_sh.at[pl.ds(TAIL0, TAIL)], sem_init)

        widx(0)
        gather(0, 0)
        pltpu.make_async_copy(zero_hbm.at[pl.ds(r0, STRIPE)],
                              acc_sh.at[pl.ds(r0, STRIPE)], sem_init).wait()

        @pl.when(s == NS - 1)
        def _():
            pltpu.make_async_copy(zero_hbm.at[pl.ds(TAIL0, TAIL)],
                                  acc_sh.at[pl.ds(TAIL0, TAIL)],
                                  sem_init).wait()

        plsc.subcore_barrier()

        def slot(jv, jm4, head=False, refill_on=True, gather_on=True):
            if not head:
                wscat((jm4 + 1) % 2)
            if refill_on:
                refill(jv + 3, (jm4 + 3) % 4)
            if gather_on:
                widx((jm4 + 1) % 4)
                gather((jm4 + 1) % 4, (jm4 + 1) % 2)
            wrows(jm4 % 2)
            scatter(jm4 % 4, jm4 % 2)

        slot(0, 0, head=True)
        slot(1, 1)

        def step(i, carry):
            g = i * 4 + 2
            slot(g, 2)
            slot(g + 1, 3)
            slot(g + 2, 0)
            slot(g + 3, 1)
            return carry

        lax.fori_loop(0, (CHUNKS - 5) // 4, step, 0)
        slot(CHUNKS - 3, 2, refill_on=False)
        slot(CHUNKS - 2, 3, refill_on=False)
        slot(CHUNKS - 1, 0, refill_on=False, gather_on=False)
        wscat(0)
        plsc.subcore_barrier()
        pltpu.sync_copy(acc_sh.at[pl.ds(r0, STRIPE)],
                        out_hbm.at[c, pl.ds(r0, STRIPE)])

        @pl.when(s == NS - 1)
        def _():
            pltpu.sync_copy(acc_sh.at[pl.ds(TAIL0, TAIL)],
                            out_hbm.at[c, pl.ds(TAIL0, TAIL)])

    return body(x, idx, zeros)


def _mlp(p, wa, wb, normalize):
    BR = 2000
    grid = (N_NODES // BR,)

    def body(p_b, wa_b, wb_b, o_b):
        h = p_b[0] + p_b[1]
        h = jnp.dot(h, wa_b[...], preferred_element_type=jnp.float32)
        h = jnp.maximum(h, 0.0)
        h = jnp.dot(h, wb_b[...], preferred_element_type=jnp.float32)
        if normalize:
            n = jnp.sqrt(jnp.sum(h * h, axis=1, keepdims=True))
            h = h / jnp.maximum(n, 1e-12)
        o_b[...] = h

    return pl.pallas_call(
        body,
        grid=grid,
        in_specs=[
            pl.BlockSpec((2, BR, D), lambda i: (0, i, 0)),
            pl.BlockSpec((D, D), lambda i: (0, 0)),
            pl.BlockSpec((D, D), lambda i: (0, 0)),
        ],
        out_specs=pl.BlockSpec((BR, D), lambda i: (i, 0)),
        out_shape=jax.ShapeDtypeStruct((N_NODES, D), jnp.float32),
    )(p, wa, wb)


def _pack_edges(edge_index):
    ei = edge_index.astype(jnp.int32)
    idx = jnp.stack([ei[0].reshape(NW, CHUNKS, K),
                     ei[1].reshape(NW, CHUNKS, K)], axis=2)
    extra = jnp.zeros((NW, 3, 2, K), jnp.int32)
    return jnp.concatenate([idx, extra], axis=1)


def kernel(x, edge_index, w1a, w1b, w2a, w2b):
    idx = _pack_edges(edge_index)
    zeros = jnp.zeros((N_NODES, D), jnp.float32)

    p = _seg_sum_partials(x, idx, zeros)
    h1 = _mlp(p, w1a, w1b, normalize=False)
    q = _seg_sum_partials(h1, idx, zeros)
    return _mlp(q, w2a, w2b, normalize=True)

# --- scband reference (transcript-rebuilt; emitter-appended) ---
"""Pipeline reference for scband-minimal-gin-25632364822953 (READ-ONLY COPY).

The authoritative reference and input builder live on the scoring server;
editing this copy changes nothing except your own understanding.
"""

import jax, jax.numpy as jnp
import numpy as np

N_NODES = 10000
N_EDGES = 320000
D_IN = 128
D_HID = 128


def setup_inputs(seed: int = 0) -> dict:
    key = jax.random.key(seed)
    k1, k2, k3, k4, k5, k6 = jax.random.split(key, 6)
    x = jax.random.normal(k1, (N_NODES, D_IN), dtype=jnp.float32)
    edge_index = jax.random.randint(k2, (2, N_EDGES), 0, N_NODES)
    # GIN layer 1 MLP: Linear(D_IN->D_HID, no bias), ReLU, Linear(D_HID->D_HID, no bias)
    w1a = jax.random.normal(k3, (D_IN, D_HID), dtype=jnp.float32) * (1.0 / np.sqrt(D_IN))
    w1b = jax.random.normal(k4, (D_HID, D_HID), dtype=jnp.float32) * (1.0 / np.sqrt(D_HID))
    # GIN layer 2 MLP
    w2a = jax.random.normal(k5, (D_HID, D_HID), dtype=jnp.float32) * (1.0 / np.sqrt(D_HID))
    w2b = jax.random.normal(k6, (D_HID, D_HID), dtype=jnp.float32) * (1.0 / np.sqrt(D_HID))
    return {"x": x, "edge_index": edge_index, "w1a": w1a, "w1b": w1b, "w2a": w2a, "w2b": w2b}


def _gin_conv(x, edge_index, wa, wb):
    # sum aggregation of neighbor features: messages flow src -> dst
    src = edge_index[0]
    dst = edge_index[1]
    msgs = jnp.take(x, src, axis=0)
    agg = jax.ops.segment_sum(msgs, dst, num_segments=N_NODES)
    # (1 + eps) * x + agg, with default eps = 0
    h = x + agg
    # MLP: Linear -> ReLU -> Linear (no biases)
    h = jnp.maximum(h @ wa, 0.0)
    h = h @ wb
    return h


def reference(x, edge_index, w1a, w1b, w2a, w2b):
    h = _gin_conv(x, edge_index, w1a, w1b)
    h = _gin_conv(h, edge_index, w2a, w2b)
    # F.normalize(h, p=2, dim=1): h / max(||h||_2, eps), eps=1e-12
    norm = jnp.linalg.norm(h, ord=2, axis=1, keepdims=True)
    return h / jnp.maximum(norm, 1e-12)

if __name__ == "__main__":
    import jax
    _d = setup_inputs()
    print(jax.jit(kernel)(*tuple(_d.values())))

</pallas_src>

<mosaic_0001>
#map = affine_map<(d0, d1) -> (0, 0)>
#map1 = affine_map<(d0, d1) -> (0, 0, 0, 0)>
#map2 = affine_map<(d0, d1) -> (0, 0, 0)>
module attributes {stable_mosaic.version = 14 : i64} {
  func.func @body(%arg0: i32, %arg1: i32, %arg2: memref<10000x128xf32, #tpu.memory_space<hbm>>, %arg3: memref<32x128x2x80xi32, #tpu.memory_space<hbm>>, %arg4: memref<10000x128xf32, #tpu.memory_space<hbm>>, %arg5: memref<2x10000x128xf32, #tpu.memory_space<hbm>>, %arg6: memref<2x80xi32, #tpu.memory_space<vmem>>, %arg7: memref<2x80xi32, #tpu.memory_space<vmem>>, %arg8: memref<2x80xi32, #tpu.memory_space<vmem>>, %arg9: memref<2x80xi32, #tpu.memory_space<vmem>>, %arg10: memref<80x128xf32, #tpu.memory_space<vmem>>, %arg11: memref<80x128xf32, #tpu.memory_space<vmem>>, %arg12: memref<10000x128xf32, #tpu.memory_space<vmem_shared>>, %arg13: memref<!tpu.dma_semaphore, #tpu.memory_space<semaphore_mem>>, %arg14: memref<!tpu.dma_semaphore, #tpu.memory_space<semaphore_mem>>, %arg15: memref<!tpu.dma_semaphore, #tpu.memory_space<semaphore_mem>>, %arg16: memref<!tpu.dma_semaphore, #tpu.memory_space<semaphore_mem>>, %arg17: memref<!tpu.dma_semaphore, #tpu.memory_space<semaphore_mem>>, %arg18: memref<!tpu.dma_semaphore, #tpu.memory_space<semaphore_mem>>, %arg19: memref<!tpu.dma_semaphore, #tpu.memory_space<semaphore_mem>>, %arg20: memref<!tpu.dma_semaphore, #tpu.memory_space<semaphore_mem>>, %arg21: memref<!tpu.dma_semaphore, #tpu.memory_space<semaphore_mem>>) attributes {dimension_semantics = [#tpu.dimension_semantics<core_parallel>, #tpu.dimension_semantics<subcore_parallel>], iteration_bounds = array<i64: 2, 16>, scalar_prefetch = 0 : i64, scratch_operands = 16 : i64, tpu.core_type = #tpu.core_type<sc_vector_subcore>, window_params = [{transform_indices = #map}, {transform_indices = #map1}, {transform_indices = #map}, {transform_indices = #map2}]} {
    %mul3A = arith.constant 2 : i32
    %mul3A_0 = arith.muli %arg1, %mul3A : i32
    %add3A = arith.addi %mul3A_0, %arg0 : i32
    %dma_start3A = arith.constant 0 : i32
    %dma_start3A_1 = arith.constant 0 : i32
    %dma_start3A_2 = arith.constant 0 : i32
    %dma_start3A_3 = tpu.memref_slice %arg3[%add3A, %dma_start3A, %dma_start3A_1, %dma_start3A_2] : memref<32x128x2x80xi32, #tpu.memory_space<hbm>> -> memref<1x1x2x80xi32, #tpu.memory_space<hbm>>
    %dma_start3A_4 = tpu.memref_squeeze %dma_start3A_3 : memref<1x1x2x80xi32, #tpu.memory_space<hbm>> -> memref<2x80xi32, #tpu.memory_space<hbm>>
    %dma_start3A_5 = arith.constant 0 : i32
    %dma_start3A_6 = arith.constant 0 : i32
    %dma_start3A_7 = tpu.memref_slice %arg3[%add3A, %dma_start3A, %dma_start3A_5, %dma_start3A_6] : memref<32x128x2x80xi32, #tpu.memory_space<hbm>> -> memref<1x1x2x80xi32, #tpu.memory_space<hbm>>
    %dma_start3A_8 = tpu.memref_squeeze %dma_start3A_7 : memref<1x1x2x80xi32, #tpu.memory_space<hbm>> -> memref<2x80xi32, #tpu.memory_space<hbm>>
    tpu.enqueue_dma source(%dma_start3A_8 : memref<2x80xi32, #tpu.memory_space<hbm>>) target(%arg6 : memref<2x80xi32, #tpu.memory_space<vmem>>) target_semaphore(%arg13 : memref<!tpu.dma_semaphore, #tpu.memory_space<semaphore_mem>>)
    %dma_start3A_9 = arith.constant 1 : i32
    %dma_start3A_10 = arith.constant 0 : i32
    %dma_start3A_11 = arith.constant 0 : i32
    %dma_start3A_12 = tpu.memref_slice %arg3[%add3A, %dma_start3A_9, %dma_start3A_10, %dma_start3A_11] : memref<32x128x2x80xi32, #tpu.memory_space<hbm>> -> memref<1x1x2x80xi32, #tpu.memory_space<hbm>>
    %dma_start3A_13 = tpu.memref_squeeze %dma_start3A_12 : memref<1x1x2x80xi32, #tpu.memory_space<hbm>> -> memref<2x80xi32, #tpu.memory_space<hbm>>
    %dma_start3A_14 = arith.constant 0 : i32
    %dma_start3A_15 = arith.constant 0 : i32
    %dma_start3A_16 = tpu.memref_slice %arg3[%add3A, %dma_start3A_9, %dma_start3A_14, %dma_start3A_15] : memref<32x128x2x80xi32, #tpu.memory_space<hbm>> -> memref<1x1x2x80xi32, #tpu.memory_space<hbm>>
    %dma_start3A_17 = tpu.memref_squeeze %dma_start3A_16 : memref<1x1x2x80xi32, #tpu.memory_space<hbm>> -> memref<2x80xi32, #tpu.memory_space<hbm>>
    tpu.enqueue_dma source(%dma_start3A_17 : memref<2x80xi32, #tpu.memory_space<hbm>>) target(%arg7 : memref<2x80xi32, #tpu.memory_space<vmem>>) target_semaphore(%arg14 : memref<!tpu.dma_semaphore, #tpu.memory_space<semaphore_mem>>)
    %dma_start3A_18 = arith.constant 2 : i32
    %dma_start3A_19 = arith.constant 0 : i32
    %dma_start3A_20 = arith.constant 0 : i32
    %dma_start3A_21 = tpu.memref_slice %arg3[%add3A, %dma_start3A_18, %dma_start3A_19, %dma_start3A_20] : memref<32x128x2x80xi32, #tpu.memory_space<hbm>> -> memref<1x1x2x80xi32, #tpu.memory_space<hbm>>
    %dma_start3A_22 = tpu.memref_squeeze %dma_start3A_21 : memref<1x1x2x80xi32, #tpu.memory_space<hbm>> -> memref<2x80xi32, #tpu.memory_space<hbm>>
    %dma_start3A_23 = arith.constant 0 : i32
    %dma_start3A_24 = arith.constant 0 : i32
    %dma_start3A_25 = tpu.memref_slice %arg3[%add3A, %dma_start3A_18, %dma_start3A_23, %dma_start3A_24] : memref<32x128x2x80xi32, #tpu.memory_space<hbm>> -> memref<1x1x2x80xi32, #tpu.memory_space<hbm>>
    %dma_start3A_26 = tpu.memref_squeeze %dma_start3A_25 : memref<1x1x2x80xi32, #tpu.memory_space<hbm>> -> memref<2x80xi32, #tpu.memory_space<hbm>>
    tpu.enqueue_dma source(%dma_start3A_26 : memref<2x80xi32, #tpu.memory_space<hbm>>) target(%arg8 : memref<2x80xi32, #tpu.memory_space<vmem>>) target_semaphore(%arg15 : memref<!tpu.dma_semaphore, #tpu.memory_space<semaphore_mem>>)
    %mul3A_27 = arith.constant 624 : i32
    %mul3A_28 = arith.muli %arg1, %mul3A_27 : i32
    %eq3A = arith.constant 0 : i32
    %eq3A_29 = arith.cmpi eq, %arg0, %eq3A : i32
    %convert_element_type3A = arith.extui %eq3A_29 : i1 to i32
    %cond3A = arith.constant 0 : i32
    %cond3A_30 = arith.cmpi ne, %convert_element_type3A, %cond3A : i32
    scf.if %cond3A_30 {
      %dma_start3A_257 = arith.constant 0 : i32
      %dma_start3A_258 = tpu.memref_slice %arg12[%mul3A_28, %dma_start3A_257] : memref<10000x128xf32, #tpu.memory_space<vmem_shared>> -> memref<624x128xf32, #tpu.memory_space<vmem_shared>>
      %dma_start3A_259 = arith.constant 0 : i32
      %dma_start3A_260 = tpu.memref_slice %arg2[%mul3A_28, %dma_start3A_259] : memref<10000x128xf32, #tpu.memory_space<hbm>> -> memref<624x128xf32, #tpu.memory_space<hbm>>
      tpu.enqueue_dma source(%dma_start3A_260 : memref<624x128xf32, #tpu.memory_space<hbm>>) target(%dma_start3A_258 : memref<624x128xf32, #tpu.memory_space<vmem_shared>>) target_semaphore(%arg21 : memref<!tpu.dma_semaphore, #tpu.memory_space<semaphore_mem>>)
      %eq3A_261 = arith.constant 15 : i32
      %eq3A_262 = arith.cmpi eq, %arg1, %eq3A_261 : i32
      %convert_element_type3A_263 = arith.extui %eq3A_262 : i1 to i32
      %cond3A_264 = arith.constant 0 : i32
      %cond3A_265 = arith.cmpi ne, %convert_element_type3A_263, %cond3A_264 : i32
      scf.if %cond3A_265 {
        %dma_start3A_266 = arith.constant 9984 : i32
        %dma_start3A_267 = arith.constant 0 : i32
        %dma_start3A_268 = tpu.memref_slice %arg12[%dma_start3A_266, %dma_start3A_267] : memref<10000x128xf32, #tpu.memory_space<vmem_shared>> -> memref<16x128xf32, #tpu.memory_space<vmem_shared>>
        %dma_start3A_269 = arith.constant 9984 : i32
        %dma_start3A_270 = arith.constant 0 : i32
        %dma_start3A_271 = tpu.memref_slice %arg2[%dma_start3A_269, %dma_start3A_270] : memref<10000x128xf32, #tpu.memory_space<hbm>> -> memref<16x128xf32, #tpu.memory_space<hbm>>
        tpu.enqueue_dma source(%dma_start3A_271 : memref<16x128xf32, #tpu.memory_space<hbm>>) target(%dma_start3A_268 : memref<16x128xf32, #tpu.memory_space<vmem_shared>>) target_semaphore(%arg21 : memref<!tpu.dma_semaphore, #tpu.memory_space<semaphore_mem>>)
      } else {
      }
    } else {
    }
    %ne3A = arith.constant 0 : i32
    %ne3A_31 = arith.cmpi ne, %arg0, %ne3A : i32
    %convert_element_type3A_32 = arith.extui %ne3A_31 : i1 to i32
    %cond3A_33 = arith.constant 0 : i32
    %cond3A_34 = arith.cmpi ne, %convert_element_type3A_32, %cond3A_33 : i32
    scf.if %cond3A_34 {
      %dma_start3A_257 = arith.constant 0 : i32
      %dma_start3A_258 = tpu.memref_slice %arg12[%mul3A_28, %dma_start3A_257] : memref<10000x128xf32, #tpu.memory_space<vmem_shared>> -> memref<624x128xf32, #tpu.memory_space<vmem_shared>>
      %dma_start3A_259 = arith.constant 0 : i32
      %dma_start3A_260 = tpu.memref_slice %arg4[%mul3A_28, %dma_start3A_259] : memref<10000x128xf32, #tpu.memory_space<hbm>> -> memref<624x128xf32, #tpu.memory_space<hbm>>
      tpu.enqueue_dma source(%dma_start3A_260 : memref<624x128xf32, #tpu.memory_space<hbm>>) target(%dma_start3A_258 : memref<624x128xf32, #tpu.memory_space<vmem_shared>>) target_semaphore(%arg21 : memref<!tpu.dma_semaphore, #tpu.memory_space<semaphore_mem>>)
      %eq3A_261 = arith.constant 15 : i32
      %eq3A_262 = arith.cmpi eq, %arg1, %eq3A_261 : i32
      %convert_element_type3A_263 = arith.extui %eq3A_262 : i1 to i32
      %cond3A_264 = arith.constant 0 : i32
      %cond3A_265 = arith.cmpi ne, %convert_element_type3A_263, %cond3A_264 : i32
      scf.if %cond3A_265 {
        %dma_start3A_266 = arith.constant 9984 : i32
        %dma_start3A_267 = arith.constant 0 : i32
        %dma_start3A_268 = tpu.memref_slice %arg12[%dma_start3A_266, %dma_start3A_267] : memref<10000x128xf32, #tpu.memory_space<vmem_shared>> -> memref<16x128xf32, #tpu.memory_space<vmem_shared>>
        %dma_start3A_269 = arith.constant 9984 : i32
        %dma_start3A_270 = arith.constant 0 : i32
        %dma_start3A_271 = tpu.memref_slice %arg4[%dma_start3A_269, %dma_start3A_270] : memref<10000x128xf32, #tpu.memory_space<hbm>> -> memref<16x128xf32, #tpu.memory_space<hbm>>
        tpu.enqueue_dma source(%dma_start3A_271 : memref<16x128xf32, #tpu.memory_space<hbm>>) target(%dma_start3A_268 : memref<16x128xf32, #tpu.memory_space<vmem_shared>>) target_semaphore(%arg21 : memref<!tpu.dma_semaphore, #tpu.memory_space<semaphore_mem>>)
      } else {
      }
    } else {
    }
    %dma_wait3A = arith.constant 0 : i32
    %dma_wait3A_35 = arith.constant 0 : i32
    %dma_wait3A_36 = arith.constant 0 : i32
    %dma_wait3A_37 = tpu.memref_slice %arg3[%add3A, %dma_wait3A, %dma_wait3A_35, %dma_wait3A_36] : memref<32x128x2x80xi32, #tpu.memory_space<hbm>> -> memref<1x1x2x80xi32, #tpu.memory_space<hbm>>
    %dma_wait3A_38 = tpu.memref_squeeze %dma_wait3A_37 : memref<1x1x2x80xi32, #tpu.memory_space<hbm>> -> memref<2x80xi32, #tpu.memory_space<hbm>>
    %dma_wait3A_39 = arith.constant 0 : i32
    %dma_wait3A_40 = arith.constant 0 : i32
    %dma_wait3A_41 = tpu.memref_slice %arg3[%add3A, %dma_wait3A, %dma_wait3A_39, %dma_wait3A_40] : memref<32x128x2x80xi32, #tpu.memory_space<hbm>> -> memref<1x1x2x80xi32, #tpu.memory_space<hbm>>
    %dma_wait3A_42 = tpu.memref_squeeze %dma_wait3A_41 : memref<1x1x2x80xi32, #tpu.memory_space<hbm>> -> memref<2x80xi32, #tpu.memory_space<hbm>>
    tpu.wait_dma2 semaphore(%arg13 : memref<!tpu.dma_semaphore, #tpu.memory_space<semaphore_mem>>) src(%dma_wait3A_42 : memref<2x80xi32, #tpu.memory_space<hbm>>) dst(%arg6 : memref<2x80xi32, #tpu.memory_space<vmem>>)
    %dma_start3A_43 = arith.constant 0 : i32
    %dma_start3A_44 = arith.constant 0 : i32
    %dma_start3A_45 = tpu.memref_slice %arg6[%dma_start3A_43, %dma_start3A_44] : memref<2x80xi32, #tpu.memory_space<vmem>> -> memref<1x80xi32, #tpu.memory_space<vmem>>
    %dma_start3A_46 = tpu.memref_squeeze %dma_start3A_45 : memref<1x80xi32, #tpu.memory_space<vmem>> -> memref<80xi32, #tpu.memory_space<vmem>>
    %dma_start3A_47 = arith.constant 0 : i32
    %dma_start3A_48 = arith.constant 0 : i32
    %dma_start3A_49 = tpu.memref_slice %arg2[%dma_start3A_47, %dma_start3A_48] : memref<10000x128xf32, #tpu.memory_space<hbm>> -> memref<10000x128xf32, #tpu.memory_space<hbm>>
    tpu.enqueue_indirect_dma source(%dma_start3A_49 : memref<10000x128xf32, #tpu.memory_space<hbm>>) target(%arg10 : memref<80x128xf32, #tpu.memory_space<vmem>>) offsets(%dma_start3A_46 : memref<80xi32, #tpu.memory_space<vmem>>) semaphore(%arg17 : memref<!tpu.dma_semaphore, #tpu.memory_space<semaphore_mem>>)
    %dma_wait3A_50 = arith.constant 0 : i32
    %dma_wait3A_51 = tpu.memref_slice %arg12[%mul3A_28, %dma_wait3A_50] : memref<10000x128xf32, #tpu.memory_space<vmem_shared>> -> memref<624x128xf32, #tpu.memory_space<vmem_shared>>
    %dma_wait3A_52 = arith.constant 0 : i32
    %dma_wait3A_53 = tpu.memref_slice %arg4[%mul3A_28, %dma_wait3A_52] : memref<10000x128xf32, #tpu.memory_space<hbm>> -> memref<624x128xf32, #tpu.memory_space<hbm>>
    tpu.wait_dma2 semaphore(%arg21 : memref<!tpu.dma_semaphore, #tpu.memory_space<semaphore_mem>>) src(%dma_wait3A_53 : memref<624x128xf32, #tpu.memory_space<hbm>>) dst(%dma_wait3A_51 : memref<624x128xf32, #tpu.memory_space<vmem_shared>>)
    %eq3A_54 = arith.constant 15 : i32
    %eq3A_55 = arith.cmpi eq, %arg1, %eq3A_54 : i32
    %convert_element_type3A_56 = arith.extui %eq3A_55 : i1 to i32
    %cond3A_57 = arith.constant 0 : i32
    %cond3A_58 = arith.cmpi ne, %convert_element_type3A_56, %cond3A_57 : i32
    scf.if %cond3A_58 {
      %dma_wait3A_257 = arith.constant 9984 : i32
      %dma_wait3A_258 = arith.constant 0 : i32
      %dma_wait3A_259 = tpu.memref_slice %arg12[%dma_wait3A_257, %dma_wait3A_258] : memref<10000x128xf32, #tpu.memory_space<vmem_shared>> -> memref<16x128xf32, #tpu.memory_space<vmem_shared>>
      %dma_wait3A_260 = arith.constant 9984 : i32
      %dma_wait3A_261 = arith.constant 0 : i32
      %dma_wait3A_262 = tpu.memref_slice %arg4[%dma_wait3A_260, %dma_wait3A_261] : memref<10000x128xf32, #tpu.memory_space<hbm>> -> memref<16x128xf32, #tpu.memory_space<hbm>>
      tpu.wait_dma2 semaphore(%arg21 : memref<!tpu.dma_semaphore, #tpu.memory_space<semaphore_mem>>) src(%dma_wait3A_262 : memref<16x128xf32, #tpu.memory_space<hbm>>) dst(%dma_wait3A_259 : memref<16x128xf32, #tpu.memory_space<vmem_shared>>)
    } else {
    }
    %barrier3A = arith.constant 0 : index
    tpu.barrier barrier_id(%barrier3A)
    %dma_start3A_59 = arith.constant 3 : i32
    %dma_start3A_60 = arith.constant 0 : i32
    %dma_start3A_61 = arith.constant 0 : i32
    %dma_start3A_62 = tpu.memref_slice %arg3[%add3A, %dma_start3A_59, %dma_start3A_60, %dma_start3A_61] : memref<32x128x2x80xi32, #tpu.memory_space<hbm>> -> memref<1x1x2x80xi32, #tpu.memory_space<hbm>>
    %dma_start3A_63 = tpu.memref_squeeze %dma_start3A_62 : memref<1x1x2x80xi32, #tpu.memory_space<hbm>> -> memref<2x80xi32, #tpu.memory_space<hbm>>
    %dma_start3A_64 = arith.constant 0 : i32
    %dma_start3A_65 = arith.constant 0 : i32
    %dma_start3A_66 = tpu.memref_slice %arg3[%add3A, %dma_start3A_59, %dma_start3A_64, %dma_start3A_65] : memref<32x128x2x80xi32, #tpu.memory_space<hbm>> -> memref<1x1x2x80xi32, #tpu.memory_space<hbm>>
    %dma_start3A_67 = tpu.memref_squeeze %dma_start3A_66 : memref<1x1x2x80xi32, #tpu.memory_space<hbm>> -> memref<2x80xi32, #tpu.memory_space<hbm>>
    tpu.enqueue_dma source(%dma_start3A_67 : memref<2x80xi32, #tpu.memory_space<hbm>>) target(%arg9 : memref<2x80xi32, #tpu.memory_space<vmem>>) target_semaphore(%arg16 : memref<!tpu.dma_semaphore, #tpu.memory_space<semaphore_mem>>)
    %dma_wait3A_68 = arith.constant 0 : i32
    %dma_wait3A_69 = arith.constant 0 : i32
    %dma_wait3A_70 = arith.constant 0 : i32
    %dma_wait3A_71 = tpu.memref_slice %arg3[%add3A, %dma_wait3A_68, %dma_wait3A_69, %dma_wait3A_70] : memref<32x128x2x80xi32, #tpu.memory_space<hbm>> -> memref<1x1x2x80xi32, #tpu.memory_space<hbm>>
    %dma_wait3A_72 = tpu.memref_squeeze %dma_wait3A_71 : memref<1x1x2x80xi32, #tpu.memory_space<hbm>> -> memref<2x80xi32, #tpu.memory_space<hbm>>
    %dma_wait3A_73 = arith.constant 0 : i32
    %dma_wait3A_74 = arith.constant 0 : i32
    %dma_wait3A_75 = tpu.memref_slice %arg3[%add3A, %dma_wait3A_68, %dma_wait3A_73, %dma_wait3A_74] : memref<32x128x2x80xi32, #tpu.memory_space<hbm>> -> memref<1x1x2x80xi32, #tpu.memory_space<hbm>>
    %dma_wait3A_76 = tpu.memref_squeeze %dma_wait3A_75 : memref<1x1x2x80xi32, #tpu.memory_space<hbm>> -> memref<2x80xi32, #tpu.memory_space<hbm>>
    tpu.wait_dma2 semaphore(%arg14 : memref<!tpu.dma_semaphore, #tpu.memory_space<semaphore_mem>>) src(%dma_wait3A_76 : memref<2x80xi32, #tpu.memory_space<hbm>>) dst(%arg7 : memref<2x80xi32, #tpu.memory_space<vmem>>)
    %dma_start3A_77 = arith.constant 0 : i32
    %dma_start3A_78 = arith.constant 0 : i32
    %dma_start3A_79 = tpu.memref_slice %arg7[%dma_start3A_77, %dma_start3A_78] : memref<2x80xi32, #tpu.memory_space<vmem>> -> memref<1x80xi32, #tpu.memory_space<vmem>>
    %dma_start3A_80 = tpu.memref_squeeze %dma_start3A_79 : memref<1x80xi32, #tpu.memory_space<vmem>> -> memref<80xi32, #tpu.memory_space<vmem>>
    %dma_start3A_81 = arith.constant 0 : i32
    %dma_start3A_82 = arith.constant 0 : i32
    %dma_start3A_83 = tpu.memref_slice %arg2[%dma_start3A_81, %dma_start3A_82] : memref<10000x128xf32, #tpu.memory_space<hbm>> -> memref<10000x128xf32, #tpu.memory_space<hbm>>
    tpu.enqueue_indirect_dma source(%dma_start3A_83 : memref<10000x128xf32, #tpu.memory_space<hbm>>) target(%arg11 : memref<80x128xf32, #tpu.memory_space<vmem>>) offsets(%dma_start3A_80 : memref<80xi32, #tpu.memory_space<vmem>>) semaphore(%arg18 : memref<!tpu.dma_semaphore, #tpu.memory_space<semaphore_mem>>)
    %dma_wait3A_84 = arith.constant 0 : i32
    %dma_wait3A_85 = arith.constant 0 : i32
    %dma_wait3A_86 = tpu.memref_slice %arg6[%dma_wait3A_84, %dma_wait3A_85] : memref<2x80xi32, #tpu.memory_space<vmem>> -> memref<1x80xi32, #tpu.memory_space<vmem>>
    %dma_wait3A_87 = tpu.memref_squeeze %dma_wait3A_86 : memref<1x80xi32, #tpu.memory_space<vmem>> -> memref<80xi32, #tpu.memory_space<vmem>>
    %dma_wait3A_88 = arith.constant 0 : i32
    %dma_wait3A_89 = arith.constant 0 : i32
    %dma_wait3A_90 = tpu.memref_slice %arg2[%dma_wait3A_88, %dma_wait3A_89] : memref<10000x128xf32, #tpu.memory_space<hbm>> -> memref<10000x128xf32, #tpu.memory_space<hbm>>
    tpu.wait_indirect_dma semaphore(%arg17 : memref<!tpu.dma_semaphore, #tpu.memory_space<semaphore_mem>>) src(%dma_wait3A_90 : memref<10000x128xf32, #tpu.memory_space<hbm>>) dst(%arg10 : memref<80x128xf32, #tpu.memory_space<vmem>>)
    %dma_start3A_91 = arith.constant 1 : i32
    %dma_start3A_92 = arith.constant 0 : i32
    %dma_start3A_93 = tpu.memref_slice %arg6[%dma_start3A_91, %dma_start3A_92] : memref<2x80xi32, #tpu.memory_space<vmem>> -> memref<1x80xi32, #tpu.memory_space<vmem>>
    %dma_start3A_94 = tpu.memref_squeeze %dma_start3A_93 : memref<1x80xi32, #tpu.memory_space<vmem>> -> memref<80xi32, #tpu.memory_space<vmem>>
    %dma_start3A_95 = arith.constant 0 : i32
    %dma_start3A_96 = arith.constant 0 : i32
    %dma_start3A_97 = tpu.memref_slice %arg12[%dma_start3A_95, %dma_start3A_96] : memref<10000x128xf32, #tpu.memory_space<vmem_shared>> -> memref<10000x128xf32, #tpu.memory_space<vmem_shared>>
    tpu.enqueue_indirect_dma source(%arg10 : memref<80x128xf32, #tpu.memory_space<vmem>>) target(%dma_start3A_97 : memref<10000x128xf32, #tpu.memory_space<vmem_shared>>) offsets(%dma_start3A_94 : memref<80xi32, #tpu.memory_space<vmem>>) semaphore(%arg19 : memref<!tpu.dma_semaphore, #tpu.memory_space<semaphore_mem>>) {add = true}
    %dma_wait3A_98 = arith.constant 1 : i32
    %dma_wait3A_99 = arith.constant 0 : i32
    %dma_wait3A_100 = tpu.memref_slice %arg6[%dma_wait3A_98, %dma_wait3A_99] : memref<2x80xi32, #tpu.memory_space<vmem>> -> memref<1x80xi32, #tpu.memory_space<vmem>>
    %dma_wait3A_101 = tpu.memref_squeeze %dma_wait3A_100 : memref<1x80xi32, #tpu.memory_space<vmem>> -> memref<80xi32, #tpu.memory_space<vmem>>
    %dma_wait3A_102 = arith.constant 0 : i32
    %dma_wait3A_103 = arith.constant 0 : i32
    %dma_wait3A_104 = tpu.memref_slice %arg12[%dma_wait3A_102, %dma_wait3A_103] : memref<10000x128xf32, #tpu.memory_space<vmem_shared>> -> memref<10000x128xf32, #tpu.memory_space<vmem_shared>>
    tpu.wait_indirect_dma semaphore(%arg19 : memref<!tpu.dma_semaphore, #tpu.memory_space<semaphore_mem>>) src(%arg10 : memref<80x128xf32, #tpu.memory_space<vmem>>) dst(%dma_wait3A_104 : memref<10000x128xf32, #tpu.memory_space<vmem_shared>>)
    %dma_start3A_105 = arith.constant 4 : i32
    %dma_start3A_106 = arith.constant 0 : i32
    %dma_start3A_107 = arith.constant 0 : i32
    %dma_start3A_108 = tpu.memref_slice %arg3[%add3A, %dma_start3A_105, %dma_start3A_106, %dma_start3A_107] : memref<32x128x2x80xi32, #tpu.memory_space<hbm>> -> memref<1x1x2x80xi32, #tpu.memory_space<hbm>>
    %dma_start3A_109 = tpu.memref_squeeze %dma_start3A_108 : memref<1x1x2x80xi32, #tpu.memory_space<hbm>> -> memref<2x80xi32, #tpu.memory_space<hbm>>
    %dma_start3A_110 = arith.constant 0 : i32
    %dma_start3A_111 = arith.constant 0 : i32
    %dma_start3A_112 = tpu.memref_slice %arg3[%add3A, %dma_start3A_105, %dma_start3A_110, %dma_start3A_111] : memref<32x128x2x80xi32, #tpu.memory_space<hbm>> -> memref<1x1x2x80xi32, #tpu.memory_space<hbm>>
    %dma_start3A_113 = tpu.memref_squeeze %dma_start3A_112 : memref<1x1x2x80xi32, #tpu.memory_space<hbm>> -> memref<2x80xi32, #tpu.memory_space<hbm>>
    tpu.enqueue_dma source(%dma_start3A_113 : memref<2x80xi32, #tpu.memory_space<hbm>>) target(%arg6 : memref<2x80xi32, #tpu.memory_space<vmem>>) target_semaphore(%arg13 : memref<!tpu.dma_semaphore, #tpu.memory_space<semaphore_mem>>)
    %dma_wait3A_114 = arith.constant 0 : i32
    %dma_wait3A_115 = arith.constant 0 : i32
    %dma_wait3A_116 = arith.constant 0 : i32
    %dma_wait3A_117 = tpu.memref_slice %arg3[%add3A, %dma_wait3A_114, %dma_wait3A_115, %dma_wait3A_116] : memref<32x128x2x80xi32, #tpu.memory_space<hbm>> -> memref<1x1x2x80xi32, #tpu.memory_space<hbm>>
    %dma_wait3A_118 = tpu.memref_squeeze %dma_wait3A_117 : memref<1x1x2x80xi32, #tpu.memory_space<hbm>> -> memref<2x80xi32, #tpu.memory_space<hbm>>
    %dma_wait3A_119 = arith.constant 0 : i32
    %dma_wait3A_120 = arith.constant 0 : i32
    %dma_wait3A_121 = tpu.memref_slice %arg3[%add3A, %dma_wait3A_114, %dma_wait3A_119, %dma_wait3A_120] : memref<32x128x2x80xi32, #tpu.memory_space<hbm>> -> memref<1x1x2x80xi32, #tpu.memory_space<hbm>>
    %dma_wait3A_122 = tpu.memref_squeeze %dma_wait3A_121 : memref<1x1x2x80xi32, #tpu.memory_space<hbm>> -> memref<2x80xi32, #tpu.memory_space<hbm>>
    tpu.wait_dma2 semaphore(%arg15 : memref<!tpu.dma_semaphore, #tpu.memory_space<semaphore_mem>>) src(%dma_wait3A_122 : memref<2x80xi32, #tpu.memory_space<hbm>>) dst(%arg8 : memref<2x80xi32, #tpu.memory_space<vmem>>)
    %dma_start3A_123 = arith.constant 0 : i32
    %dma_start3A_124 = arith.constant 0 : i32
    %dma_start3A_125 = tpu.memref_slice %arg8[%dma_start3A_123, %dma_start3A_124] : memref<2x80xi32, #tpu.memory_space<vmem>> -> memref<1x80xi32, #tpu.memory_space<vmem>>
    %dma_start3A_126 = tpu.memref_squeeze %dma_start3A_125 : memref<1x80xi32, #tpu.memory_space<vmem>> -> memref<80xi32, #tpu.memory_space<vmem>>
    %dma_start3A_127 = arith.constant 0 : i32
    %dma_start3A_128 = arith.constant 0 : i32
    %dma_start3A_129 = tpu.memref_slice %arg2[%dma_start3A_127, %dma_start3A_128] : memref<10000x128xf32, #tpu.memory_space<hbm>> -> memref<10000x128xf32, #tpu.memory_space<hbm>>
    tpu.enqueue_indirect_dma source(%dma_start3A_129 : memref<10000x128xf32, #tpu.memory_space<hbm>>) target(%arg10 : memref<80x128xf32, #tpu.memory_space<vmem>>) offsets(%dma_start3A_126 : memref<80xi32, #tpu.memory_space<vmem>>) semaphore(%arg17 : memref<!tpu.dma_semaphore, #tpu.memory_space<semaphore_mem>>)
    %dma_wait3A_130 = arith.constant 0 : i32
    %dma_wait3A_131 = arith.constant 0 : i32
    %dma_wait3A_132 = tpu.memref_slice %arg6[%dma_wait3A_130, %dma_wait3A_131] : memref<2x80xi32, #tpu.memory_space<vmem>> -> memref<1x80xi32, #tpu.memory_space<vmem>>
    %dma_wait3A_133 = tpu.memref_squeeze %dma_wait3A_132 : memref<1x80xi32, #tpu.memory_space<vmem>> -> memref<80xi32, #tpu.memory_space<vmem>>
    %dma_wait3A_134 = arith.constant 0 : i32
    %dma_wait3A_135 = arith.constant 0 : i32
    %dma_wait3A_136 = tpu.memref_slice %arg2[%dma_wait3A_134, %dma_wait3A_135] : memref<10000x128xf32, #tpu.memory_space<hbm>> -> memref<10000x128xf32, #tpu.memory_space<hbm>>
    tpu.wait_indirect_dma semaphore(%arg18 : memref<!tpu.dma_semaphore, #tpu.memory_space<semaphore_mem>>) src(%dma_wait3A_136 : memref<10000x128xf32, #tpu.memory_space<hbm>>) dst(%arg11 : memref<80x128xf32, #tpu.memory_space<vmem>>)
    %dma_start3A_137 = arith.constant 1 : i32
    %dma_start3A_138 = arith.constant 0 : i32
    %dma_start3A_139 = tpu.memref_slice %arg7[%dma_start3A_137, %dma_start3A_138] : memref<2x80xi32, #tpu.memory_space<vmem>> -> memref<1x80xi32, #tpu.memory_space<vmem>>
    %dma_start3A_140 = tpu.memref_squeeze %dma_start3A_139 : memref<1x80xi32, #tpu.memory_space<vmem>> -> memref<80xi32, #tpu.memory_space<vmem>>
    %dma_start3A_141 = arith.constant 0 : i32
    %dma_start3A_142 = arith.constant 0 : i32
    %dma_start3A_143 = tpu.memref_slice %arg12[%dma_start3A_141, %dma_start3A_142] : memref<10000x128xf32, #tpu.memory_space<vmem_shared>> -> memref<10000x128xf32, #tpu.memory_space<vmem_shared>>
    tpu.enqueue_indirect_dma source(%arg11 : memref<80x128xf32, #tpu.memory_space<vmem>>) target(%dma_start3A_143 : memref<10000x128xf32, #tpu.memory_space<vmem_shared>>) offsets(%dma_start3A_140 : memref<80xi32, #tpu.memory_space<vmem>>) semaphore(%arg20 : memref<!tpu.dma_semaphore, #tpu.memory_space<semaphore_mem>>) {add = true}
    %scan3A = arith.constant 0 : i32
    %scan3A_144 = arith.constant 0 : i32
    %scan3A_145 = arith.constant 30 : i32
    %scan3A_146 = arith.addi %scan3A_144, %scan3A_145 : i32
    %scan3A_147 = arith.constant 1 : i32
    scf.for %scan3A_257 = %scan3A_144 to %scan3A_146 step %scan3A_147  : i32 {
      %mul3A_258 = arith.constant 4 : i32
      %mul3A_259 = arith.muli %scan3A_257, %mul3A_258 : i32
      %add3A_260 = arith.constant 2 : i32
      %add3A_261 = arith.addi %mul3A_259, %add3A_260 : i32
      %dma_wait3A_262 = arith.constant 1 : i32
      %dma_wait3A_263 = arith.constant 0 : i32
      %dma_wait3A_264 = tpu.memref_slice %arg6[%dma_wait3A_262, %dma_wait3A_263] : memref<2x80xi32, #tpu.memory_space<vmem>> -> memref<1x80xi32, #tpu.memory_space<vmem>>
      %dma_wait3A_265 = tpu.memref_squeeze %dma_wait3A_264 : memref<1x80xi32, #tpu.memory_space<vmem>> -> memref<80xi32, #tpu.memory_space<vmem>>
      %dma_wait3A_266 = arith.constant 0 : i32
      %dma_wait3A_267 = arith.constant 0 : i32
      %dma_wait3A_268 = tpu.memref_slice %arg12[%dma_wait3A_266, %dma_wait3A_267] : memref<10000x128xf32, #tpu.memory_space<vmem_shared>> -> memref<10000x128xf32, #tpu.memory_space<vmem_shared>>
      tpu.wait_indirect_dma semaphore(%arg20 : memref<!tpu.dma_semaphore, #tpu.memory_space<semaphore_mem>>) src(%arg11 : memref<80x128xf32, #tpu.memory_space<vmem>>) dst(%dma_wait3A_268 : memref<10000x128xf32, #tpu.memory_space<vmem_shared>>)
      %add3A_269 = arith.constant 3 : i32
      %add3A_270 = arith.addi %add3A_261, %add3A_269 : i32
      %dma_start3A_271 = arith.constant 0 : i32
      %dma_start3A_272 = arith.constant 0 : i32
      %dma_start3A_273 = tpu.memref_slice %arg3[%add3A, %add3A_270, %dma_start3A_271, %dma_start3A_272] : memref<32x128x2x80xi32, #tpu.memory_space<hbm>> -> memref<1x1x2x80xi32, #tpu.memory_space<hbm>>
      %dma_start3A_274 = tpu.memref_squeeze %dma_start3A_273 : memref<1x1x2x80xi32, #tpu.memory_space<hbm>> -> memref<2x80xi32, #tpu.memory_space<hbm>>
      %dma_start3A_275 = arith.constant 0 : i32
      %dma_start3A_276 = arith.constant 0 : i32
      %dma_start3A_277 = tpu.memref_slice %arg3[%add3A, %add3A_270, %dma_start3A_275, %dma_start3A_276] : memref<32x128x2x80xi32, #tpu.memory_space<hbm>> -> memref<1x1x2x80xi32, #tpu.memory_space<hbm>>
      %dma_start3A_278 = tpu.memref_squeeze %dma_start3A_277 : memref<1x1x2x80xi32, #tpu.memory_space<hbm>> -> memref<2x80xi32, #tpu.memory_space<hbm>>
      tpu.enqueue_dma source(%dma_start3A_278 : memref<2x80xi32, #tpu.memory_space<hbm>>) target(%arg7 : memref<2x80xi32, #tpu.memory_space<vmem>>) target_semaphore(%arg14 : memref<!tpu.dma_semaphore, #tpu.memory_space<semaphore_mem>>)
      %dma_wait3A_279 = arith.constant 0 : i32
      %dma_wait3A_280 = arith.constant 0 : i32
      %dma_wait3A_281 = arith.constant 0 : i32
      %dma_wait3A_282 = tpu.memref_slice %arg3[%add3A, %dma_wait3A_279, %dma_wait3A_280, %dma_wait3A_281] : memref<32x128x2x80xi32, #tpu.memory_space<hbm>> -> memref<1x1x2x80xi32, #tpu.memory_space<hbm>>
      %dma_wait3A_283 = tpu.memref_squeeze %dma_wait3A_282 : memref<1x1x2x80xi32, #tpu.memory_space<hbm>> -> memref<2x80xi32, #tpu.memory_space<hbm>>
      %dma_wait3A_284 = arith.constant 0 : i32
      %dma_wait3A_285 = arith.constant 0 : i32
      %dma_wait3A_286 = tpu.memref_slice %arg3[%add3A, %dma_wait3A_279, %dma_wait3A_284, %dma_wait3A_285] : memref<32x128x2x80xi32, #tpu.memory_space<hbm>> -> memref<1x1x2x80xi32, #tpu.memory_space<hbm>>
      %dma_wait3A_287 = tpu.memref_squeeze %dma_wait3A_286 : memref<1x1x2x80xi32, #tpu.memory_space<hbm>> -> memref<2x80xi32, #tpu.memory_space<hbm>>
      tpu.wait_dma2 semaphore(%arg16 : memref<!tpu.dma_semaphore, #tpu.memory_space<semaphore_mem>>) src(%dma_wait3A_287 : memref<2x80xi32, #tpu.memory_space<hbm>>) dst(%arg9 : memref<2x80xi32, #tpu.memory_space<vmem>>)
      %dma_start3A_288 = arith.constant 0 : i32
      %dma_start3A_289 = arith.constant 0 : i32
      %dma_start3A_290 = tpu.memref_slice %arg9[%dma_start3A_288, %dma_start3A_289] : memref<2x80xi32, #tpu.memory_space<vmem>> -> memref<1x80xi32, #tpu.memory_space<vmem>>
      %dma_start3A_291 = tpu.memref_squeeze %dma_start3A_290 : memref<1x80xi32, #tpu.memory_space<vmem>> -> memref<80xi32, #tpu.memory_space<vmem>>
      %dma_start3A_292 = arith.constant 0 : i32
      %dma_start3A_293 = arith.constant 0 : i32
      %dma_start3A_294 = tpu.memref_slice %arg2[%dma_start3A_292, %dma_start3A_293] : memref<10000x128xf32, #tpu.memory_space<hbm>> -> memref<10000x128xf32, #tpu.memory_space<hbm>>
      tpu.enqueue_indirect_dma source(%dma_start3A_294 : memref<10000x128xf32, #tpu.memory_space<hbm>>) target(%arg11 : memref<80x128xf32, #tpu.memory_space<vmem>>) offsets(%dma_start3A_291 : memref<80xi32, #tpu.memory_space<vmem>>) semaphore(%arg18 : memref<!tpu.dma_semaphore, #tpu.memory_space<semaphore_mem>>)
      %dma_wait3A_295 = arith.constant 0 : i32
      %dma_wait3A_296 = arith.constant 0 : i32
      %dma_wait3A_297 = tpu.memref_slice %arg6[%dma_wait3A_295, %dma_wait3A_296] : memref<2x80xi32, #tpu.memory_space<vmem>> -> memref<1x80xi32, #tpu.memory_space<vmem>>
      %dma_wait3A_298 = tpu.memref_squeeze %dma_wait3A_297 : memref<1x80xi32, #tpu.memory_space<vmem>> -> memref<80xi32, #tpu.memory_space<vmem>>
      %dma_wait3A_299 = arith.constant 0 : i32
      %dma_wait3A_300 = arith.constant 0 : i32
      %dma_wait3A_301 = tpu.memref_slice %arg2[%dma_wait3A_299, %dma_wait3A_300] : memref<10000x128xf32, #tpu.memory_space<hbm>> -> memref<10000x128xf32, #tpu.memory_space<hbm>>
      tpu.wait_indirect_dma semaphore(%arg17 : memref<!tpu.dma_semaphore, #tpu.memory_space<semaphore_mem>>) src(%dma_wait3A_301 : memref<10000x128xf32, #tpu.memory_space<hbm>>) dst(%arg10 : memref<80x128xf32, #tpu.memory_space<vmem>>)
      %dma_start3A_302 = arith.constant 1 : i32
      %dma_start3A_303 = arith.constant 0 : i32
      %dma_start3A_304 = tpu.memref_slice %arg8[%dma_start3A_302, %dma_start3A_303] : memref<2x80xi32, #tpu.memory_space<vmem>> -> memref<1x80xi32, #tpu.memory_space<vmem>>
      %dma_start3A_305 = tpu.memref_squeeze %dma_start3A_304 : memref<1x80xi32, #tpu.memory_space<vmem>> -> memref<80xi32, #tpu.memory_space<vmem>>
      %dma_start3A_306 = arith.constant 0 : i32
      %dma_start3A_307 = arith.constant 0 : i32
      %dma_start3A_308 = tpu.memref_slice %arg12[%dma_start3A_306, %dma_start3A_307] : memref<10000x128xf32, #tpu.memory_space<vmem_shared>> -> memref<10000x128xf32, #tpu.memory_space<vmem_shared>>
      tpu.enqueue_indirect_dma source(%arg10 : memref<80x128xf32, #tpu.memory_space<vmem>>) target(%dma_start3A_308 : memref<10000x128xf32, #tpu.memory_space<vmem_shared>>) offsets(%dma_start3A_305 : memref<80xi32, #tpu.memory_space<vmem>>) semaphore(%arg19 : memref<!tpu.dma_semaphore, #tpu.memory_space<semaphore_mem>>) {add = true}
      %add3A_309 = arith.constant 1 : i32
      %add3A_310 = arith.addi %add3A_261, %add3A_309 : i32
      %dma_wait3A_311 = arith.constant 1 : i32
      %dma_wait3A_312 = arith.constant 0 : i32
      %dma_wait3A_313 = tpu.memref_slice %arg6[%dma_wait3A_311, %dma_wait3A_312] : memref<2x80xi32, #tpu.memory_space<vmem>> -> memref<1x80xi32, #tpu.memory_space<vmem>>
      %dma_wait3A_314 = tpu.memref_squeeze %dma_wait3A_313 : memref<1x80xi32, #tpu.memory_space<vmem>> -> memref<80xi32, #tpu.memory_space<vmem>>
      %dma_wait3A_315 = arith.constant 0 : i32
      %dma_wait3A_316 = arith.constant 0 : i32
      %dma_wait3A_317 = tpu.memref_slice %arg12[%dma_wait3A_315, %dma_wait3A_316] : memref<10000x128xf32, #tpu.memory_space<vmem_shared>> -> memref<10000x128xf32, #tpu.memory_space<vmem_shared>>
      tpu.wait_indirect_dma semaphore(%arg19 : memref<!tpu.dma_semaphore, #tpu.memory_space<semaphore_mem>>) src(%arg10 : memref<80x128xf32, #tpu.memory_space<vmem>>) dst(%dma_wait3A_317 : memref<10000x128xf32, #tpu.memory_space<vmem_shared>>)
      %add3A_318 = arith.constant 3 : i32
      %add3A_319 = arith.addi %add3A_310, %add3A_318 : i32
      %dma_start3A_320 = arith.constant 0 : i32
      %dma_start3A_321 = arith.constant 0 : i32
      %dma_start3A_322 = tpu.memref_slice %arg3[%add3A, %add3A_319, %dma_start3A_320, %dma_start3A_321] : memref<32x128x2x80xi32, #tpu.memory_space<hbm>> -> memref<1x1x2x80xi32, #tpu.memory_space<hbm>>
      %dma_start3A_323 = tpu.memref_squeeze %dma_start3A_322 : memref<1x1x2x80xi32, #tpu.memory_space<hbm>> -> memref<2x80xi32, #tpu.memory_space<hbm>>
      %dma_start3A_324 = arith.constant 0 : i32
      %dma_start3A_325 = arith.constant 0 : i32
      %dma_start3A_326 = tpu.memref_slice %arg3[%add3A, %add3A_319, %dma_start3A_324, %dma_start3A_325] : memref<32x128x2x80xi32, #tpu.memory_space<hbm>> -> memref<1x1x2x80xi32, #tpu.memory_space<hbm>>
      %dma_start3A_327 = tpu.memref_squeeze %dma_start3A_326 : memref<1x1x2x80xi32, #tpu.memory_space<hbm>> -> memref<2x80xi32, #tpu.memory_space<hbm>>
      tpu.enqueue_dma source(%dma_start3A_327 : memref<2x80xi32, #tpu.memory_space<hbm>>) target(%arg8 : memref<2x80xi32, #tpu.memory_space<vmem>>) target_semaphore(%arg15 : memref<!tpu.dma_semaphore, #tpu.memory_space<semaphore_mem>>)
      %dma_wait3A_328 = arith.constant 0 : i32
      %dma_wait3A_329 = arith.constant 0 : i32
      %dma_wait3A_330 = arith.constant 0 : i32
      %dma_wait3A_331 = tpu.memref_slice %arg3[%add3A, %dma_wait3A_328, %dma_wait3A_329, %dma_wait3A_330] : memref<32x128x2x80xi32, #tpu.memory_space<hbm>> -> memref<1x1x2x80xi32, #tpu.memory_space<hbm>>
      %dma_wait3A_332 = tpu.memref_squeeze %dma_wait3A_331 : memref<1x1x2x80xi32, #tpu.memory_space<hbm>> -> memref<2x80xi32, #tpu.memory_space<hbm>>
      %dma_wait3A_333 = arith.constant 0 : i32
      %dma_wait3A_334 = arith.constant 0 : i32
      %dma_wait3A_335 = tpu.memref_slice %arg3[%add3A, %dma_wait3A_328, %dma_wait3A_333, %dma_wait3A_334] : memref<32x128x2x80xi32, #tpu.memory_space<hbm>> -> memref<1x1x2x80xi32, #tpu.memory_space<hbm>>
      %dma_wait3A_336 = tpu.memref_squeeze %dma_wait3A_335 : memref<1x1x2x80xi32, #tpu.memory_space<hbm>> -> memref<2x80xi32, #tpu.memory_space<hbm>>
      tpu.wait_dma2 semaphore(%arg13 : memref<!tpu.dma_semaphore, #tpu.memory_space<semaphore_mem>>) src(%dma_wait3A_336 : memref<2x80xi32, #tpu.memory_space<hbm>>) dst(%arg6 : memref<2x80xi32, #tpu.memory_space<vmem>>)
      %dma_start3A_337 = arith.constant 0 : i32
      %dma_start3A_338 = arith.constant 0 : i32
      %dma_start3A_339 = tpu.memref_slice %arg6[%dma_start3A_337, %dma_start3A_338] : memref<2x80xi32, #tpu.memory_space<vmem>> -> memref<1x80xi32, #tpu.memory_space<vmem>>
      %dma_start3A_340 = tpu.memref_squeeze %dma_start3A_339 : memref<1x80xi32, #tpu.memory_space<vmem>> -> memref<80xi32, #tpu.memory_space<vmem>>
      %dma_start3A_341 = arith.constant 0 : i32
      %dma_start3A_342 = arith.constant 0 : i32
      %dma_start3A_343 = tpu.memref_slice %arg2[%dma_start3A_341, %dma_start3A_342] : memref<10000x128xf32, #tpu.memory_space<hbm>> -> memref<10000x128xf32, #tpu.memory_space<hbm>>
      tpu.enqueue_indirect_dma source(%dma_start3A_343 : memref<10000x128xf32, #tpu.memory_space<hbm>>) target(%arg10 : memref<80x128xf32, #tpu.memory_space<vmem>>) offsets(%dma_start3A_340 : memref<80xi32, #tpu.memory_space<vmem>>) semaphore(%arg17 : memref<!tpu.dma_semaphore, #tpu.memory_space<semaphore_mem>>)
      %dma_wait3A_344 = arith.constant 0 : i32
      %dma_wait3A_345 = arith.constant 0 : i32
      %dma_wait3A_346 = tpu.memref_slice %arg6[%dma_wait3A_344, %dma_wait3A_345] : memref<2x80xi32, #tpu.memory_space<vmem>> -> memref<1x80xi32, #tpu.memory_space<vmem>>
      %dma_wait3A_347 = tpu.memref_squeeze %dma_wait3A_346 : memref<1x80xi32, #tpu.memory_space<vmem>> -> memref<80xi32, #tpu.memory_space<vmem>>
      %dma_wait3A_348 = arith.constant 0 : i32
      %dma_wait3A_349 = arith.constant 0 : i32
      %dma_wait3A_350 = tpu.memref_slice %arg2[%dma_wait3A_348, %dma_wait3A_349] : memref<10000x128xf32, #tpu.memory_space<hbm>> -> memref<10000x128xf32, #tpu.memory_space<hbm>>
      tpu.wait_indirect_dma semaphore(%arg18 : memref<!tpu.dma_semaphore, #tpu.memory_space<semaphore_mem>>) src(%dma_wait3A_350 : memref<10000x128xf32, #tpu.memory_space<hbm>>) dst(%arg11 : memref<80x128xf32, #tpu.memory_space<vmem>>)
      %dma_start3A_351 = arith.constant 1 : i32
      %dma_start3A_352 = arith.constant 0 : i32
      %dma_start3A_353 = tpu.memref_slice %arg9[%dma_start3A_351, %dma_start3A_352] : memref<2x80xi32, #tpu.memory_space<vmem>> -> memref<1x80xi32, #tpu.memory_space<vmem>>
      %dma_start3A_354 = tpu.memref_squeeze %dma_start3A_353 : memref<1x80xi32, #tpu.memory_space<vmem>> -> memref<80xi32, #tpu.memory_space<vmem>>
      %dma_start3A_355 = arith.constant 0 : i32
      %dma_start3A_356 = arith.constant 0 : i32
      %dma_start3A_357 = tpu.memref_slice %arg12[%dma_start3A_355, %dma_start3A_356] : memref<10000x128xf32, #tpu.memory_space<vmem_shared>> -> memref<10000x128xf32, #tpu.memory_space<vmem_shared>>
      tpu.enqueue_indirect_dma source(%arg11 : memref<80x128xf32, #tpu.memory_space<vmem>>) target(%dma_start3A_357 : memref<10000x128xf32, #tpu.memory_space<vmem_shared>>) offsets(%dma_start3A_354 : memref<80xi32, #tpu.memory_space<vmem>>) semaphore(%arg20 : memref<!tpu.dma_semaphore, #tpu.memory_space<semaphore_mem>>) {add = true}
      %add3A_358 = arith.constant 2 : i32
      %add3A_359 = arith.addi %add3A_261, %add3A_358 : i32
      %dma_wait3A_360 = arith.constant 1 : i32
      %dma_wait3A_361 = arith.constant 0 : i32
      %dma_wait3A_362 = tpu.memref_slice %arg6[%dma_wait3A_360, %dma_wait3A_361] : memref<2x80xi32, #tpu.memory_space<vmem>> -> memref<1x80xi32, #tpu.memory_space<vmem>>
      %dma_wait3A_363 = tpu.memref_squeeze %dma_wait3A_362 : memref<1x80xi32, #tpu.memory_space<vmem>> -> memref<80xi32, #tpu.memory_space<vmem>>
      %dma_wait3A_364 = arith.constant 0 : i32
      %dma_wait3A_365 = arith.constant 0 : i32
      %dma_wait3A_366 = tpu.memref_slice %arg12[%dma_wait3A_364, %dma_wait3A_365] : memref<10000x128xf32, #tpu.memory_space<vmem_shared>> -> memref<10000x128xf32, #tpu.memory_space<vmem_shared>>
      tpu.wait_indirect_dma semaphore(%arg20 : memref<!tpu.dma_semaphore, #tpu.memory_space<semaphore_mem>>) src(%arg11 : memref<80x128xf32, #tpu.memory_space<vmem>>) dst(%dma_wait3A_366 : memref<10000x128xf32, #tpu.memory_space<vmem_shared>>)
      %add3A_367 = arith.constant 3 : i32
      %add3A_368 = arith.addi %add3A_359, %add3A_367 : i32
      %dma_start3A_369 = arith.constant 0 : i32
      %dma_start3A_370 = arith.constant 0 : i32
      %dma_start3A_371 = tpu.memref_slice %arg3[%add3A, %add3A_368, %dma_start3A_369, %dma_start3A_370] : memref<32x128x2x80xi32, #tpu.memory_space<hbm>> -> memref<1x1x2x80xi32, #tpu.memory_space<hbm>>
      %dma_start3A_372 = tpu.memref_squeeze %dma_start3A_371 : memref<1x1x2x80xi32, #tpu.memory_space<hbm>> -> memref<2x80xi32, #tpu.memory_space<hbm>>
      %dma_start3A_373 = arith.constant 0 : i32
      %dma_start3A_374 = arith.constant 0 : i32
      %dma_start3A_375 = tpu.memref_slice %arg3[%add3A, %add3A_368, %dma_start3A_373, %dma_start3A_374] : memref<32x128x2x80xi32, #tpu.memory_space<hbm>> -> memref<1x1x2x80xi32, #tpu.memory_space<hbm>>
      %dma_start3A_376 = tpu.memref_squeeze %dma_start3A_375 : memref<1x1x2x80xi32, #tpu.memory_space<hbm>> -> memref<2x80xi32, #tpu.memory_space<hbm>>
      tpu.enqueue_dma source(%dma_start3A_376 : memref<2x80xi32, #tpu.memory_space<hbm>>) target(%arg9 : memref<2x80xi32, #tpu.memory_space<vmem>>) target_semaphore(%arg16 : memref<!tpu.dma_semaphore, #tpu.memory_space<semaphore_mem>>)
      %dma_wait3A_377 = arith.constant 0 : i32
      %dma_wait3A_378 = arith.constant 0 : i32
      %dma_wait3A_379 = arith.constant 0 : i32
      %dma_wait3A_380 = tpu.memref_slice %arg3[%add3A, %dma_wait3A_377, %dma_wait3A_378, %dma_wait3A_379] : memref<32x128x2x80xi32, #tpu.memory_space<hbm>> -> memref<1x1x2x80xi32, #tpu.memory_space<hbm>>
      %dma_wait3A_381 = tpu.memref_squeeze %dma_wait3A_380 : memref<1x1x2x80xi32, #tpu.memory_space<hbm>> -> memref<2x80xi32, #tpu.memory_space<hbm>>
      %dma_wait3A_382 = arith.constant 0 : i32
      %dma_wait3A_383 = arith.constant 0 : i32
      %dma_wait3A_384 = tpu.memref_slice %arg3[%add3A, %dma_wait3A_377, %dma_wait3A_382, %dma_wait3A_383] : memref<32x128x2x80xi32, #tpu.memory_space<hbm>> -> memref<1x1x2x80xi32, #tpu.memory_space<hbm>>
      %dma_wait3A_385 = tpu.memref_squeeze %dma_wait3A_384 : memref<1x1x2x80xi32, #tpu.memory_space<hbm>> -> memref<2x80xi32, #tpu.memory_space<hbm>>
      tpu.wait_dma2 semaphore(%arg14 : memref<!tpu.dma_semaphore, #tpu.memory_space<semaphore_mem>>) src(%dma_wait3A_385 : memref<2x80xi32, #tpu.memory_space<hbm>>) dst(%arg7 : memref<2x80xi32, #tpu.memory_space<vmem>>)
      %dma_start3A_386 = arith.constant 0 : i32
      %dma_start3A_387 = arith.constant 0 : i32
      %dma_start3A_388 = tpu.memref_slice %arg7[%dma_start3A_386, %dma_start3A_387] : memref<2x80xi32, #tpu.memory_space<vmem>> -> memref<1x80xi32, #tpu.memory_space<vmem>>
      %dma_start3A_389 = tpu.memref_squeeze %dma_start3A_388 : memref<1x80xi32, #tpu.memory_space<vmem>> -> memref<80xi32, #tpu.memory_space<vmem>>
      %dma_start3A_390 = arith.constant 0 : i32
      %dma_start3A_391 = arith.constant 0 : i32
      %dma_start3A_392 = tpu.memref_slice %arg2[%dma_start3A_390, %dma_start3A_391] : memref<10000x128xf32, #tpu.memory_space<hbm>> -> memref<10000x128xf32, #tpu.memory_space<hbm>>
      tpu.enqueue_indirect_dma source(%dma_start3A_392 : memref<10000x128xf32, #tpu.memory_space<hbm>>) target(%arg11 : memref<80x128xf32, #tpu.memory_space<vmem>>) offsets(%dma_start3A_389 : memref<80xi32, #tpu.memory_space<vmem>>) semaphore(%arg18 : memref<!tpu.dma_semaphore, #tpu.memory_space<semaphore_mem>>)
      %dma_wait3A_393 = arith.constant 0 : i32
      %dma_wait3A_394 = arith.constant 0 : i32
      %dma_wait3A_395 = tpu.memref_slice %arg6[%dma_wait3A_393, %dma_wait3A_394] : memref<2x80xi32, #tpu.memory_space<vmem>> -> memref<1x80xi32, #tpu.memory_space<vmem>>
      %dma_wait3A_396 = tpu.memref_squeeze %dma_wait3A_395 : memref<1x80xi32, #tpu.memory_space<vmem>> -> memref<80xi32, #tpu.memory_space<vmem>>
      %dma_wait3A_397 = arith.constant 0 : i32
      %dma_wait3A_398 = arith.constant 0 : i32
      %dma_wait3A_399 = tpu.memref_slice %arg2[%dma_wait3A_397, %dma_wait3A_398] : memref<10000x128xf32, #tpu.memory_space<hbm>> -> memref<10000x128xf32, #tpu.memory_space<hbm>>
      tpu.wait_indirect_dma semaphore(%arg17 : memref<!tpu.dma_semaphore, #tpu.memory_space<semaphore_mem>>) src(%dma_wait3A_399 : memref<10000x128xf32, #tpu.memory_space<hbm>>) dst(%arg10 : memref<80x128xf32, #tpu.memory_space<vmem>>)
      %dma_start3A_400 = arith.constant 1 : i32
      %dma_start3A_401 = arith.constant 0 : i32
      %dma_start3A_402 = tpu.memref_slice %arg6[%dma_start3A_400, %dma_start3A_401] : memref<2x80xi32, #tpu.memory_space<vmem>> -> memref<1x80xi32, #tpu.memory_space<vmem>>
      %dma_start3A_403 = tpu.memref_squeeze %dma_start3A_402 : memref<1x80xi32, #tpu.memory_space<vmem>> -> memref<80xi32, #tpu.memory_space<vmem>>
      %dma_start3A_404 = arith.constant 0 : i32
      %dma_start3A_405 = arith.constant 0 : i32
      %dma_start3A_406 = tpu.memref_slice %arg12[%dma_start3A_404, %dma_start3A_405] : memref<10000x128xf32, #tpu.memory_space<vmem_shared>> -> memref<10000x128xf32, #tpu.memory_space<vmem_shared>>
      tpu.enqueue_indirect_dma source(%arg10 : memref<80x128xf32, #tpu.memory_space<vmem>>) target(%dma_start3A_406 : memref<10000x128xf32, #tpu.memory_space<vmem_shared>>) offsets(%dma_start3A_403 : memref<80xi32, #tpu.memory_space<vmem>>) semaphore(%arg19 : memref<!tpu.dma_semaphore, #tpu.memory_space<semaphore_mem>>) {add = true}
      %add3A_407 = arith.constant 3 : i32
      %add3A_408 = arith.addi %add3A_261, %add3A_407 : i32
      %dma_wait3A_409 = arith.constant 1 : i32
      %dma_wait3A_410 = arith.constant 0 : i32
      %dma_wait3A_411 = tpu.memref_slice %arg6[%dma_wait3A_409, %dma_wait3A_410] : memref<2x80xi32, #tpu.memory_space<vmem>> -> memref<1x80xi32, #tpu.memory_space<vmem>>
      %dma_wait3A_412 = tpu.memref_squeeze %dma_wait3A_411 : memref<1x80xi32, #tpu.memory_space<vmem>> -> memref<80xi32, #tpu.memory_space<vmem>>
      %dma_wait3A_413 = arith.constant 0 : i32
      %dma_wait3A_414 = arith.constant 0 : i32
      %dma_wait3A_415 = tpu.memref_slice %arg12[%dma_wait3A_413, %dma_wait3A_414] : memref<10000x128xf32, #tpu.memory_space<vmem_shared>> -> memref<10000x128xf32, #tpu.memory_space<vmem_shared>>
      tpu.wait_indirect_dma semaphore(%arg19 : memref<!tpu.dma_semaphore, #tpu.memory_space<semaphore_mem>>) src(%arg10 : memref<80x128xf32, #tpu.memory_space<vmem>>) dst(%dma_wait3A_415 : memref<10000x128xf32, #tpu.memory_space<vmem_shared>>)
      %add3A_416 = arith.constant 3 : i32
      %add3A_417 = arith.addi %add3A_408, %add3A_416 : i32
      %dma_start3A_418 = arith.constant 0 : i32
      %dma_start3A_419 = arith.constant 0 : i32
      %dma_start3A_420 = tpu.memref_slice %arg3[%add3A, %add3A_417, %dma_start3A_418, %dma_start3A_419] : memref<32x128x2x80xi32, #tpu.memory_space<hbm>> -> memref<1x1x2x80xi32, #tpu.memory_space<hbm>>
      %dma_start3A_421 = tpu.memref_squeeze %dma_start3A_420 : memref<1x1x2x80xi32, #tpu.memory_space<hbm>> -> memref<2x80xi32, #tpu.memory_space<hbm>>
      %dma_start3A_422 = arith.constant 0 : i32
      %dma_start3A_423 = arith.constant 0 : i32
      %dma_start3A_424 = tpu.memref_slice %arg3[%add3A, %add3A_417, %dma_start3A_422, %dma_start3A_423] : memref<32x128x2x80xi32, #tpu.memory_space<hbm>> -> memref<1x1x2x80xi32, #tpu.memory_space<hbm>>
      %dma_start3A_425 = tpu.memref_squeeze %dma_start3A_424 : memref<1x1x2x80xi32, #tpu.memory_space<hbm>> -> memref<2x80xi32, #tpu.memory_space<hbm>>
      tpu.enqueue_dma source(%dma_start3A_425 : memref<2x80xi32, #tpu.memory_space<hbm>>) target(%arg6 : memref<2x80xi32, #tpu.memory_space<vmem>>) target_semaphore(%arg13 : memref<!tpu.dma_semaphore, #tpu.memory_space<semaphore_mem>>)
      %dma_wait3A_426 = arith.constant 0 : i32
      %dma_wait3A_427 = arith.constant 0 : i32
      %dma_wait3A_428 = arith.constant 0 : i32
      %dma_wait3A_429 = tpu.memref_slice %arg3[%add3A, %dma_wait3A_426, %dma_wait3A_427, %dma_wait3A_428] : memref<32x128x2x80xi32, #tpu.memory_space<hbm>> -> memref<1x1x2x80xi32, #tpu.memory_space<hbm>>
      %dma_wait3A_430 = tpu.memref_squeeze %dma_wait3A_429 : memref<1x1x2x80xi32, #tpu.memory_space<hbm>> -> memref<2x80xi32, #tpu.memory_space<hbm>>
      %dma_wait3A_431 = arith.constant 0 : i32
      %dma_wait3A_432 = arith.constant 0 : i32
      %dma_wait3A_433 = tpu.memref_slice %arg3[%add3A, %dma_wait3A_426, %dma_wait3A_431, %dma_wait3A_432] : memref<32x128x2x80xi32, #tpu.memory_space<hbm>> -> memref<1x1x2x80xi32, #tpu.memory_space<hbm>>
      %dma_wait3A_434 = tpu.memref_squeeze %dma_wait3A_433 : memref<1x1x2x80xi32, #tpu.memory_space<hbm>> -> memref<2x80xi32, #tpu.memory_space<hbm>>
      tpu.wait_dma2 semaphore(%arg15 : memref<!tpu.dma_semaphore, #tpu.memory_space<semaphore_mem>>) src(%dma_wait3A_434 : memref<2x80xi32, #tpu.memory_space<hbm>>) dst(%arg8 : memref<2x80xi32, #tpu.memory_space<vmem>>)
      %dma_start3A_435 = arith.constant 0 : i32
      %dma_start3A_436 = arith.constant 0 : i32
      %dma_start3A_437 = tpu.memref_slice %arg8[%dma_start3A_435, %dma_start3A_436] : memref<2x80xi32, #tpu.memory_space<vmem>> -> memref<1x80xi32, #tpu.memory_space<vmem>>
      %dma_start3A_438 = tpu.memref_squeeze %dma_start3A_437 : memref<1x80xi32, #tpu.memory_space<vmem>> -> memref<80xi32, #tpu.memory_space<vmem>>
      %dma_start3A_439 = arith.constant 0 : i32
      %dma_start3A_440 = arith.constant 0 : i32
      %dma_start3A_441 = tpu.memref_slice %arg2[%dma_start3A_439, %dma_start3A_440] : memref<10000x128xf32, #tpu.memory_space<hbm>> -> memref<10000x128xf32, #tpu.memory_space<hbm>>
      tpu.enqueue_indirect_dma source(%dma_start3A_441 : memref<10000x128xf32, #tpu.memory_space<hbm>>) target(%arg10 : memref<80x128xf32, #tpu.memory_space<vmem>>) offsets(%dma_start3A_438 : memref<80xi32, #tpu.memory_space<vmem>>) semaphore(%arg17 : memref<!tpu.dma_semaphore, #tpu.memory_space<semaphore_mem>>)
      %dma_wait3A_442 = arith.constant 0 : i32
      %dma_wait3A_443 = arith.constant 0 : i32
      %dma_wait3A_444 = tpu.memref_slice %arg6[%dma_wait3A_442, %dma_wait3A_443] : memref<2x80xi32, #tpu.memory_space<vmem>> -> memref<1x80xi32, #tpu.memory_space<vmem>>
      %dma_wait3A_445 = tpu.memref_squeeze %dma_wait3A_444 : memref<1x80xi32, #tpu.memory_space<vmem>> -> memref<80xi32, #tpu.memory_space<vmem>>
      %dma_wait3A_446 = arith.constant 0 : i32
      %dma_wait3A_447 = arith.constant 0 : i32
      %dma_wait3A_448 = tpu.memref_slice %arg2[%dma_wait3A_446, %dma_wait3A_447] : memref<10000x128xf32, #tpu.memory_space<hbm>> -> memref<10000x128xf32, #tpu.memory_space<hbm>>
      tpu.wait_indirect_dma semaphore(%arg18 : memref<!tpu.dma_semaphore, #tpu.memory_space<semaphore_mem>>) src(%dma_wait3A_448 : memref<10000x128xf32, #tpu.memory_space<hbm>>) dst(%arg11 : memref<80x128xf32, #tpu.memory_space<vmem>>)
      %dma_start3A_449 = arith.constant 1 : i32
      %dma_start3A_450 = arith.constant 0 : i32
      %dma_start3A_451 = tpu.memref_slice %arg7[%dma_start3A_449, %dma_start3A_450] : memref<2x80xi32, #tpu.memory_space<vmem>> -> memref<1x80xi32, #tpu.memory_space<vmem>>
      %dma_start3A_452 = tpu.memref_squeeze %dma_start3A_451 : memref<1x80xi32, #tpu.memory_space<vmem>> -> memref<80xi32, #tpu.memory_space<vmem>>
      %dma_start3A_453 = arith.constant 0 : i32
      %dma_start3A_454 = arith.constant 0 : i32
      %dma_start3A_455 = tpu.memref_slice %arg12[%dma_start3A_453, %dma_start3A_454] : memref<10000x128xf32, #tpu.memory_space<vmem_shared>> -> memref<10000x128xf32, #tpu.memory_space<vmem_shared>>
      tpu.enqueue_indirect_dma source(%arg11 : memref<80x128xf32, #tpu.memory_space<vmem>>) target(%dma_start3A_455 : memref<10000x128xf32, #tpu.memory_space<vmem_shared>>) offsets(%dma_start3A_452 : memref<80xi32, #tpu.memory_space<vmem>>) semaphore(%arg20 : memref<!tpu.dma_semaphore, #tpu.memory_space<semaphore_mem>>) {add = true}
    }
    %scan3A_148 = arith.constant 30 : i32
    %dma_wait3A_149 = arith.constant 1 : i32
    %dma_wait3A_150 = arith.constant 0 : i32
    %dma_wait3A_151 = tpu.memref_slice %arg6[%dma_wait3A_149, %dma_wait3A_150] : memref<2x80xi32, #tpu.memory_space<vmem>> -> memref<1x80xi32, #tpu.memory_space<vmem>>
    %dma_wait3A_152 = tpu.memref_squeeze %dma_wait3A_151 : memref<1x80xi32, #tpu.memory_space<vmem>> -> memref<80xi32, #tpu.memory_space<vmem>>
    %dma_wait3A_153 = arith.constant 0 : i32
    %dma_wait3A_154 = arith.constant 0 : i32
    %dma_wait3A_155 = tpu.memref_slice %arg12[%dma_wait3A_153, %dma_wait3A_154] : memref<10000x128xf32, #tpu.memory_space<vmem_shared>> -> memref<10000x128xf32, #tpu.memory_space<vmem_shared>>
    tpu.wait_indirect_dma semaphore(%arg20 : memref<!tpu.dma_semaphore, #tpu.memory_space<semaphore_mem>>) src(%arg11 : memref<80x128xf32, #tpu.memory_space<vmem>>) dst(%dma_wait3A_155 : memref<10000x128xf32, #tpu.memory_space<vmem_shared>>)
    %dma_wait3A_156 = arith.constant 0 : i32
    %dma_wait3A_157 = arith.constant 0 : i32
    %dma_wait3A_158 = arith.constant 0 : i32
    %dma_wait3A_159 = tpu.memref_slice %arg3[%add3A, %dma_wait3A_156, %dma_wait3A_157, %dma_wait3A_158] : memref<32x128x2x80xi32, #tpu.memory_space<hbm>> -> memref<1x1x2x80xi32, #tpu.memory_space<hbm>>
    %dma_wait3A_160 = tpu.memref_squeeze %dma_wait3A_159 : memref<1x1x2x80xi32, #tpu.memory_space<hbm>> -> memref<2x80xi32, #tpu.memory_space<hbm>>
    %dma_wait3A_161 = arith.constant 0 : i32
    %dma_wait3A_162 = arith.constant 0 : i32
    %dma_wait3A_163 = tpu.memref_slice %arg3[%add3A, %dma_wait3A_156, %dma_wait3A_161, %dma_wait3A_162] : memref<32x128x2x80xi32, #tpu.memory_space<hbm>> -> memref<1x1x2x80xi32, #tpu.memory_space<hbm>>
    %dma_wait3A_164 = tpu.memref_squeeze %dma_wait3A_163 : memref<1x1x2x80xi32, #tpu.memory_space<hbm>> -> memref<2x80xi32, #tpu.memory_space<hbm>>
    tpu.wait_dma2 semaphore(%arg16 : memref<!tpu.dma_semaphore, #tpu.memory_space<semaphore_mem>>) src(%dma_wait3A_164 : memref<2x80xi32, #tpu.memory_space<hbm>>) dst(%arg9 : memref<2x80xi32, #tpu.memory_space<vmem>>)
    %dma_start3A_165 = arith.constant 0 : i32
    %dma_start3A_166 = arith.constant 0 : i32
    %dma_start3A_167 = tpu.memref_slice %arg9[%dma_start3A_165, %dma_start3A_166] : memref<2x80xi32, #tpu.memory_space<vmem>> -> memref<1x80xi32, #tpu.memory_space<vmem>>
    %dma_start3A_168 = tpu.memref_squeeze %dma_start3A_167 : memref<1x80xi32, #tpu.memory_space<vmem>> -> memref<80xi32, #tpu.memory_space<vmem>>
    %dma_start3A_169 = arith.constant 0 : i32
    %dma_start3A_170 = arith.constant 0 : i32
    %dma_start3A_171 = tpu.memref_slice %arg2[%dma_start3A_169, %dma_start3A_170] : memref<10000x128xf32, #tpu.memory_space<hbm>> -> memref<10000x128xf32, #tpu.memory_space<hbm>>
    tpu.enqueue_indirect_dma source(%dma_start3A_171 : memref<10000x128xf32, #tpu.memory_space<hbm>>) target(%arg11 : memref<80x128xf32, #tpu.memory_space<vmem>>) offsets(%dma_start3A_168 : memref<80xi32, #tpu.memory_space<vmem>>) semaphore(%arg18 : memref<!tpu.dma_semaphore, #tpu.memory_space<semaphore_mem>>)
    %dma_wait3A_172 = arith.constant 0 : i32
    %dma_wait3A_173 = arith.constant 0 : i32
    %dma_wait3A_174 = tpu.memref_slice %arg6[%dma_wait3A_172, %dma_wait3A_173] : memref<2x80xi32, #tpu.memory_space<vmem>> -> memref<1x80xi32, #tpu.memory_space<vmem>>
    %dma_wait3A_175 = tpu.memref_squeeze %dma_wait3A_174 : memref<1x80xi32, #tpu.memory_space<vmem>> -> memref<80xi32, #tpu.memory_space<vmem>>
    %dma_wait3A_176 = arith.constant 0 : i32
    %dma_wait3A_177 = arith.constant 0 : i32
    %dma_wait3A_178 = tpu.memref_slice %arg2[%dma_wait3A_176, %dma_wait3A_177] : memref<10000x128xf32, #tpu.memory_space<hbm>> -> memref<10000x128xf32, #tpu.memory_space<hbm>>
    tpu.wait_indirect_dma semaphore(%arg17 : memref<!tpu.dma_semaphore, #tpu.memory_space<semaphore_mem>>) src(%dma_wait3A_178 : memref<10000x128xf32, #tpu.memory_space<hbm>>) dst(%arg10 : memref<80x128xf32, #tpu.memory_space<vmem>>)
    %dma_start3A_179 = arith.constant 1 : i32
    %dma_start3A_180 = arith.constant 0 : i32
    %dma_start3A_181 = tpu.memref_slice %arg8[%dma_start3A_179, %dma_start3A_180] : memref<2x80xi32, #tpu.memory_space<vmem>> -> memref<1x80xi32, #tpu.memory_space<vmem>>
    %dma_start3A_182 = tpu.memref_squeeze %dma_start3A_181 : memref<1x80xi32, #tpu.memory_space<vmem>> -> memref<80xi32, #tpu.memory_space<vmem>>
    %dma_start3A_183 = arith.constant 0 : i32
    %dma_start3A_184 = arith.constant 0 : i32
    %dma_start3A_185 = tpu.memref_slice %arg12[%dma_start3A_183, %dma_start3A_184] : memref<10000x128xf32, #tpu.memory_space<vmem_shared>> -> memref<10000x128xf32, #tpu.memory_space<vmem_shared>>
    tpu.enqueue_indirect_dma source(%arg10 : memref<80x128xf32, #tpu.memory_space<vmem>>) target(%dma_start3A_185 : memref<10000x128xf32, #tpu.memory_space<vmem_shared>>) offsets(%dma_start3A_182 : memref<80xi32, #tpu.memory_space<vmem>>) semaphore(%arg19 : memref<!tpu.dma_semaphore, #tpu.memory_space<semaphore_mem>>) {add = true}
    %dma_wait3A_186 = arith.constant 1 : i32
    %dma_wait3A_187 = arith.constant 0 : i32
    %dma_wait3A_188 = tpu.memref_slice %arg6[%dma_wait3A_186, %dma_wait3A_187] : memref<2x80xi32, #tpu.memory_space<vmem>> -> memref<1x80xi32, #tpu.memory_space<vmem>>
    %dma_wait3A_189 = tpu.memref_squeeze %dma_wait3A_188 : memref<1x80xi32, #tpu.memory_space<vmem>> -> memref<80xi32, #tpu.memory_space<vmem>>
    %dma_wait3A_190 = arith.constant 0 : i32
    %dma_wait3A_191 = arith.constant 0 : i32
    %dma_wait3A_192 = tpu.memref_slice %arg12[%dma_wait3A_190, %dma_wait3A_191] : memref<10000x128xf32, #tpu.memory_space<vmem_shared>> -> memref<10000x128xf32, #tpu.memory_space<vmem_shared>>
    tpu.wait_indirect_dma semaphore(%arg19 : memref<!tpu.dma_semaphore, #tpu.memory_space<semaphore_mem>>) src(%arg10 : memref<80x128xf32, #tpu.memory_space<vmem>>) dst(%dma_wait3A_192 : memref<10000x128xf32, #tpu.memory_space<vmem_shared>>)
    %dma_wait3A_193 = arith.constant 0 : i32
    %dma_wait3A_194 = arith.constant 0 : i32
    %dma_wait3A_195 = arith.constant 0 : i32
    %dma_wait3A_196 = tpu.memref_slice %arg3[%add3A, %dma_wait3A_193, %dma_wait3A_194, %dma_wait3A_195] : memref<32x128x2x80xi32, #tpu.memory_space<hbm>> -> memref<1x1x2x80xi32, #tpu.memory_space<hbm>>
    %dma_wait3A_197 = tpu.memref_squeeze %dma_wait3A_196 : memref<1x1x2x80xi32, #tpu.memory_space<hbm>> -> memref<2x80xi32, #tpu.memory_space<hbm>>
    %dma_wait3A_198 = arith.constant 0 : i32
    %dma_wait3A_199 = arith.constant 0 : i32
    %dma_wait3A_200 = tpu.memref_slice %arg3[%add3A, %dma_wait3A_193, %dma_wait3A_198, %dma_wait3A_199] : memref<32x128x2x80xi32, #tpu.memory_space<hbm>> -> memref<1x1x2x80xi32, #tpu.memory_space<hbm>>
    %dma_wait3A_201 = tpu.memref_squeeze %dma_wait3A_200 : memref<1x1x2x80xi32, #tpu.memory_space<hbm>> -> memref<2x80xi32, #tpu.memory_space<hbm>>
    tpu.wait_dma2 semaphore(%arg13 : memref<!tpu.dma_semaphore, #tpu.memory_space<semaphore_mem>>) src(%dma_wait3A_201 : memref<2x80xi32, #tpu.memory_space<hbm>>) dst(%arg6 : memref<2x80xi32, #tpu.memory_space<vmem>>)
    %dma_start3A_202 = arith.constant 0 : i32
    %dma_start3A_203 = arith.constant 0 : i32
    %dma_start3A_204 = tpu.memref_slice %arg6[%dma_start3A_202, %dma_start3A_203] : memref<2x80xi32, #tpu.memory_space<vmem>> -> memref<1x80xi32, #tpu.memory_space<vmem>>
    %dma_start3A_205 = tpu.memref_squeeze %dma_start3A_204 : memref<1x80xi32, #tpu.memory_space<vmem>> -> memref<80xi32, #tpu.memory_space<vmem>>
    %dma_start3A_206 = arith.constant 0 : i32
    %dma_start3A_207 = arith.constant 0 : i32
    %dma_start3A_208 = tpu.memref_slice %arg2[%dma_start3A_206, %dma_start3A_207] : memref<10000x128xf32, #tpu.memory_space<hbm>> -> memref<10000x128xf32, #tpu.memory_space<hbm>>
    tpu.enqueue_indirect_dma source(%dma_start3A_208 : memref<10000x128xf32, #tpu.memory_space<hbm>>) target(%arg10 : memref<80x128xf32, #tpu.memory_space<vmem>>) offsets(%dma_start3A_205 : memref<80xi32, #tpu.memory_space<vmem>>) semaphore(%arg17 : memref<!tpu.dma_semaphore, #tpu.memory_space<semaphore_mem>>)
    %dma_wait3A_209 = arith.constant 0 : i32
    %dma_wait3A_210 = arith.constant 0 : i32
    %dma_wait3A_211 = tpu.memref_slice %arg6[%dma_wait3A_209, %dma_wait3A_210] : memref<2x80xi32, #tpu.memory_space<vmem>> -> memref<1x80xi32, #tpu.memory_space<vmem>>
    %dma_wait3A_212 = tpu.memref_squeeze %dma_wait3A_211 : memref<1x80xi32, #tpu.memory_space<vmem>> -> memref<80xi32, #tpu.memory_space<vmem>>
    %dma_wait3A_213 = arith.constant 0 : i32
    %dma_wait3A_214 = arith.constant 0 : i32
    %dma_wait3A_215 = tpu.memref_slice %arg2[%dma_wait3A_213, %dma_wait3A_214] : memref<10000x128xf32, #tpu.memory_space<hbm>> -> memref<10000x128xf32, #tpu.memory_space<hbm>>
    tpu.wait_indirect_dma semaphore(%arg18 : memref<!tpu.dma_semaphore, #tpu.memory_space<semaphore_mem>>) src(%dma_wait3A_215 : memref<10000x128xf32, #tpu.memory_space<hbm>>) dst(%arg11 : memref<80x128xf32, #tpu.memory_space<vmem>>)
    %dma_start3A_216 = arith.constant 1 : i32
    %dma_start3A_217 = arith.constant 0 : i32
    %dma_start3A_218 = tpu.memref_slice %arg9[%dma_start3A_216, %dma_start3A_217] : memref<2x80xi32, #tpu.memory_space<vmem>> -> memref<1x80xi32, #tpu.memory_space<vmem>>
    %dma_start3A_219 = tpu.memref_squeeze %dma_start3A_218 : memref<1x80xi32, #tpu.memory_space<vmem>> -> memref<80xi32, #tpu.memory_space<vmem>>
    %dma_start3A_220 = arith.constant 0 : i32
    %dma_start3A_221 = arith.constant 0 : i32
    %dma_start3A_222 = tpu.memref_slice %arg12[%dma_start3A_220, %dma_start3A_221] : memref<10000x128xf32, #tpu.memory_space<vmem_shared>> -> memref<10000x128xf32, #tpu.memory_space<vmem_shared>>
    tpu.enqueue_indirect_dma source(%arg11 : memref<80x128xf32, #tpu.memory_space<vmem>>) target(%dma_start3A_222 : memref<10000x128xf32, #tpu.memory_space<vmem_shared>>) offsets(%dma_start3A_219 : memref<80xi32, #tpu.memory_space<vmem>>) semaphore(%arg20 : memref<!tpu.dma_semaphore, #tpu.memory_space<semaphore_mem>>) {add = true}
    %dma_wait3A_223 = arith.constant 1 : i32
    %dma_wait3A_224 = arith.constant 0 : i32
    %dma_wait3A_225 = tpu.memref_slice %arg6[%dma_wait3A_223, %dma_wait3A_224] : memref<2x80xi32, #tpu.memory_space<vmem>> -> memref<1x80xi32, #tpu.memory_space<vmem>>
    %dma_wait3A_226 = tpu.memref_squeeze %dma_wait3A_225 : memref<1x80xi32, #tpu.memory_space<vmem>> -> memref<80xi32, #tpu.memory_space<vmem>>
    %dma_wait3A_227 = arith.constant 0 : i32
    %dma_wait3A_228 = arith.constant 0 : i32
    %dma_wait3A_229 = tpu.memref_slice %arg12[%dma_wait3A_227, %dma_wait3A_228] : memref<10000x128xf32, #tpu.memory_space<vmem_shared>> -> memref<10000x128xf32, #tpu.memory_space<vmem_shared>>
    tpu.wait_indirect_dma semaphore(%arg20 : memref<!tpu.dma_semaphore, #tpu.memory_space<semaphore_mem>>) src(%arg11 : memref<80x128xf32, #tpu.memory_space<vmem>>) dst(%dma_wait3A_229 : memref<10000x128xf32, #tpu.memory_space<vmem_shared>>)
    %dma_wait3A_230 = arith.constant 0 : i32
    %dma_wait3A_231 = arith.constant 0 : i32
    %dma_wait3A_232 = tpu.memref_slice %arg6[%dma_wait3A_230, %dma_wait3A_231] : memref<2x80xi32, #tpu.memory_space<vmem>> -> memref<1x80xi32, #tpu.memory_space<vmem>>
    %dma_wait3A_233 = tpu.memref_squeeze %dma_wait3A_232 : memref<1x80xi32, #tpu.memory_space<vmem>> -> memref<80xi32, #tpu.memory_space<vmem>>
    %dma_wait3A_234 = arith.constant 0 : i32
    %dma_wait3A_235 = arith.constant 0 : i32
    %dma_wait3A_236 = tpu.memref_slice %arg2[%dma_wait3A_234, %dma_wait3A_235] : memref<10000x128xf32, #tpu.memory_space<hbm>> -> memref<10000x128xf32, #tpu.memory_space<hbm>>
    tpu.wait_indirect_dma semaphore(%arg17 : memref<!tpu.dma_semaphore, #tpu.memory_space<semaphore_mem>>) src(%dma_wait3A_236 : memref<10000x128xf32, #tpu.memory_space<hbm>>) dst(%arg10 : memref<80x128xf32, #tpu.memory_space<vmem>>)
    %dma_start3A_237 = arith.constant 1 : i32
    %dma_start3A_238 = arith.constant 0 : i32
    %dma_start3A_239 = tpu.memref_slice %arg6[%dma_start3A_237, %dma_start3A_238] : memref<2x80xi32, #tpu.memory_space<vmem>> -> memref<1x80xi32, #tpu.memory_space<vmem>>
    %dma_start3A_240 = tpu.memref_squeeze %dma_start3A_239 : memref<1x80xi32, #tpu.memory_space<vmem>> -> memref<80xi32, #tpu.memory_space<vmem>>
    %dma_start3A_241 = arith.constant 0 : i32
    %dma_start3A_242 = arith.constant 0 : i32
    %dma_start3A_243 = tpu.memref_slice %arg12[%dma_start3A_241, %dma_start3A_242] : memref<10000x128xf32, #tpu.memory_space<vmem_shared>> -> memref<10000x128xf32, #tpu.memory_space<vmem_shared>>
    tpu.enqueue_indirect_dma source(%arg10 : memref<80x128xf32, #tpu.memory_space<vmem>>) target(%dma_start3A_243 : memref<10000x128xf32, #tpu.memory_space<vmem_shared>>) offsets(%dma_start3A_240 : memref<80xi32, #tpu.memory_space<vmem>>) semaphore(%arg19 : memref<!tpu.dma_semaphore, #tpu.memory_space<semaphore_mem>>) {add = true}
    %dma_wait3A_244 = arith.constant 1 : i32
    %dma_wait3A_245 = arith.constant 0 : i32
    %dma_wait3A_246 = tpu.memref_slice %arg6[%dma_wait3A_244, %dma_wait3A_245] : memref<2x80xi32, #tpu.memory_space<vmem>> -> memref<1x80xi32, #tpu.memory_space<vmem>>
    %dma_wait3A_247 = tpu.memref_squeeze %dma_wait3A_246 : memref<1x80xi32, #tpu.memory_space<vmem>> -> memref<80xi32, #tpu.memory_space<vmem>>
    %dma_wait3A_248 = arith.constant 0 : i32
    %dma_wait3A_249 = arith.constant 0 : i32
    %dma_wait3A_250 = tpu.memref_slice %arg12[%dma_wait3A_248, %dma_wait3A_249] : memref<10000x128xf32, #tpu.memory_space<vmem_shared>> -> memref<10000x128xf32, #tpu.memory_space<vmem_shared>>
    tpu.wait_indirect_dma semaphore(%arg19 : memref<!tpu.dma_semaphore, #tpu.memory_space<semaphore_mem>>) src(%arg10 : memref<80x128xf32, #tpu.memory_space<vmem>>) dst(%dma_wait3A_250 : memref<10000x128xf32, #tpu.memory_space<vmem_shared>>)
    %barrier3A_251 = arith.constant 0 : index
    tpu.barrier barrier_id(%barrier3A_251)
    "tpu.region"() ({
      %run_scoped3A = tpu.sem_alloc : memref<!tpu.dma_semaphore, #tpu.memory_space<semaphore_mem>>
      %dma_start3A_257 = arith.constant 0 : i32
      %dma_start3A_258 = tpu.memref_slice %arg5[%arg0, %mul3A_28, %dma_start3A_257] : memref<2x10000x128xf32, #tpu.memory_space<hbm>> -> memref<1x624x128xf32, #tpu.memory_space<hbm>>
      %dma_start3A_259 = tpu.memref_squeeze %dma_start3A_258 : memref<1x624x128xf32, #tpu.memory_space<hbm>> -> memref<624x128xf32, #tpu.memory_space<hbm>>
      %dma_start3A_260 = arith.constant 0 : i32
      %dma_start3A_261 = tpu.memref_slice %arg12[%mul3A_28, %dma_start3A_260] : memref<10000x128xf32, #tpu.memory_space<vmem_shared>> -> memref<624x128xf32, #tpu.memory_space<vmem_shared>>
      tpu.enqueue_dma source(%dma_start3A_261 : memref<624x128xf32, #tpu.memory_space<vmem_shared>>) target(%dma_start3A_259 : memref<624x128xf32, #tpu.memory_space<hbm>>) target_semaphore(%run_scoped3A : memref<!tpu.dma_semaphore, #tpu.memory_space<semaphore_mem>>)
      %dma_wait3A_262 = arith.constant 0 : i32
      %dma_wait3A_263 = tpu.memref_slice %arg5[%arg0, %mul3A_28, %dma_wait3A_262] : memref<2x10000x128xf32, #tpu.memory_space<hbm>> -> memref<1x624x128xf32, #tpu.memory_space<hbm>>
      %dma_wait3A_264 = tpu.memref_squeeze %dma_wait3A_263 : memref<1x624x128xf32, #tpu.memory_space<hbm>> -> memref<624x128xf32, #tpu.memory_space<hbm>>
      %dma_wait3A_265 = arith.constant 0 : i32
      %dma_wait3A_266 = tpu.memref_slice %arg12[%mul3A_28, %dma_wait3A_265] : memref<10000x128xf32, #tpu.memory_space<vmem_shared>> -> memref<624x128xf32, #tpu.memory_space<vmem_shared>>
      tpu.wait_dma2 semaphore(%run_scoped3A : memref<!tpu.dma_semaphore, #tpu.memory_space<semaphore_mem>>) src(%dma_wait3A_266 : memref<624x128xf32, #tpu.memory_space<vmem_shared>>) dst(%dma_wait3A_264 : memref<624x128xf32, #tpu.memory_space<hbm>>)
      tpu.yield
    }) : () -> ()
    %eq3A_252 = arith.constant 15 : i32
    %eq3A_253 = arith.cmpi eq, %arg1, %eq3A_252 : i32
    %convert_element_type3A_254 = arith.extui %eq3A_253 : i1 to i32
    %cond3A_255 = arith.constant 0 : i32
    %cond3A_256 = arith.cmpi ne, %convert_element_type3A_254, %cond3A_255 : i32
    scf.if %cond3A_256 {
      "tpu.region"() ({
        %run_scoped3A = tpu.sem_alloc : memref<!tpu.dma_semaphore, #tpu.memory_space<semaphore_mem>>
        %dma_start3A_257 = arith.constant 9984 : i32
        %dma_start3A_258 = arith.constant 0 : i32
        %dma_start3A_259 = tpu.memref_slice %arg5[%arg0, %dma_start3A_257, %dma_start3A_258] : memref<2x10000x128xf32, #tpu.memory_space<hbm>> -> memref<1x16x128xf32, #tpu.memory_space<hbm>>
        %dma_start3A_260 = tpu.memref_squeeze %dma_start3A_259 : memref<1x16x128xf32, #tpu.memory_space<hbm>> -> memref<16x128xf32, #tpu.memory_space<hbm>>
        %dma_start3A_261 = arith.constant 9984 : i32
        %dma_start3A_262 = arith.constant 0 : i32
        %dma_start3A_263 = tpu.memref_slice %arg12[%dma_start3A_261, %dma_start3A_262] : memref<10000x128xf32, #tpu.memory_space<vmem_shared>> -> memref<16x128xf32, #tpu.memory_space<vmem_shared>>
        tpu.enqueue_dma source(%dma_start3A_263 : memref<16x128xf32, #tpu.memory_space<vmem_shared>>) target(%dma_start3A_260 : memref<16x128xf32, #tpu.memory_space<hbm>>) target_semaphore(%run_scoped3A : memref<!tpu.dma_semaphore, #tpu.memory_space<semaphore_mem>>)
        %dma_wait3A_264 = arith.constant 9984 : i32
        %dma_wait3A_265 = arith.constant 0 : i32
        %dma_wait3A_266 = tpu.memref_slice %arg5[%arg0, %dma_wait3A_264, %dma_wait3A_265] : memref<2x10000x128xf32, #tpu.memory_space<hbm>> -> memref<1x16x128xf32, #tpu.memory_space<hbm>>
        %dma_wait3A_267 = tpu.memref_squeeze %dma_wait3A_266 : memref<1x16x128xf32, #tpu.memory_space<hbm>> -> memref<16x128xf32, #tpu.memory_space<hbm>>
        %dma_wait3A_268 = arith.constant 9984 : i32
        %dma_wait3A_269 = arith.constant 0 : i32
        %dma_wait3A_270 = tpu.memref_slice %arg12[%dma_wait3A_268, %dma_wait3A_269] : memref<10000x128xf32, #tpu.memory_space<vmem_shared>> -> memref<16x128xf32, #tpu.memory_space<vmem_shared>>
        tpu.wait_dma2 semaphore(%run_scoped3A : memref<!tpu.dma_semaphore, #tpu.memory_space<semaphore_mem>>) src(%dma_wait3A_270 : memref<16x128xf32, #tpu.memory_space<vmem_shared>>) dst(%dma_wait3A_267 : memref<16x128xf32, #tpu.memory_space<hbm>>)
        tpu.yield
      }) : () -> ()
    } else {
    }
    return
  }
}

#map = affine_map<(d0, d1) -> (0, 0)>
#map1 = affine_map<(d0, d1) -> (0, 0, 0, 0)>
#map2 = affine_map<(d0, d1) -> (0, 0, 0)>
module attributes {stable_mosaic.version = 14 : i64} {
  func.func @body(%arg0: i32, %arg1: i32, %arg2: memref<10000x128xf32, #tpu.memory_space<hbm>>, %arg3: memref<32x128x2x80xi32, #tpu.memory_space<hbm>>, %arg4: memref<10000x128xf32, #tpu.memory_space<hbm>>, %arg5: memref<2x10000x128xf32, #tpu.memory_space<hbm>>, %arg6: memref<2x80xi32, #tpu.memory_space<vmem>>, %arg7: memref<2x80xi32, #tpu.memory_space<vmem>>, %arg8: memref<2x80xi32, #tpu.memory_space<vmem>>, %arg9: memref<2x80xi32, #tpu.memory_space<vmem>>, %arg10: memref<80x128xf32, #tpu.memory_space<vmem>>, %arg11: memref<80x128xf32, #tpu.memory_space<vmem>>, %arg12: memref<10000x128xf32, #tpu.memory_space<vmem_shared>>, %arg13: memref<!tpu.dma_semaphore, #tpu.memory_space<semaphore_mem>>, %arg14: memref<!tpu.dma_semaphore, #tpu.memory_space<semaphore_mem>>, %arg15: memref<!tpu.dma_semaphore, #tpu.memory_space<semaphore_mem>>, %arg16: memref<!tpu.dma_semaphore, #tpu.memory_space<semaphore_mem>>, %arg17: memref<!tpu.dma_semaphore, #tpu.memory_space<semaphore_mem>>, %arg18: memref<!tpu.dma_semaphore, #tpu.memory_space<semaphore_mem>>, %arg19: memref<!tpu.dma_semaphore, #tpu.memory_space<semaphore_mem>>, %arg20: memref<!tpu.dma_semaphore, #tpu.memory_space<semaphore_mem>>, %arg21: memref<!tpu.dma_semaphore, #tpu.memory_space<semaphore_mem>>) attributes {dimension_semantics = [#tpu.dimension_semantics<core_parallel>, #tpu.dimension_semantics<subcore_parallel>], iteration_bounds = array<i64: 2, 16>, scalar_prefetch = 0 : i64, scratch_operands = 16 : i64, tpu.core_type = #tpu.core_type<sc_vector_subcore>, window_params = [{transform_indices = #map}, {transform_indices = #map1}, {transform_indices = #map}, {transform_indices = #map2}]} {
    %mul3A = arith.constant 2 : i32
    %mul3A_0 = arith.muli %arg1, %mul3A : i32
    %add3A = arith.addi %mul3A_0, %arg0 : i32
    %dma_start3A = arith.constant 0 : i32
    %dma_start3A_1 = arith.constant 0 : i32
    %dma_start3A_2 = arith.constant 0 : i32
    %dma_start3A_3 = tpu.memref_slice %arg3[%add3A, %dma_start3A, %dma_start3A_1, %dma_start3A_2] : memref<32x128x2x80xi32, #tpu.memory_space<hbm>> -> memref<1x1x2x80xi32, #tpu.memory_space<hbm>>
    %dma_start3A_4 = tpu.memref_squeeze %dma_start3A_3 : memref<1x1x2x80xi32, #tpu.memory_space<hbm>> -> memref<2x80xi32, #tpu.memory_space<hbm>>
    %dma_start3A_5 = arith.constant 0 : i32
    %dma_start3A_6 = arith.constant 0 : i32
    %dma_start3A_7 = tpu.memref_slice %arg3[%add3A, %dma_start3A, %dma_start3A_5, %dma_start3A_6] : memref<32x128x2x80xi32, #tpu.memory_space<hbm>> -> memref<1x1x2x80xi32, #tpu.memory_space<hbm>>
    %dma_start3A_8 = tpu.memref_squeeze %dma_start3A_7 : memref<1x1x2x80xi32, #tpu.memory_space<hbm>> -> memref<2x80xi32, #tpu.memory_space<hbm>>
    tpu.enqueue_dma source(%dma_start3A_8 : memref<2x80xi32, #tpu.memory_space<hbm>>) target(%arg6 : memref<2x80xi32, #tpu.memory_space<vmem>>) target_semaphore(%arg13 : memref<!tpu.dma_semaphore, #tpu.memory_space<semaphore_mem>>)
    %dma_start3A_9 = arith.constant 1 : i32
    %dma_start3A_10 = arith.constant 0 : i32
    %dma_start3A_11 = arith.constant 0 : i32
    %dma_start3A_12 = tpu.memref_slice %arg3[%add3A, %dma_start3A_9, %dma_start3A_10, %dma_start3A_11] : memref<32x128x2x80xi32, #tpu.memory_space<hbm>> -> memref<1x1x2x80xi32, #tpu.memory_space<hbm>>
    %dma_start3A_13 = tpu.memref_squeeze %dma_start3A_12 : memref<1x1x2x80xi32, #tpu.memory_space<hbm>> -> memref<2x80xi32, #tpu.memory_space<hbm>>
    %dma_start3A_14 = arith.constant 0 : i32
    %dma_start3A_15 = arith.constant 0 : i32
    %dma_start3A_16 = tpu.memref_slice %arg3[%add3A, %dma_start3A_9, %dma_start3A_14, %dma_start3A_15] : memref<32x128x2x80xi32, #tpu.memory_space<hbm>> -> memref<1x1x2x80xi32, #tpu.memory_space<hbm>>
    %dma_start3A_17 = tpu.memref_squeeze %dma_start3A_16 : memref<1x1x2x80xi32, #tpu.memory_space<hbm>> -> memref<2x80xi32, #tpu.memory_space<hbm>>
    tpu.enqueue_dma source(%dma_start3A_17 : memref<2x80xi32, #tpu.memory_space<hbm>>) target(%arg7 : memref<2x80xi32, #tpu.memory_space<vmem>>) target_semaphore(%arg14 : memref<!tpu.dma_semaphore, #tpu.memory_space<semaphore_mem>>)
    %dma_start3A_18 = arith.constant 2 : i32
    %dma_start3A_19 = arith.constant 0 : i32
    %dma_start3A_20 = arith.constant 0 : i32
    %dma_start3A_21 = tpu.memref_slice %arg3[%add3A, %dma_start3A_18, %dma_start3A_19, %dma_start3A_20] : memref<32x128x2x80xi32, #tpu.memory_space<hbm>> -> memref<1x1x2x80xi32, #tpu.memory_space<hbm>>
    %dma_start3A_22 = tpu.memref_squeeze %dma_start3A_21 : memref<1x1x2x80xi32, #tpu.memory_space<hbm>> -> memref<2x80xi32, #tpu.memory_space<hbm>>
    %dma_start3A_23 = arith.constant 0 : i32
    %dma_start3A_24 = arith.constant 0 : i32
    %dma_start3A_25 = tpu.memref_slice %arg3[%add3A, %dma_start3A_18, %dma_start3A_23, %dma_start3A_24] : memref<32x128x2x80xi32, #tpu.memory_space<hbm>> -> memref<1x1x2x80xi32, #tpu.memory_space<hbm>>
    %dma_start3A_26 = tpu.memref_squeeze %dma_start3A_25 : memref<1x1x2x80xi32, #tpu.memory_space<hbm>> -> memref<2x80xi32, #tpu.memory_space<hbm>>
    tpu.enqueue_dma source(%dma_start3A_26 : memref<2x80xi32, #tpu.memory_space<hbm>>) target(%arg8 : memref<2x80xi32, #tpu.memory_space<vmem>>) target_semaphore(%arg15 : memref<!tpu.dma_semaphore, #tpu.memory_space<semaphore_mem>>)
    %mul3A_27 = arith.constant 624 : i32
    %mul3A_28 = arith.muli %arg1, %mul3A_27 : i32
    %eq3A = arith.constant 0 : i32
    %eq3A_29 = arith.cmpi eq, %arg0, %eq3A : i32
    %convert_element_type3A = arith.extui %eq3A_29 : i1 to i32
    %cond3A = arith.constant 0 : i32
    %cond3A_30 = arith.cmpi ne, %convert_element_type3A, %cond3A : i32
    scf.if %cond3A_30 {
      %dma_start3A_257 = arith.constant 0 : i32
      %dma_start3A_258 = tpu.memref_slice %arg12[%mul3A_28, %dma_start3A_257] : memref<10000x128xf32, #tpu.memory_space<vmem_shared>> -> memref<624x128xf32, #tpu.memory_space<vmem_shared>>
      %dma_start3A_259 = arith.constant 0 : i32
      %dma_start3A_260 = tpu.memref_slice %arg2[%mul3A_28, %dma_start3A_259] : memref<10000x128xf32, #tpu.memory_space<hbm>> -> memref<624x128xf32, #tpu.memory_space<hbm>>
      tpu.enqueue_dma source(%dma_start3A_260 : memref<624x128xf32, #tpu.memory_space<hbm>>) target(%dma_start3A_258 : memref<624x128xf32, #tpu.memory_space<vmem_shared>>) target_semaphore(%arg21 : memref<!tpu.dma_semaphore, #tpu.memory_space<semaphore_mem>>)
      %eq3A_261 = arith.constant 15 : i32
      %eq3A_262 = arith.cmpi eq, %arg1, %eq3A_261 : i32
      %convert_element_type3A_263 = arith.extui %eq3A_262 : i1 to i32
      %cond3A_264 = arith.constant 0 : i32
      %cond3A_265 = arith.cmpi ne, %convert_element_type3A_263, %cond3A_264 : i32
      scf.if %cond3A_265 {
        %dma_start3A_266 = arith.constant 9984 : i32
        %dma_start3A_267 = arith.constant 0 : i32
        %dma_start3A_268 = tpu.memref_slice %arg12[%dma_start3A_266, %dma_start3A_267] : memref<10000x128xf32, #tpu.memory_space<vmem_shared>> -> memref<16x128xf32, #tpu.memory_space<vmem_shared>>
        %dma_start3A_269 = arith.constant 9984 : i32
        %dma_start3A_270 = arith.constant 0 : i32
        %dma_start3A_271 = tpu.memref_slice %arg2[%dma_start3A_269, %dma_start3A_270] : memref<10000x128xf32, #tpu.memory_space<hbm>> -> memref<16x128xf32, #tpu.memory_space<hbm>>
        tpu.enqueue_dma source(%dma_start3A_271 : memref<16x128xf32, #tpu.memory_space<hbm>>) target(%dma_start3A_268 : memref<16x128xf32, #tpu.memory_space<vmem_shared>>) target_semaphore(%arg21 : memref<!tpu.dma_semaphore, #tpu.memory_space<semaphore_mem>>)
      } else {
      }
    } else {
    }
    %ne3A = arith.constant 0 : i32
    %ne3A_31 = arith.cmpi ne, %arg0, %ne3A : i32
    %convert_element_type3A_32 = arith.extui %ne3A_31 : i1 to i32
    %cond3A_33 = arith.constant 0 : i32
    %cond3A_34 = arith.cmpi ne, %convert_element_type3A_32, %cond3A_33 : i32
    scf.if %cond3A_34 {
      %dma_start3A_257 = arith.constant 0 : i32
      %dma_start3A_258 = tpu.memref_slice %arg12[%mul3A_28, %dma_start3A_257] : memref<10000x128xf32, #tpu.memory_space<vmem_shared>> -> memref<624x128xf32, #tpu.memory_space<vmem_shared>>
      %dma_start3A_259 = arith.constant 0 : i32
      %dma_start3A_260 = tpu.memref_slice %arg4[%mul3A_28, %dma_start3A_259] : memref<10000x128xf32, #tpu.memory_space<hbm>> -> memref<624x128xf32, #tpu.memory_space<hbm>>
      tpu.enqueue_dma source(%dma_start3A_260 : memref<624x128xf32, #tpu.memory_space<hbm>>) target(%dma_start3A_258 : memref<624x128xf32, #tpu.memory_space<vmem_shared>>) target_semaphore(%arg21 : memref<!tpu.dma_semaphore, #tpu.memory_space<semaphore_mem>>)
      %eq3A_261 = arith.constant 15 : i32
      %eq3A_262 = arith.cmpi eq, %arg1, %eq3A_261 : i32
      %convert_element_type3A_263 = arith.extui %eq3A_262 : i1 to i32
      %cond3A_264 = arith.constant 0 : i32
      %cond3A_265 = arith.cmpi ne, %convert_element_type3A_263, %cond3A_264 : i32
      scf.if %cond3A_265 {
        %dma_start3A_266 = arith.constant 9984 : i32
        %dma_start3A_267 = arith.constant 0 : i32
        %dma_start3A_268 = tpu.memref_slice %arg12[%dma_start3A_266, %dma_start3A_267] : memref<10000x128xf32, #tpu.memory_space<vmem_shared>> -> memref<16x128xf32, #tpu.memory_space<vmem_shared>>
        %dma_start3A_269 = arith.constant 9984 : i32
        %dma_start3A_270 = arith.constant 0 : i32
        %dma_start3A_271 = tpu.memref_slice %arg4[%dma_start3A_269, %dma_start3A_270] : memref<10000x128xf32, #tpu.memory_space<hbm>> -> memref<16x128xf32, #tpu.memory_space<hbm>>
        tpu.enqueue_dma source(%dma_start3A_271 : memref<16x128xf32, #tpu.memory_space<hbm>>) target(%dma_start3A_268 : memref<16x128xf32, #tpu.memory_space<vmem_shared>>) target_semaphore(%arg21 : memref<!tpu.dma_semaphore, #tpu.memory_space<semaphore_mem>>)
      } else {
      }
    } else {
    }
    %dma_wait3A = arith.constant 0 : i32
    %dma_wait3A_35 = arith.constant 0 : i32
    %dma_wait3A_36 = arith.constant 0 : i32
    %dma_wait3A_37 = tpu.memref_slice %arg3[%add3A, %dma_wait3A, %dma_wait3A_35, %dma_wait3A_36] : memref<32x128x2x80xi32, #tpu.memory_space<hbm>> -> memref<1x1x2x80xi32, #tpu.memory_space<hbm>>
    %dma_wait3A_38 = tpu.memref_squeeze %dma_wait3A_37 : memref<1x1x2x80xi32, #tpu.memory_space<hbm>> -> memref<2x80xi32, #tpu.memory_space<hbm>>
    %dma_wait3A_39 = arith.constant 0 : i32
    %dma_wait3A_40 = arith.constant 0 : i32
    %dma_wait3A_41 = tpu.memref_slice %arg3[%add3A, %dma_wait3A, %dma_wait3A_39, %dma_wait3A_40] : memref<32x128x2x80xi32, #tpu.memory_space<hbm>> -> memref<1x1x2x80xi32, #tpu.memory_space<hbm>>
    %dma_wait3A_42 = tpu.memref_squeeze %dma_wait3A_41 : memref<1x1x2x80xi32, #tpu.memory_space<hbm>> -> memref<2x80xi32, #tpu.memory_space<hbm>>
    tpu.wait_dma2 semaphore(%arg13 : memref<!tpu.dma_semaphore, #tpu.memory_space<semaphore_mem>>) src(%dma_wait3A_42 : memref<2x80xi32, #tpu.memory_space<hbm>>) dst(%arg6 : memref<2x80xi32, #tpu.memory_space<vmem>>)
    %dma_start3A_43 = arith.constant 0 : i32
    %dma_start3A_44 = arith.constant 0 : i32
    %dma_start3A_45 = tpu.memref_slice %arg6[%dma_start3A_43, %dma_start3A_44] : memref<2x80xi32, #tpu.memory_space<vmem>> -> memref<1x80xi32, #tpu.memory_space<vmem>>
    %dma_start3A_46 = tpu.memref_squeeze %dma_start3A_45 : memref<1x80xi32, #tpu.memory_space<vmem>> -> memref<80xi32, #tpu.memory_space<vmem>>
    %dma_start3A_47 = arith.constant 0 : i32
    %dma_start3A_48 = arith.constant 0 : i32
    %dma_start3A_49 = tpu.memref_slice %arg2[%dma_start3A_47, %dma_start3A_48] : memref<10000x128xf32, #tpu.memory_space<hbm>> -> memref<10000x128xf32, #tpu.memory_space<hbm>>
    tpu.enqueue_indirect_dma source(%dma_start3A_49 : memref<10000x128xf32, #tpu.memory_space<hbm>>) target(%arg10 : memref<80x128xf32, #tpu.memory_space<vmem>>) offsets(%dma_start3A_46 : memref<80xi32, #tpu.memory_space<vmem>>) semaphore(%arg17 : memref<!tpu.dma_semaphore, #tpu.memory_space<semaphore_mem>>)
    %dma_wait3A_50 = arith.constant 0 : i32
    %dma_wait3A_51 = tpu.memref_slice %arg12[%mul3A_28, %dma_wait3A_50] : memref<10000x128xf32, #tpu.memory_space<vmem_shared>> -> memref<624x128xf32, #tpu.memory_space<vmem_shared>>
    %dma_wait3A_52 = arith.constant 0 : i32
    %dma_wait3A_53 = tpu.memref_slice %arg4[%mul3A_28, %dma_wait3A_52] : memref<10000x128xf32, #tpu.memory_space<hbm>> -> memref<624x128xf32, #tpu.memory_space<hbm>>
    tpu.wait_dma2 semaphore(%arg21 : memref<!tpu.dma_semaphore, #tpu.memory_space<semaphore_mem>>) src(%dma_wait3A_53 : memref<624x128xf32, #tpu.memory_space<hbm>>) dst(%dma_wait3A_51 : memref<624x128xf32, #tpu.memory_space<vmem_shared>>)
    %eq3A_54 = arith.constant 15 : i32
    %eq3A_55 = arith.cmpi eq, %arg1, %eq3A_54 : i32
    %convert_element_type3A_56 = arith.extui %eq3A_55 : i1 to i32
    %cond3A_57 = arith.constant 0 : i32
    %cond3A_58 = arith.cmpi ne, %convert_element_type3A_56, %cond3A_57 : i32
    scf.if %cond3A_58 {
      %dma_wait3A_257 = arith.constant 9984 : i32
      %dma_wait3A_258 = arith.constant 0 : i32
      %dma_wait3A_259 = tpu.memref_slice %arg12[%dma_wait3A_257, %dma_wait3A_258] : memref<10000x128xf32, #tpu.memory_space<vmem_shared>> -> memref<16x128xf32, #tpu.memory_space<vmem_shared>>
      %dma_wait3A_260 = arith.constant 9984 : i32
      %dma_wait3A_261 = arith.constant 0 : i32
      %dma_wait3A_262 = tpu.memref_slice %arg4[%dma_wait3A_260, %dma_wait3A_261] : memref<10000x128xf32, #tpu.memory_space<hbm>> -> memref<16x128xf32, #tpu.memory_space<hbm>>
      tpu.wait_dma2 semaphore(%arg21 : memref<!tpu.dma_semaphore, #tpu.memory_space<semaphore_mem>>) src(%dma_wait3A_262 : memref<16x128xf32, #tpu.memory_space<hbm>>) dst(%dma_wait3A_259 : memref<16x128xf32, #tpu.memory_space<vmem_shared>>)
    } else {
    }
    %barrier3A = arith.constant 0 : index
    tpu.barrier barrier_id(%barrier3A)
    %dma_start3A_59 = arith.constant 3 : i32
    %dma_start3A_60 = arith.constant 0 : i32
    %dma_start3A_61 = arith.constant 0 : i32
    %dma_start3A_62 = tpu.memref_slice %arg3[%add3A, %dma_start3A_59, %dma_start3A_60, %dma_start3A_61] : memref<32x128x2x80xi32, #tpu.memory_space<hbm>> -> memref<1x1x2x80xi32, #tpu.memory_space<hbm>>
    %dma_start3A_63 = tpu.memref_squeeze %dma_start3A_62 : memref<1x1x2x80xi32, #tpu.memory_space<hbm>> -> memref<2x80xi32, #tpu.memory_space<hbm>>
    %dma_start3A_64 = arith.constant 0 : i32
    %dma_start3A_65 = arith.constant 0 : i32
    %dma_start3A_66 = tpu.memref_slice %arg3[%add3A, %dma_start3A_59, %dma_start3A_64, %dma_start3A_65] : memref<32x128x2x80xi32, #tpu.memory_space<hbm>> -> memref<1x1x2x80xi32, #tpu.memory_space<hbm>>
    %dma_start3A_67 = tpu.memref_squeeze %dma_start3A_66 : memref<1x1x2x80xi32, #tpu.memory_space<hbm>> -> memref<2x80xi32, #tpu.memory_space<hbm>>
    tpu.enqueue_dma source(%dma_start3A_67 : memref<2x80xi32, #tpu.memory_space<hbm>>) target(%arg9 : memref<2x80xi32, #tpu.memory_space<vmem>>) target_semaphore(%arg16 : memref<!tpu.dma_semaphore, #tpu.memory_space<semaphore_mem>>)
    %dma_wait3A_68 = arith.constant 0 : i32
    %dma_wait3A_69 = arith.constant 0 : i32
    %dma_wait3A_70 = arith.constant 0 : i32
    %dma_wait3A_71 = tpu.memref_slice %arg3[%add3A, %dma_wait3A_68, %dma_wait3A_69, %dma_wait3A_70] : memref<32x128x2x80xi32, #tpu.memory_space<hbm>> -> memref<1x1x2x80xi32, #tpu.memory_space<hbm>>
    %dma_wait3A_72 = tpu.memref_squeeze %dma_wait3A_71 : memref<1x1x2x80xi32, #tpu.memory_space<hbm>> -> memref<2x80xi32, #tpu.memory_space<hbm>>
    %dma_wait3A_73 = arith.constant 0 : i32
    %dma_wait3A_74 = arith.constant 0 : i32
    %dma_wait3A_75 = tpu.memref_slice %arg3[%add3A, %dma_wait3A_68, %dma_wait3A_73, %dma_wait3A_74] : memref<32x128x2x80xi32, #tpu.memory_space<hbm>> -> memref<1x1x2x80xi32, #tpu.memory_space<hbm>>
    %dma_wait3A_76 = tpu.memref_squeeze %dma_wait3A_75 : memref<1x1x2x80xi32, #tpu.memory_space<hbm>> -> memref<2x80xi32, #tpu.memory_space<hbm>>
    tpu.wait_dma2 semaphore(%arg14 : memref<!tpu.dma_semaphore, #tpu.memory_space<semaphore_mem>>) src(%dma_wait3A_76 : memref<2x80xi32, #tpu.memory_space<hbm>>) dst(%arg7 : memref<2x80xi32, #tpu.memory_space<vmem>>)
    %dma_start3A_77 = arith.constant 0 : i32
    %dma_start3A_78 = arith.constant 0 : i32
    %dma_start3A_79 = tpu.memref_slice %arg7[%dma_start3A_77, %dma_start3A_78] : memref<2x80xi32, #tpu.memory_space<vmem>> -> memref<1x80xi32, #tpu.memory_space<vmem>>
    %dma_start3A_80 = tpu.memref_squeeze %dma_start3A_79 : memref<1x80xi32, #tpu.memory_space<vmem>> -> memref<80xi32, #tpu.memory_space<vmem>>
    %dma_start3A_81 = arith.constant 0 : i32
    %dma_start3A_82 = arith.constant 0 : i32
    %dma_start3A_83 = tpu.memref_slice %arg2[%dma_start3A_81, %dma_start3A_82] : memref<10000x128xf32, #tpu.memory_space<hbm>> -> memref<10000x128xf32, #tpu.memory_space<hbm>>
    tpu.enqueue_indirect_dma source(%dma_start3A_83 : memref<10000x128xf32, #tpu.memory_space<hbm>>) target(%arg11 : memref<80x128xf32, #tpu.memory_space<vmem>>) offsets(%dma_start3A_80 : memref<80xi32, #tpu.memory_space<vmem>>) semaphore(%arg18 : memref<!tpu.dma_semaphore, #tpu.memory_space<semaphore_mem>>)
    %dma_wait3A_84 = arith.constant 0 : i32
    %dma_wait3A_85 = arith.constant 0 : i32
    %dma_wait3A_86 = tpu.memref_slice %arg6[%dma_wait3A_84, %dma_wait3A_85] : memref<2x80xi32, #tpu.memory_space<vmem>> -> memref<1x80xi32, #tpu.memory_space<vmem>>
    %dma_wait3A_87 = tpu.memref_squeeze %dma_wait3A_86 : memref<1x80xi32, #tpu.memory_space<vmem>> -> memref<80xi32, #tpu.memory_space<vmem>>
    %dma_wait3A_88 = arith.constant 0 : i32
    %dma_wait3A_89 = arith.constant 0 : i32
    %dma_wait3A_90 = tpu.memref_slice %arg2[%dma_wait3A_88, %dma_wait3A_89] : memref<10000x128xf32, #tpu.memory_space<hbm>> -> memref<10000x128xf32, #tpu.memory_space<hbm>>
    tpu.wait_indirect_dma semaphore(%arg17 : memref<!tpu.dma_semaphore, #tpu.memory_space<semaphore_mem>>) src(%dma_wait3A_90 : memref<10000x128xf32, #tpu.memory_space<hbm>>) dst(%arg10 : memref<80x128xf32, #tpu.memory_space<vmem>>)
    %dma_start3A_91 = arith.constant 1 : i32
    %dma_start3A_92 = arith.constant 0 : i32
    %dma_start3A_93 = tpu.memref_slice %arg6[%dma_start3A_91, %dma_start3A_92] : memref<2x80xi32, #tpu.memory_space<vmem>> -> memref<1x80xi32, #tpu.memory_space<vmem>>
    %dma_start3A_94 = tpu.memref_squeeze %dma_start3A_93 : memref<1x80xi32, #tpu.memory_space<vmem>> -> memref<80xi32, #tpu.memory_space<vmem>>
    %dma_start3A_95 = arith.constant 0 : i32
    %dma_start3A_96 = arith.constant 0 : i32
    %dma_start3A_97 = tpu.memref_slice %arg12[%dma_start3A_95, %dma_start3A_96] : memref<10000x128xf32, #tpu.memory_space<vmem_shared>> -> memref<10000x128xf32, #tpu.memory_space<vmem_shared>>
    tpu.enqueue_indirect_dma source(%arg10 : memref<80x128xf32, #tpu.memory_space<vmem>>) target(%dma_start3A_97 : memref<10000x128xf32, #tpu.memory_space<vmem_shared>>) offsets(%dma_start3A_94 : memref<80xi32, #tpu.memory_space<vmem>>) semaphore(%arg19 : memref<!tpu.dma_semaphore, #tpu.memory_space<semaphore_mem>>) {add = true}
    %dma_wait3A_98 = arith.constant 1 : i32
    %dma_wait3A_99 = arith.constant 0 : i32
    %dma_wait3A_100 = tpu.memref_slice %arg6[%dma_wait3A_98, %dma_wait3A_99] : memref<2x80xi32, #tpu.memory_space<vmem>> -> memref<1x80xi32, #tpu.memory_space<vmem>>
    %dma_wait3A_101 = tpu.memref_squeeze %dma_wait3A_100 : memref<1x80xi32, #tpu.memory_space<vmem>> -> memref<80xi32, #tpu.memory_space<vmem>>
    %dma_wait3A_102 = arith.constant 0 : i32
    %dma_wait3A_103 = arith.constant 0 : i32
    %dma_wait3A_104 = tpu.memref_slice %arg12[%dma_wait3A_102, %dma_wait3A_103] : memref<10000x128xf32, #tpu.memory_space<vmem_shared>> -> memref<10000x128xf32, #tpu.memory_space<vmem_shared>>
    tpu.wait_indirect_dma semaphore(%arg19 : memref<!tpu.dma_semaphore, #tpu.memory_space<semaphore_mem>>) src(%arg10 : memref<80x128xf32, #tpu.memory_space<vmem>>) dst(%dma_wait3A_104 : memref<10000x128xf32, #tpu.memory_space<vmem_shared>>)
    %dma_start3A_105 = arith.constant 4 : i32
    %dma_start3A_106 = arith.constant 0 : i32
    %dma_start3A_107 = arith.constant 0 : i32
    %dma_start3A_108 = tpu.memref_slice %arg3[%add3A, %dma_start3A_105, %dma_start3A_106, %dma_start3A_107] : memref<32x128x2x80xi32, #tpu.memory_space<hbm>> -> memref<1x1x2x80xi32, #tpu.memory_space<hbm>>
    %dma_start3A_109 = tpu.memref_squeeze %dma_start3A_108 : memref<1x1x2x80xi32, #tpu.memory_space<hbm>> -> memref<2x80xi32, #tpu.memory_space<hbm>>
    %dma_start3A_110 = arith.constant 0 : i32
    %dma_start3A_111 = arith.constant 0 : i32
    %dma_start3A_112 = tpu.memref_slice %arg3[%add3A, %dma_start3A_105, %dma_start3A_110, %dma_start3A_111] : memref<32x128x2x80xi32, #tpu.memory_space<hbm>> -> memref<1x1x2x80xi32, #tpu.memory_space<hbm>>
    %dma_start3A_113 = tpu.memref_squeeze %dma_start3A_112 : memref<1x1x2x80xi32, #tpu.memory_space<hbm>> -> memref<2x80xi32, #tpu.memory_space<hbm>>
    tpu.enqueue_dma source(%dma_start3A_113 : memref<2x80xi32, #tpu.memory_space<hbm>>) target(%arg6 : memref<2x80xi32, #tpu.memory_space<vmem>>) target_semaphore(%arg13 : memref<!tpu.dma_semaphore, #tpu.memory_space<semaphore_mem>>)
    %dma_wait3A_114 = arith.constant 0 : i32
    %dma_wait3A_115 = arith.constant 0 : i32
    %dma_wait3A_116 = arith.constant 0 : i32
    %dma_wait3A_117 = tpu.memref_slice %arg3[%add3A, %dma_wait3A_114, %dma_wait3A_115, %dma_wait3A_116] : memref<32x128x2x80xi32, #tpu.memory_space<hbm>> -> memref<1x1x2x80xi32, #tpu.memory_space<hbm>>
    %dma_wait3A_118 = tpu.memref_squeeze %dma_wait3A_117 : memref<1x1x2x80xi32, #tpu.memory_space<hbm>> -> memref<2x80xi32, #tpu.memory_space<hbm>>
    %dma_wait3A_119 = arith.constant 0 : i32
    %dma_wait3A_120 = arith.constant 0 : i32
    %dma_wait3A_121 = tpu.memref_slice %arg3[%add3A, %dma_wait3A_114, %dma_wait3A_119, %dma_wait3A_120] : memref<32x128x2x80xi32, #tpu.memory_space<hbm>> -> memref<1x1x2x80xi32, #tpu.memory_space<hbm>>
    %dma_wait3A_122 = tpu.memref_squeeze %dma_wait3A_121 : memref<1x1x2x80xi32, #tpu.memory_space<hbm>> -> memref<2x80xi32, #tpu.memory_space<hbm>>
    tpu.wait_dma2 semaphore(%arg15 : memref<!tpu.dma_semaphore, #tpu.memory_space<semaphore_mem>>) src(%dma_wait3A_122 : memref<2x80xi32, #tpu.memory_space<hbm>>) dst(%arg8 : memref<2x80xi32, #tpu.memory_space<vmem>>)
    %dma_start3A_123 = arith.constant 0 : i32
    %dma_start3A_124 = arith.constant 0 : i32
    %dma_start3A_125 = tpu.memref_slice %arg8[%dma_start3A_123, %dma_start3A_124] : memref<2x80xi32, #tpu.memory_space<vmem>> -> memref<1x80xi32, #tpu.memory_space<vmem>>
    %dma_start3A_126 = tpu.memref_squeeze %dma_start3A_125 : memref<1x80xi32, #tpu.memory_space<vmem>> -> memref<80xi32, #tpu.memory_space<vmem>>
    %dma_start3A_127 = arith.constant 0 : i32
    %dma_start3A_128 = arith.constant 0 : i32
    %dma_start3A_129 = tpu.memref_slice %arg2[%dma_start3A_127, %dma_start3A_128] : memref<10000x128xf32, #tpu.memory_space<hbm>> -> memref<10000x128xf32, #tpu.memory_space<hbm>>
    tpu.enqueue_indirect_dma source(%dma_start3A_129 : memref<10000x128xf32, #tpu.memory_space<hbm>>) target(%arg10 : memref<80x128xf32, #tpu.memory_space<vmem>>) offsets(%dma_start3A_126 : memref<80xi32, #tpu.memory_space<vmem>>) semaphore(%arg17 : memref<!tpu.dma_semaphore, #tpu.memory_space<semaphore_mem>>)
    %dma_wait3A_130 = arith.constant 0 : i32
    %dma_wait3A_131 = arith.constant 0 : i32
    %dma_wait3A_132 = tpu.memref_slice %arg6[%dma_wait3A_130, %dma_wait3A_131] : memref<2x80xi32, #tpu.memory_space<vmem>> -> memref<1x80xi32, #tpu.memory_space<vmem>>
    %dma_wait3A_133 = tpu.memref_squeeze %dma_wait3A_132 : memref<1x80xi32, #tpu.memory_space<vmem>> -> memref<80xi32, #tpu.memory_space<vmem>>
    %dma_wait3A_134 = arith.constant 0 : i32
    %dma_wait3A_135 = arith.constant 0 : i32
    %dma_wait3A_136 = tpu.memref_slice %arg2[%dma_wait3A_134, %dma_wait3A_135] : memref<10000x128xf32, #tpu.memory_space<hbm>> -> memref<10000x128xf32, #tpu.memory_space<hbm>>
    tpu.wait_indirect_dma semaphore(%arg18 : memref<!tpu.dma_semaphore, #tpu.memory_space<semaphore_mem>>) src(%dma_wait3A_136 : memref<10000x128xf32, #tpu.memory_space<hbm>>) dst(%arg11 : memref<80x128xf32, #tpu.memory_space<vmem>>)
    %dma_start3A_137 = arith.constant 1 : i32
    %dma_start3A_138 = arith.constant 0 : i32
    %dma_start3A_139 = tpu.memref_slice %arg7[%dma_start3A_137, %dma_start3A_138] : memref<2x80xi32, #tpu.memory_space<vmem>> -> memref<1x80xi32, #tpu.memory_space<vmem>>
    %dma_start3A_140 = tpu.memref_squeeze %dma_start3A_139 : memref<1x80xi32, #tpu.memory_space<vmem>> -> memref<80xi32, #tpu.memory_space<vmem>>
    %dma_start3A_141 = arith.constant 0 : i32
    %dma_start3A_142 = arith.constant 0 : i32
    %dma_start3A_143 = tpu.memref_slice %arg12[%dma_start3A_141, %dma_start3A_142] : memref<10000x128xf32, #tpu.memory_space<vmem_shared>> -> memref<10000x128xf32, #tpu.memory_space<vmem_shared>>
    tpu.enqueue_indirect_dma source(%arg11 : memref<80x128xf32, #tpu.memory_space<vmem>>) target(%dma_start3A_143 : memref<10000x128xf32, #tpu.memory_space<vmem_shared>>) offsets(%dma_start3A_140 : memref<80xi32, #tpu.memory_space<vmem>>) semaphore(%arg20 : memref<!tpu.dma_semaphore, #tpu.memory_space<semaphore_mem>>) {add = true}
    %scan3A = arith.constant 0 : i32
    %scan3A_144 = arith.constant 0 : i32
    %scan3A_145 = arith.constant 30 : i32
    %scan3A_146 = arith.addi %scan3A_144, %scan3A_145 : i32
    %scan3A_147 = arith.constant 1 : i32
    scf.for %scan3A_257 = %scan3A_144 to %scan3A_146 step %scan3A_147  : i32 {
      %mul3A_258 = arith.constant 4 : i32
      %mul3A_259 = arith.muli %scan3A_257, %mul3A_258 : i32
      %add3A_260 = arith.constant 2 : i32
      %add3A_261 = arith.addi %mul3A_259, %add3A_260 : i32
      %dma_wait3A_262 = arith.constant 1 : i32
      %dma_wait3A_263 = arith.constant 0 : i32
      %dma_wait3A_264 = tpu.memref_slice %arg6[%dma_wait3A_262, %dma_wait3A_263] : memref<2x80xi32, #tpu.memory_space<vmem>> -> memref<1x80xi32, #tpu.memory_space<vmem>>
      %dma_wait3A_265 = tpu.memref_squeeze %dma_wait3A_264 : memref<1x80xi32, #tpu.memory_space<vmem>> -> memref<80xi32, #tpu.memory_space<vmem>>
      %dma_wait3A_266 = arith.constant 0 : i32
      %dma_wait3A_267 = arith.constant 0 : i32
      %dma_wait3A_268 = tpu.memref_slice %arg12[%dma_wait3A_266, %dma_wait3A_267] : memref<10000x128xf32, #tpu.memory_space<vmem_shared>> -> memref<10000x128xf32, #tpu.memory_space<vmem_shared>>
      tpu.wait_indirect_dma semaphore(%arg20 : memref<!tpu.dma_semaphore, #tpu.memory_space<semaphore_mem>>) src(%arg11 : memref<80x128xf32, #tpu.memory_space<vmem>>) dst(%dma_wait3A_268 : memref<10000x128xf32, #tpu.memory_space<vmem_shared>>)
      %add3A_269 = arith.constant 3 : i32
      %add3A_270 = arith.addi %add3A_261, %add3A_269 : i32
      %dma_start3A_271 = arith.constant 0 : i32
      %dma_start3A_272 = arith.constant 0 : i32
      %dma_start3A_273 = tpu.memref_slice %arg3[%add3A, %add3A_270, %dma_start3A_271, %dma_start3A_272] : memref<32x128x2x80xi32, #tpu.memory_space<hbm>> -> memref<1x1x2x80xi32, #tpu.memory_space<hbm>>
      %dma_start3A_274 = tpu.memref_squeeze %dma_start3A_273 : memref<1x1x2x80xi32, #tpu.memory_space<hbm>> -> memref<2x80xi32, #tpu.memory_space<hbm>>
      %dma_start3A_275 = arith.constant 0 : i32
      %dma_start3A_276 = arith.constant 0 : i32
      %dma_start3A_277 = tpu.memref_slice %arg3[%add3A, %add3A_270, %dma_start3A_275, %dma_start3A_276] : memref<32x128x2x80xi32, #tpu.memory_space<hbm>> -> memref<1x1x2x80xi32, #tpu.memory_space<hbm>>
      %dma_start3A_278 = tpu.memref_squeeze %dma_start3A_277 : memref<1x1x2x80xi32, #tpu.memory_space<hbm>> -> memref<2x80xi32, #tpu.memory_space<hbm>>
      tpu.enqueue_dma source(%dma_start3A_278 : memref<2x80xi32, #tpu.memory_space<hbm>>) target(%arg7 : memref<2x80xi32, #tpu.memory_space<vmem>>) target_semaphore(%arg14 : memref<!tpu.dma_semaphore, #tpu.memory_space<semaphore_mem>>)
      %dma_wait3A_279 = arith.constant 0 : i32
      %dma_wait3A_280 = arith.constant 0 : i32
      %dma_wait3A_281 = arith.constant 0 : i32
      %dma_wait3A_282 = tpu.memref_slice %arg3[%add3A, %dma_wait3A_279, %dma_wait3A_280, %dma_wait3A_281] : memref<32x128x2x80xi32, #tpu.memory_space<hbm>> -> memref<1x1x2x80xi32, #tpu.memory_space<hbm>>
      %dma_wait3A_283 = tpu.memref_squeeze %dma_wait3A_282 : memref<1x1x2x80xi32, #tpu.memory_space<hbm>> -> memref<2x80xi32, #tpu.memory_space<hbm>>
      %dma_wait3A_284 = arith.constant 0 : i32
      %dma_wait3A_285 = arith.constant 0 : i32
      %dma_wait3A_286 = tpu.memref_slice %arg3[%add3A, %dma_wait3A_279, %dma_wait3A_284, %dma_wait3A_285] : memref<32x128x2x80xi32, #tpu.memory_space<hbm>> -> memref<1x1x2x80xi32, #tpu.memory_space<hbm>>
      %dma_wait3A_287 = tpu.memref_squeeze %dma_wait3A_286 : memref<1x1x2x80xi32, #tpu.memory_space<hbm>> -> memref<2x80xi32, #tpu.memory_space<hbm>>
      tpu.wait_dma2 semaphore(%arg16 : memref<!tpu.dma_semaphore, #tpu.memory_space<semaphore_mem>>) src(%dma_wait3A_287 : memref<2x80xi32, #tpu.memory_space<hbm>>) dst(%arg9 : memref<2x80xi32, #tpu.memory_space<vmem>>)
      %dma_start3A_288 = arith.constant 0 : i32
      %dma_start3A_289 = arith.constant 0 : i32
      %dma_start3A_290 = tpu.memref_slice %arg9[%dma_start3A_288, %dma_start3A_289] : memref<2x80xi32, #tpu.memory_space<vmem>> -> memref<1x80xi32, #tpu.memory_space<vmem>>
      %dma_start3A_291 = tpu.memref_squeeze %dma_start3A_290 : memref<1x80xi32, #tpu.memory_space<vmem>> -> memref<80xi32, #tpu.memory_space<vmem>>
      %dma_start3A_292 = arith.constant 0 : i32
      %dma_start3A_293 = arith.constant 0 : i32
      %dma_start3A_294 = tpu.memref_slice %arg2[%dma_start3A_292, %dma_start3A_293] : memref<10000x128xf32, #tpu.memory_space<hbm>> -> memref<10000x128xf32, #tpu.memory_space<hbm>>
      tpu.enqueue_indirect_dma source(%dma_start3A_294 : memref<10000x128xf32, #tpu.memory_space<hbm>>) target(%arg11 : memref<80x128xf32, #tpu.memory_space<vmem>>) offsets(%dma_start3A_291 : memref<80xi32, #tpu.memory_space<vmem>>) semaphore(%arg18 : memref<!tpu.dma_semaphore, #tpu.memory_space<semaphore_mem>>)
      %dma_wait3A_295 = arith.constant 0 : i32
      %dma_wait3A_296 = arith.constant 0 : i32
      %dma_wait3A_297 = tpu.memref_slice %arg6[%dma_wait3A_295, %dma_wait3A_296] : memref<2x80xi32, #tpu.memory_space<vmem>> -> memref<1x80xi32, #tpu.memory_space<vmem>>
      %dma_wait3A_298 = tpu.memref_squeeze %dma_wait3A_297 : memref<1x80xi32, #tpu.memory_space<vmem>> -> memref<80xi32, #tpu.memory_space<vmem>>
      %dma_wait3A_299 = arith.constant 0 : i32
      %dma_wait3A_300 = arith.constant 0 : i32
      %dma_wait3A_301 = tpu.memref_slice %arg2[%dma_wait3A_299, %dma_wait3A_300] : memref<10000x128xf32, #tpu.memory_space<hbm>> -> memref<10000x128xf32, #tpu.memory_space<hbm>>
      tpu.wait_indirect_dma semaphore(%arg17 : memref<!tpu.dma_semaphore, #tpu.memory_space<semaphore_mem>>) src(%dma_wait3A_301 : memref<10000x128xf32, #tpu.memory_space<hbm>>) dst(%arg10 : memref<80x128xf32, #tpu.memory_space<vmem>>)
      %dma_start3A_302 = arith.constant 1 : i32
      %dma_start3A_303 = arith.constant 0 : i32
      %dma_start3A_304 = tpu.memref_slice %arg8[%dma_start3A_302, %dma_start3A_303] : memref<2x80xi32, #tpu.memory_space<vmem>> -> memref<1x80xi32, #tpu.memory_space<vmem>>
      %dma_start3A_305 = tpu.memref_squeeze %dma_start3A_304 : memref<1x80xi32, #tpu.memory_space<vmem>> -> memref<80xi32, #tpu.memory_space<vmem>>
      %dma_start3A_306 = arith.constant 0 : i32
      %dma_start3A_307 = arith.constant 0 : i32
      %dma_start3A_308 = tpu.memref_slice %arg12[%dma_start3A_306, %dma_start3A_307] : memref<10000x128xf32, #tpu.memory_space<vmem_shared>> -> memref<10000x128xf32, #tpu.memory_space<vmem_shared>>
      tpu.enqueue_indirect_dma source(%arg10 : memref<80x128xf32, #tpu.memory_space<vmem>>) target(%dma_start3A_308 : memref<10000x128xf32, #tpu.memory_space<vmem_shared>>) offsets(%dma_start3A_305 : memref<80xi32, #tpu.memory_space<vmem>>) semaphore(%arg19 : memref<!tpu.dma_semaphore, #tpu.memory_space<semaphore_mem>>) {add = true}
      %add3A_309 = arith.constant 1 : i32
      %add3A_310 = arith.addi %add3A_261, %add3A_309 : i32
      %dma_wait3A_311 = arith.constant 1 : i32
      %dma_wait3A_312 = arith.constant 0 : i32
      %dma_wait3A_313 = tpu.memref_slice %arg6[%dma_wait3A_311, %dma_wait3A_312] : memref<2x80xi32, #tpu.memory_space<vmem>> -> memref<1x80xi32, #tpu.memory_space<vmem>>
      %dma_wait3A_314 = tpu.memref_squeeze %dma_wait3A_313 : memref<1x80xi32, #tpu.memory_space<vmem>> -> memref<80xi32, #tpu.memory_space<vmem>>
      %dma_wait3A_315 = arith.constant 0 : i32
      %dma_wait3A_316 = arith.constant 0 : i32
      %dma_wait3A_317 = tpu.memref_slice %arg12[%dma_wait3A_315, %dma_wait3A_316] : memref<10000x128xf32, #tpu.memory_space<vmem_shared>> -> memref<10000x128xf32, #tpu.memory_space<vmem_shared>>
      tpu.wait_indirect_dma semaphore(%arg19 : memref<!tpu.dma_semaphore, #tpu.memory_space<semaphore_mem>>) src(%arg10 : memref<80x128xf32, #tpu.memory_space<vmem>>) dst(%dma_wait3A_317 : memref<10000x128xf32, #tpu.memory_space<vmem_shared>>)
      %add3A_318 = arith.constant 3 : i32
      %add3A_319 = arith.addi %add3A_310, %add3A_318 : i32
      %dma_start3A_320 = arith.constant 0 : i32
      %dma_start3A_321 = arith.constant 0 : i32
      %dma_start3A_322 = tpu.memref_slice %arg3[%add3A, %add3A_319, %dma_start3A_320, %dma_start3A_321] : memref<32x128x2x80xi32, #tpu.memory_space<hbm>> -> memref<1x1x2x80xi32, #tpu.memory_space<hbm>>
      %dma_start3A_323 = tpu.memref_squeeze %dma_start3A_322 : memref<1x1x2x80xi32, #tpu.memory_space<hbm>> -> memref<2x80xi32, #tpu.memory_space<hbm>>
      %dma_start3A_324 = arith.constant 0 : i32
      %dma_start3A_325 = arith.constant 0 : i32
      %dma_start3A_326 = tpu.memref_slice %arg3[%add3A, %add3A_319, %dma_start3A_324, %dma_start3A_325] : memref<32x128x2x80xi32, #tpu.memory_space<hbm>> -> memref<1x1x2x80xi32, #tpu.memory_space<hbm>>
      %dma_start3A_327 = tpu.memref_squeeze %dma_start3A_326 : memref<1x1x2x80xi32, #tpu.memory_space<hbm>> -> memref<2x80xi32, #tpu.memory_space<hbm>>
      tpu.enqueue_dma source(%dma_start3A_327 : memref<2x80xi32, #tpu.memory_space<hbm>>) target(%arg8 : memref<2x80xi32, #tpu.memory_space<vmem>>) target_semaphore(%arg15 : memref<!tpu.dma_semaphore, #tpu.memory_space<semaphore_mem>>)
      %dma_wait3A_328 = arith.constant 0 : i32
      %dma_wait3A_329 = arith.constant 0 : i32
      %dma_wait3A_330 = arith.constant 0 : i32
      %dma_wait3A_331 = tpu.memref_slice %arg3[%add3A, %dma_wait3A_328, %dma_wait3A_329, %dma_wait3A_330] : memref<32x128x2x80xi32, #tpu.memory_space<hbm>> -> memref<1x1x2x80xi32, #tpu.memory_space<hbm>>
      %dma_wait3A_332 = tpu.memref_squeeze %dma_wait3A_331 : memref<1x1x2x80xi32, #tpu.memory_space<hbm>> -> memref<2x80xi32, #tpu.memory_space<hbm>>
      %dma_wait3A_333 = arith.constant 0 : i32
      %dma_wait3A_334 = arith.constant 0 : i32
      %dma_wait3A_335 = tpu.memref_slice %arg3[%add3A, %dma_wait3A_328, %dma_wait3A_333, %dma_wait3A_334] : memref<32x128x2x80xi32, #tpu.memory_space<hbm>> -> memref<1x1x2x80xi32, #tpu.memory_space<hbm>>
      %dma_wait3A_336 = tpu.memref_squeeze %dma_wait3A_335 : memref<1x1x2x80xi32, #tpu.memory_space<hbm>> -> memref<2x80xi32, #tpu.memory_space<hbm>>
      tpu.wait_dma2 semaphore(%arg13 : memref<!tpu.dma_semaphore, #tpu.memory_space<semaphore_mem>>) src(%dma_wait3A_336 : memref<2x80xi32, #tpu.memory_space<hbm>>) dst(%arg6 : memref<2x80xi32, #tpu.memory_space<vmem>>)
      %dma_start3A_337 = arith.constant 0 : i32
      %dma_start3A_338 = arith.constant 0 : i32
      %dma_start3A_339 = tpu.memref_slice %arg6[%dma_start3A_337, %dma_start3A_338] : memref<2x80xi32, #tpu.memory_space<vmem>> -> memref<1x80xi32, #tpu.memory_space<vmem>>
      %dma_start3A_340 = tpu.memref_squeeze %dma_start3A_339 : memref<1x80xi32, #tpu.memory_space<vmem>> -> memref<80xi32, #tpu.memory_space<vmem>>
      %dma_start3A_341 = arith.constant 0 : i32
      %dma_start3A_342 = arith.constant 0 : i32
      %dma_start3A_343 = tpu.memref_slice %arg2[%dma_start3A_341, %dma_start3A_342] : memref<10000x128xf32, #tpu.memory_space<hbm>> -> memref<10000x128xf32, #tpu.memory_space<hbm>>
      tpu.enqueue_indirect_dma source(%dma_start3A_343 : memref<10000x128xf32, #tpu.memory_space<hbm>>) target(%arg10 : memref<80x128xf32, #tpu.memory_space<vmem>>) offsets(%dma_start3A_340 : memref<80xi32, #tpu.memory_space<vmem>>) semaphore(%arg17 : memref<!tpu.dma_semaphore, #tpu.memory_space<semaphore_mem>>)
      %dma_wait3A_344 = arith.constant 0 : i32
      %dma_wait3A_345 = arith.constant 0 : i32
      %dma_wait3A_346 = tpu.memref_slice %arg6[%dma_wait3A_344, %dma_wait3A_345] : memref<2x80xi32, #tpu.memory_space<vmem>> -> memref<1x80xi32, #tpu.memory_space<vmem>>
      %dma_wait3A_347 = tpu.memref_squeeze %dma_wait3A_346 : memref<1x80xi32, #tpu.memory_space<vmem>> -> memref<80xi32, #tpu.memory_space<vmem>>
      %dma_wait3A_348 = arith.constant 0 : i32
      %dma_wait3A_349 = arith.constant 0 : i32
      %dma_wait3A_350 = tpu.memref_slice %arg2[%dma_wait3A_348, %dma_wait3A_349] : memref<10000x128xf32, #tpu.memory_space<hbm>> -> memref<10000x128xf32, #tpu.memory_space<hbm>>
      tpu.wait_indirect_dma semaphore(%arg18 : memref<!tpu.dma_semaphore, #tpu.memory_space<semaphore_mem>>) src(%dma_wait3A_350 : memref<10000x128xf32, #tpu.memory_space<hbm>>) dst(%arg11 : memref<80x128xf32, #tpu.memory_space<vmem>>)
      %dma_start3A_351 = arith.constant 1 : i32
      %dma_start3A_352 = arith.constant 0 : i32
      %dma_start3A_353 = tpu.memref_slice %arg9[%dma_start3A_351, %dma_start3A_352] : memref<2x80xi32, #tpu.memory_space<vmem>> -> memref<1x80xi32, #tpu.memory_space<vmem>>
      %dma_start3A_354 = tpu.memref_squeeze %dma_start3A_353 : memref<1x80xi32, #tpu.memory_space<vmem>> -> memref<80xi32, #tpu.memory_space<vmem>>
      %dma_start3A_355 = arith.constant 0 : i32
      %dma_start3A_356 = arith.constant 0 : i32
      %dma_start3A_357 = tpu.memref_slice %arg12[%dma_start3A_355, %dma_start3A_356] : memref<10000x128xf32, #tpu.memory_space<vmem_shared>> -> memref<10000x128xf32, #tpu.memory_space<vmem_shared>>
      tpu.enqueue_indirect_dma source(%arg11 : memref<80x128xf32, #tpu.memory_space<vmem>>) target(%dma_start3A_357 : memref<10000x128xf32, #tpu.memory_space<vmem_shared>>) offsets(%dma_start3A_354 : memref<80xi32, #tpu.memory_space<vmem>>) semaphore(%arg20 : memref<!tpu.dma_semaphore, #tpu.memory_space<semaphore_mem>>) {add = true}
      %add3A_358 = arith.constant 2 : i32
      %add3A_359 = arith.addi %add3A_261, %add3A_358 : i32
      %dma_wait3A_360 = arith.constant 1 : i32
      %dma_wait3A_361 = arith.constant 0 : i32
      %dma_wait3A_362 = tpu.memref_slice %arg6[%dma_wait3A_360, %dma_wait3A_361] : memref<2x80xi32, #tpu.memory_space<vmem>> -> memref<1x80xi32, #tpu.memory_space<vmem>>
      %dma_wait3A_363 = tpu.memref_squeeze %dma_wait3A_362 : memref<1x80xi32, #tpu.memory_space<vmem>> -> memref<80xi32, #tpu.memory_space<vmem>>
      %dma_wait3A_364 = arith.constant 0 : i32
      %dma_wait3A_365 = arith.constant 0 : i32
      %dma_wait3A_366 = tpu.memref_slice %arg12[%dma_wait3A_364, %dma_wait3A_365] : memref<10000x128xf32, #tpu.memory_space<vmem_shared>> -> memref<10000x128xf32, #tpu.memory_space<vmem_shared>>
      tpu.wait_indirect_dma semaphore(%arg20 : memref<!tpu.dma_semaphore, #tpu.memory_space<semaphore_mem>>) src(%arg11 : memref<80x128xf32, #tpu.memory_space<vmem>>) dst(%dma_wait3A_366 : memref<10000x128xf32, #tpu.memory_space<vmem_shared>>)
      %add3A_367 = arith.constant 3 : i32
      %add3A_368 = arith.addi %add3A_359, %add3A_367 : i32
      %dma_start3A_369 = arith.constant 0 : i32
      %dma_start3A_370 = arith.constant 0 : i32
      %dma_start3A_371 = tpu.memref_slice %arg3[%add3A, %add3A_368, %dma_start3A_369, %dma_start3A_370] : memref<32x128x2x80xi32, #tpu.memory_space<hbm>> -> memref<1x1x2x80xi32, #tpu.memory_space<hbm>>
      %dma_start3A_372 = tpu.memref_squeeze %dma_start3A_371 : memref<1x1x2x80xi32, #tpu.memory_space<hbm>> -> memref<2x80xi32, #tpu.memory_space<hbm>>
      %dma_start3A_373 = arith.constant 0 : i32
      %dma_start3A_374 = arith.constant 0 : i32
      %dma_start3A_375 = tpu.memref_slice %arg3[%add3A, %add3A_368, %dma_start3A_373, %dma_start3A_374] : memref<32x128x2x80xi32, #tpu.memory_space<hbm>> -> memref<1x1x2x80xi32, #tpu.memory_space<hbm>>
      %dma_start3A_376 = tpu.memref_squeeze %dma_start3A_375 : memref<1x1x2x80xi32, #tpu.memory_space<hbm>> -> memref<2x80xi32, #tpu.memory_space<hbm>>
      tpu.enqueue_dma source(%dma_start3A_376 : memref<2x80xi32, #tpu.memory_space<hbm>>) target(%arg9 : memref<2x80xi32, #tpu.memory_space<vmem>>) target_semaphore(%arg16 : memref<!tpu.dma_semaphore, #tpu.memory_space<semaphore_mem>>)
      %dma_wait3A_377 = arith.constant 0 : i32
      %dma_wait3A_378 = arith.constant 0 : i32
      %dma_wait3A_379 = arith.constant 0 : i32
      %dma_wait3A_380 = tpu.memref_slice %arg3[%add3A, %dma_wait3A_377, %dma_wait3A_378, %dma_wait3A_379] : memref<32x128x2x80xi32, #tpu.memory_space<hbm>> -> memref<1x1x2x80xi32, #tpu.memory_space<hbm>>
      %dma_wait3A_381 = tpu.memref_squeeze %dma_wait3A_380 : memref<1x1x2x80xi32, #tpu.memory_space<hbm>> -> memref<2x80xi32, #tpu.memory_space<hbm>>
      %dma_wait3A_382 = arith.constant 0 : i32
      %dma_wait3A_383 = arith.constant 0 : i32
      %dma_wait3A_384 = tpu.memref_slice %arg3[%add3A, %dma_wait3A_377, %dma_wait3A_382, %dma_wait3A_383] : memref<32x128x2x80xi32, #tpu.memory_space<hbm>> -> memref<1x1x2x80xi32, #tpu.memory_space<hbm>>
      %dma_wait3A_385 = tpu.memref_squeeze %dma_wait3A_384 : memref<1x1x2x80xi32, #tpu.memory_space<hbm>> -> memref<2x80xi32, #tpu.memory_space<hbm>>
      tpu.wait_dma2 semaphore(%arg14 : memref<!tpu.dma_semaphore, #tpu.memory_space<semaphore_mem>>) src(%dma_wait3A_385 : memref<2x80xi32, #tpu.memory_space<hbm>>) dst(%arg7 : memref<2x80xi32, #tpu.memory_space<vmem>>)
      %dma_start3A_386 = arith.constant 0 : i32
      %dma_start3A_387 = arith.constant 0 : i32
      %dma_start3A_388 = tpu.memref_slice %arg7[%dma_start3A_386, %dma_start3A_387] : memref<2x80xi32, #tpu.memory_space<vmem>> -> memref<1x80xi32, #tpu.memory_space<vmem>>
      %dma_start3A_389 = tpu.memref_squeeze %dma_start3A_388 : memref<1x80xi32, #tpu.memory_space<vmem>> -> memref<80xi32, #tpu.memory_space<vmem>>
      %dma_start3A_390 = arith.constant 0 : i32
      %dma_start3A_391 = arith.constant 0 : i32
      %dma_start3A_392 = tpu.memref_slice %arg2[%dma_start3A_390, %dma_start3A_391] : memref<10000x128xf32, #tpu.memory_space<hbm>> -> memref<10000x128xf32, #tpu.memory_space<hbm>>
      tpu.enqueue_indirect_dma source(%dma_start3A_392 : memref<10000x128xf32, #tpu.memory_space<hbm>>) target(%arg11 : memref<80x128xf32, #tpu.memory_space<vmem>>) offsets(%dma_start3A_389 : memref<80xi32, #tpu.memory_space<vmem>>) semaphore(%arg18 : memref<!tpu.dma_semaphore, #tpu.memory_space<semaphore_mem>>)
      %dma_wait3A_393 = arith.constant 0 : i32
      %dma_wait3A_394 = arith.constant 0 : i32
      %dma_wait3A_395 = tpu.memref_slice %arg6[%dma_wait3A_393, %dma_wait3A_394] : memref<2x80xi32, #tpu.memory_space<vmem>> -> memref<1x80xi32, #tpu.memory_space<vmem>>
      %dma_wait3A_396 = tpu.memref_squeeze %dma_wait3A_395 : memref<1x80xi32, #tpu.memory_space<vmem>> -> memref<80xi32, #tpu.memory_space<vmem>>
      %dma_wait3A_397 = arith.constant 0 : i32
      %dma_wait3A_398 = arith.constant 0 : i32
      %dma_wait3A_399 = tpu.memref_slice %arg2[%dma_wait3A_397, %dma_wait3A_398] : memref<10000x128xf32, #tpu.memory_space<hbm>> -> memref<10000x128xf32, #tpu.memory_space<hbm>>
      tpu.wait_indirect_dma semaphore(%arg17 : memref<!tpu.dma_semaphore, #tpu.memory_space<semaphore_mem>>) src(%dma_wait3A_399 : memref<10000x128xf32, #tpu.memory_space<hbm>>) dst(%arg10 : memref<80x128xf32, #tpu.memory_space<vmem>>)
      %dma_start3A_400 = arith.constant 1 : i32
      %dma_start3A_401 = arith.constant 0 : i32
      %dma_start3A_402 = tpu.memref_slice %arg6[%dma_start3A_400, %dma_start3A_401] : memref<2x80xi32, #tpu.memory_space<vmem>> -> memref<1x80xi32, #tpu.memory_space<vmem>>
      %dma_start3A_403 = tpu.memref_squeeze %dma_start3A_402 : memref<1x80xi32, #tpu.memory_space<vmem>> -> memref<80xi32, #tpu.memory_space<vmem>>
      %dma_start3A_404 = arith.constant 0 : i32
      %dma_start3A_405 = arith.constant 0 : i32
      %dma_start3A_406 = tpu.memref_slice %arg12[%dma_start3A_404, %dma_start3A_405] : memref<10000x128xf32, #tpu.memory_space<vmem_shared>> -> memref<10000x128xf32, #tpu.memory_space<vmem_shared>>
      tpu.enqueue_indirect_dma source(%arg10 : memref<80x128xf32, #tpu.memory_space<vmem>>) target(%dma_start3A_406 : memref<10000x128xf32, #tpu.memory_space<vmem_shared>>) offsets(%dma_start3A_403 : memref<80xi32, #tpu.memory_space<vmem>>) semaphore(%arg19 : memref<!tpu.dma_semaphore, #tpu.memory_space<semaphore_mem>>) {add = true}
      %add3A_407 = arith.constant 3 : i32
      %add3A_408 = arith.addi %add3A_261, %add3A_407 : i32
      %dma_wait3A_409 = arith.constant 1 : i32
      %dma_wait3A_410 = arith.constant 0 : i32
      %dma_wait3A_411 = tpu.memref_slice %arg6[%dma_wait3A_409, %dma_wait3A_410] : memref<2x80xi32, #tpu.memory_space<vmem>> -> memref<1x80xi32, #tpu.memory_space<vmem>>
      %dma_wait3A_412 = tpu.memref_squeeze %dma_wait3A_411 : memref<1x80xi32, #tpu.memory_space<vmem>> -> memref<80xi32, #tpu.memory_space<vmem>>
      %dma_wait3A_413 = arith.constant 0 : i32
      %dma_wait3A_414 = arith.constant 0 : i32
      %dma_wait3A_415 = tpu.memref_slice %arg12[%dma_wait3A_413, %dma_wait3A_414] : memref<10000x128xf32, #tpu.memory_space<vmem_shared>> -> memref<10000x128xf32, #tpu.memory_space<vmem_shared>>
      tpu.wait_indirect_dma semaphore(%arg19 : memref<!tpu.dma_semaphore, #tpu.memory_space<semaphore_mem>>) src(%arg10 : memref<80x128xf32, #tpu.memory_space<vmem>>) dst(%dma_wait3A_415 : memref<10000x128xf32, #tpu.memory_space<vmem_shared>>)
      %add3A_416 = arith.constant 3 : i32
      %add3A_417 = arith.addi %add3A_408, %add3A_416 : i32
      %dma_start3A_418 = arith.constant 0 : i32
      %dma_start3A_419 = arith.constant 0 : i32
      %dma_start3A_420 = tpu.memref_slice %arg3[%add3A, %add3A_417, %dma_start3A_418, %dma_start3A_419] : memref<32x128x2x80xi32, #tpu.memory_space<hbm>> -> memref<1x1x2x80xi32, #tpu.memory_space<hbm>>
      %dma_start3A_421 = tpu.memref_squeeze %dma_start3A_420 : memref<1x1x2x80xi32, #tpu.memory_space<hbm>> -> memref<2x80xi32, #tpu.memory_space<hbm>>
      %dma_start3A_422 = arith.constant 0 : i32
      %dma_start3A_423 = arith.constant 0 : i32
      %dma_start3A_424 = tpu.memref_slice %arg3[%add3A, %add3A_417, %dma_start3A_422, %dma_start3A_423] : memref<32x128x2x80xi32, #tpu.memory_space<hbm>> -> memref<1x1x2x80xi32, #tpu.memory_space<hbm>>
      %dma_start3A_425 = tpu.memref_squeeze %dma_start3A_424 : memref<1x1x2x80xi32, #tpu.memory_space<hbm>> -> memref<2x80xi32, #tpu.memory_space<hbm>>
      tpu.enqueue_dma source(%dma_start3A_425 : memref<2x80xi32, #tpu.memory_space<hbm>>) target(%arg6 : memref<2x80xi32, #tpu.memory_space<vmem>>) target_semaphore(%arg13 : memref<!tpu.dma_semaphore, #tpu.memory_space<semaphore_mem>>)
      %dma_wait3A_426 = arith.constant 0 : i32
      %dma_wait3A_427 = arith.constant 0 : i32
      %dma_wait3A_428 = arith.constant 0 : i32
      %dma_wait3A_429 = tpu.memref_slice %arg3[%add3A, %dma_wait3A_426, %dma_wait3A_427, %dma_wait3A_428] : memref<32x128x2x80xi32, #tpu.memory_space<hbm>> -> memref<1x1x2x80xi32, #tpu.memory_space<hbm>>
      %dma_wait3A_430 = tpu.memref_squeeze %dma_wait3A_429 : memref<1x1x2x80xi32, #tpu.memory_space<hbm>> -> memref<2x80xi32, #tpu.memory_space<hbm>>
      %dma_wait3A_431 = arith.constant 0 : i32
      %dma_wait3A_432 = arith.constant 0 : i32
      %dma_wait3A_433 = tpu.memref_slice %arg3[%add3A, %dma_wait3A_426, %dma_wait3A_431, %dma_wait3A_432] : memref<32x128x2x80xi32, #tpu.memory_space<hbm>> -> memref<1x1x2x80xi32, #tpu.memory_space<hbm>>
      %dma_wait3A_434 = tpu.memref_squeeze %dma_wait3A_433 : memref<1x1x2x80xi32, #tpu.memory_space<hbm>> -> memref<2x80xi32, #tpu.memory_space<hbm>>
      tpu.wait_dma2 semaphore(%arg15 : memref<!tpu.dma_semaphore, #tpu.memory_space<semaphore_mem>>) src(%dma_wait3A_434 : memref<2x80xi32, #tpu.memory_space<hbm>>) dst(%arg8 : memref<2x80xi32, #tpu.memory_space<vmem>>)
      %dma_start3A_435 = arith.constant 0 : i32
      %dma_start3A_436 = arith.constant 0 : i32
      %dma_start3A_437 = tpu.memref_slice %arg8[%dma_start3A_435, %dma_start3A_436] : memref<2x80xi32, #tpu.memory_space<vmem>> -> memref<1x80xi32, #tpu.memory_space<vmem>>
      %dma_start3A_438 = tpu.memref_squeeze %dma_start3A_437 : memref<1x80xi32, #tpu.memory_space<vmem>> -> memref<80xi32, #tpu.memory_space<vmem>>
      %dma_start3A_439 = arith.constant 0 : i32
      %dma_start3A_440 = arith.constant 0 : i32
      %dma_start3A_441 = tpu.memref_slice %arg2[%dma_start3A_439, %dma_start3A_440] : memref<10000x128xf32, #tpu.memory_space<hbm>> -> memref<10000x128xf32, #tpu.memory_space<hbm>>
      tpu.enqueue_indirect_dma source(%dma_start3A_441 : memref<10000x128xf32, #tpu.memory_space<hbm>>) target(%arg10 : memref<80x128xf32, #tpu.memory_space<vmem>>) offsets(%dma_start3A_438 : memref<80xi32, #tpu.memory_space<vmem>>) semaphore(%arg17 : memref<!tpu.dma_semaphore, #tpu.memory_space<semaphore_mem>>)
      %dma_wait3A_442 = arith.constant 0 : i32
      %dma_wait3A_443 = arith.constant 0 : i32
      %dma_wait3A_444 = tpu.memref_slice %arg6[%dma_wait3A_442, %dma_wait3A_443] : memref<2x80xi32, #tpu.memory_space<vmem>> -> memref<1x80xi32, #tpu.memory_space<vmem>>
      %dma_wait3A_445 = tpu.memref_squeeze %dma_wait3A_444 : memref<1x80xi32, #tpu.memory_space<vmem>> -> memref<80xi32, #tpu.memory_space<vmem>>
      %dma_wait3A_446 = arith.constant 0 : i32
      %dma_wait3A_447 = arith.constant 0 : i32
      %dma_wait3A_448 = tpu.memref_slice %arg2[%dma_wait3A_446, %dma_wait3A_447] : memref<10000x128xf32, #tpu.memory_space<hbm>> -> memref<10000x128xf32, #tpu.memory_space<hbm>>
      tpu.wait_indirect_dma semaphore(%arg18 : memref<!tpu.dma_semaphore, #tpu.memory_space<semaphore_mem>>) src(%dma_wait3A_448 : memref<10000x128xf32, #tpu.memory_space<hbm>>) dst(%arg11 : memref<80x128xf32, #tpu.memory_space<vmem>>)
      %dma_start3A_449 = arith.constant 1 : i32
      %dma_start3A_450 = arith.constant 0 : i32
      %dma_start3A_451 = tpu.memref_slice %arg7[%dma_start3A_449, %dma_start3A_450] : memref<2x80xi32, #tpu.memory_space<vmem>> -> memref<1x80xi32, #tpu.memory_space<vmem>>
      %dma_start3A_452 = tpu.memref_squeeze %dma_start3A_451 : memref<1x80xi32, #tpu.memory_space<vmem>> -> memref<80xi32, #tpu.memory_space<vmem>>
      %dma_start3A_453 = arith.constant 0 : i32
      %dma_start3A_454 = arith.constant 0 : i32
      %dma_start3A_455 = tpu.memref_slice %arg12[%dma_start3A_453, %dma_start3A_454] : memref<10000x128xf32, #tpu.memory_space<vmem_shared>> -> memref<10000x128xf32, #tpu.memory_space<vmem_shared>>
      tpu.enqueue_indirect_dma source(%arg11 : memref<80x128xf32, #tpu.memory_space<vmem>>) target(%dma_start3A_455 : memref<10000x128xf32, #tpu.memory_space<vmem_shared>>) offsets(%dma_start3A_452 : memref<80xi32, #tpu.memory_space<vmem>>) semaphore(%arg20 : memref<!tpu.dma_semaphore, #tpu.memory_space<semaphore_mem>>) {add = true}
    }
    %scan3A_148 = arith.constant 30 : i32
    %dma_wait3A_149 = arith.constant 1 : i32
    %dma_wait3A_150 = arith.constant 0 : i32
    %dma_wait3A_151 = tpu.memref_slice %arg6[%dma_wait3A_149, %dma_wait3A_150] : memref<2x80xi32, #tpu.memory_space<vmem>> -> memref<1x80xi32, #tpu.memory_space<vmem>>
    %dma_wait3A_152 = tpu.memref_squeeze %dma_wait3A_151 : memref<1x80xi32, #tpu.memory_space<vmem>> -> memref<80xi32, #tpu.memory_space<vmem>>
    %dma_wait3A_153 = arith.constant 0 : i32
    %dma_wait3A_154 = arith.constant 0 : i32
    %dma_wait3A_155 = tpu.memref_slice %arg12[%dma_wait3A_153, %dma_wait3A_154] : memref<10000x128xf32, #tpu.memory_space<vmem_shared>> -> memref<10000x128xf32, #tpu.memory_space<vmem_shared>>
    tpu.wait_indirect_dma semaphore(%arg20 : memref<!tpu.dma_semaphore, #tpu.memory_space<semaphore_mem>>) src(%arg11 : memref<80x128xf32, #tpu.memory_space<vmem>>) dst(%dma_wait3A_155 : memref<10000x128xf32, #tpu.memory_space<vmem_shared>>)
    %dma_wait3A_156 = arith.constant 0 : i32
    %dma_wait3A_157 = arith.constant 0 : i32
    %dma_wait3A_158 = arith.constant 0 : i32
    %dma_wait3A_159 = tpu.memref_slice %arg3[%add3A, %dma_wait3A_156, %dma_wait3A_157, %dma_wait3A_158] : memref<32x128x2x80xi32, #tpu.memory_space<hbm>> -> memref<1x1x2x80xi32, #tpu.memory_space<hbm>>
    %dma_wait3A_160 = tpu.memref_squeeze %dma_wait3A_159 : memref<1x1x2x80xi32, #tpu.memory_space<hbm>> -> memref<2x80xi32, #tpu.memory_space<hbm>>
    %dma_wait3A_161 = arith.constant 0 : i32
    %dma_wait3A_162 = arith.constant 0 : i32
    %dma_wait3A_163 = tpu.memref_slice %arg3[%add3A, %dma_wait3A_156, %dma_wait3A_161, %dma_wait3A_162] : memref<32x128x2x80xi32, #tpu.memory_space<hbm>> -> memref<1x1x2x80xi32, #tpu.memory_space<hbm>>
    %dma_wait3A_164 = tpu.memref_squeeze %dma_wait3A_163 : memref<1x1x2x80xi32, #tpu.memory_space<hbm>> -> memref<2x80xi32, #tpu.memory_space<hbm>>
    tpu.wait_dma2 semaphore(%arg16 : memref<!tpu.dma_semaphore, #tpu.memory_space<semaphore_mem>>) src(%dma_wait3A_164 : memref<2x80xi32, #tpu.memory_space<hbm>>) dst(%arg9 : memref<2x80xi32, #tpu.memory_space<vmem>>)
    %dma_start3A_165 = arith.constant 0 : i32
    %dma_start3A_166 = arith.constant 0 : i32
    %dma_start3A_167 = tpu.memref_slice %arg9[%dma_start3A_165, %dma_start3A_166] : memref<2x80xi32, #tpu.memory_space<vmem>> -> memref<1x80xi32, #tpu.memory_space<vmem>>
    %dma_start3A_168 = tpu.memref_squeeze %dma_start3A_167 : memref<1x80xi32, #tpu.memory_space<vmem>> -> memref<80xi32, #tpu.memory_space<vmem>>
    %dma_start3A_169 = arith.constant 0 : i32
    %dma_start3A_170 = arith.constant 0 : i32
    %dma_start3A_171 = tpu.memref_slice %arg2[%dma_start3A_169, %dma_start3A_170] : memref<10000x128xf32, #tpu.memory_space<hbm>> -> memref<10000x128xf32, #tpu.memory_space<hbm>>
    tpu.enqueue_indirect_dma source(%dma_start3A_171 : memref<10000x128xf32, #tpu.memory_space<hbm>>) target(%arg11 : memref<80x128xf32, #tpu.memory_space<vmem>>) offsets(%dma_start3A_168 : memref<80xi32, #tpu.memory_space<vmem>>) semaphore(%arg18 : memref<!tpu.dma_semaphore, #tpu.memory_space<semaphore_mem>>)
    %dma_wait3A_172 = arith.constant 0 : i32
    %dma_wait3A_173 = arith.constant 0 : i32
    %dma_wait3A_174 = tpu.memref_slice %arg6[%dma_wait3A_172, %dma_wait3A_173] : memref<2x80xi32, #tpu.memory_space<vmem>> -> memref<1x80xi32, #tpu.memory_space<vmem>>
    %dma_wait3A_175 = tpu.memref_squeeze %dma_wait3A_174 : memref<1x80xi32, #tpu.memory_space<vmem>> -> memref<80xi32, #tpu.memory_space<vmem>>
    %dma_wait3A_176 = arith.constant 0 : i32
    %dma_wait3A_177 = arith.constant 0 : i32
    %dma_wait3A_178 = tpu.memref_slice %arg2[%dma_wait3A_176, %dma_wait3A_177] : memref<10000x128xf32, #tpu.memory_space<hbm>> -> memref<10000x128xf32, #tpu.memory_space<hbm>>
    tpu.wait_indirect_dma semaphore(%arg17 : memref<!tpu.dma_semaphore, #tpu.memory_space<semaphore_mem>>) src(%dma_wait3A_178 : memref<10000x128xf32, #tpu.memory_space<hbm>>) dst(%arg10 : memref<80x128xf32, #tpu.memory_space<vmem>>)
    %dma_start3A_179 = arith.constant 1 : i32
    %dma_start3A_180 = arith.constant 0 : i32
    %dma_start3A_181 = tpu.memref_slice %arg8[%dma_start3A_179, %dma_start3A_180] : memref<2x80xi32, #tpu.memory_space<vmem>> -> memref<1x80xi32, #tpu.memory_space<vmem>>
    %dma_start3A_182 = tpu.memref_squeeze %dma_start3A_181 : memref<1x80xi32, #tpu.memory_space<vmem>> -> memref<80xi32, #tpu.memory_space<vmem>>
    %dma_start3A_183 = arith.constant 0 : i32
    %dma_start3A_184 = arith.constant 0 : i32
    %dma_start3A_185 = tpu.memref_slice %arg12[%dma_start3A_183, %dma_start3A_184] : memref<10000x128xf32, #tpu.memory_space<vmem_shared>> -> memref<10000x128xf32, #tpu.memory_space<vmem_shared>>
    tpu.enqueue_indirect_dma source(%arg10 : memref<80x128xf32, #tpu.memory_space<vmem>>) target(%dma_start3A_185 : memref<10000x128xf32, #tpu.memory_space<vmem_shared>>) offsets(%dma_start3A_182 : memref<80xi32, #tpu.memory_space<vmem>>) semaphore(%arg19 : memref<!tpu.dma_semaphore, #tpu.memory_space<semaphore_mem>>) {add = true}
    %dma_wait3A_186 = arith.constant 1 : i32
    %dma_wait3A_187 = arith.constant 0 : i32
    %dma_wait3A_188 = tpu.memref_slice %arg6[%dma_wait3A_186, %dma_wait3A_187] : memref<2x80xi32, #tpu.memory_space<vmem>> -> memref<1x80xi32, #tpu.memory_space<vmem>>
    %dma_wait3A_189 = tpu.memref_squeeze %dma_wait3A_188 : memref<1x80xi32, #tpu.memory_space<vmem>> -> memref<80xi32, #tpu.memory_space<vmem>>
    %dma_wait3A_190 = arith.constant 0 : i32
    %dma_wait3A_191 = arith.constant 0 : i32
    %dma_wait3A_192 = tpu.memref_slice %arg12[%dma_wait3A_190, %dma_wait3A_191] : memref<10000x128xf32, #tpu.memory_space<vmem_shared>> -> memref<10000x128xf32, #tpu.memory_space<vmem_shared>>
    tpu.wait_indirect_dma semaphore(%arg19 : memref<!tpu.dma_semaphore, #tpu.memory_space<semaphore_mem>>) src(%arg10 : memref<80x128xf32, #tpu.memory_space<vmem>>) dst(%dma_wait3A_192 : memref<10000x128xf32, #tpu.memory_space<vmem_shared>>)
    %dma_wait3A_193 = arith.constant 0 : i32
    %dma_wait3A_194 = arith.constant 0 : i32
    %dma_wait3A_195 = arith.constant 0 : i32
    %dma_wait3A_196 = tpu.memref_slice %arg3[%add3A, %dma_wait3A_193, %dma_wait3A_194, %dma_wait3A_195] : memref<32x128x2x80xi32, #tpu.memory_space<hbm>> -> memref<1x1x2x80xi32, #tpu.memory_space<hbm>>
    %dma_wait3A_197 = tpu.memref_squeeze %dma_wait3A_196 : memref<1x1x2x80xi32, #tpu.memory_space<hbm>> -> memref<2x80xi32, #tpu.memory_space<hbm>>
    %dma_wait3A_198 = arith.constant 0 : i32
    %dma_wait3A_199 = arith.constant 0 : i32
    %dma_wait3A_200 = tpu.memref_slice %arg3[%add3A, %dma_wait3A_193, %dma_wait3A_198, %dma_wait3A_199] : memref<32x128x2x80xi32, #tpu.memory_space<hbm>> -> memref<1x1x2x80xi32, #tpu.memory_space<hbm>>
    %dma_wait3A_201 = tpu.memref_squeeze %dma_wait3A_200 : memref<1x1x2x80xi32, #tpu.memory_space<hbm>> -> memref<2x80xi32, #tpu.memory_space<hbm>>
    tpu.wait_dma2 semaphore(%arg13 : memref<!tpu.dma_semaphore, #tpu.memory_space<semaphore_mem>>) src(%dma_wait3A_201 : memref<2x80xi32, #tpu.memory_space<hbm>>) dst(%arg6 : memref<2x80xi32, #tpu.memory_space<vmem>>)
    %dma_start3A_202 = arith.constant 0 : i32
    %dma_start3A_203 = arith.constant 0 : i32
    %dma_start3A_204 = tpu.memref_slice %arg6[%dma_start3A_202, %dma_start3A_203] : memref<2x80xi32, #tpu.memory_space<vmem>> -> memref<1x80xi32, #tpu.memory_space<vmem>>
    %dma_start3A_205 = tpu.memref_squeeze %dma_start3A_204 : memref<1x80xi32, #tpu.memory_space<vmem>> -> memref<80xi32, #tpu.memory_space<vmem>>
    %dma_start3A_206 = arith.constant 0 : i32
    %dma_start3A_207 = arith.constant 0 : i32
    %dma_start3A_208 = tpu.memref_slice %arg2[%dma_start3A_206, %dma_start3A_207] : memref<10000x128xf32, #tpu.memory_space<hbm>> -> memref<10000x128xf32, #tpu.memory_space<hbm>>
    tpu.enqueue_indirect_dma source(%dma_start3A_208 : memref<10000x128xf32, #tpu.memory_space<hbm>>) target(%arg10 : memref<80x128xf32, #tpu.memory_space<vmem>>) offsets(%dma_start3A_205 : memref<80xi32, #tpu.memory_space<vmem>>) semaphore(%arg17 : memref<!tpu.dma_semaphore, #tpu.memory_space<semaphore_mem>>)
    %dma_wait3A_209 = arith.constant 0 : i32
    %dma_wait3A_210 = arith.constant 0 : i32
    %dma_wait3A_211 = tpu.memref_slice %arg6[%dma_wait3A_209, %dma_wait3A_210] : memref<2x80xi32, #tpu.memory_space<vmem>> -> memref<1x80xi32, #tpu.memory_space<vmem>>
    %dma_wait3A_212 = tpu.memref_squeeze %dma_wait3A_211 : memref<1x80xi32, #tpu.memory_space<vmem>> -> memref<80xi32, #tpu.memory_space<vmem>>
    %dma_wait3A_213 = arith.constant 0 : i32
    %dma_wait3A_214 = arith.constant 0 : i32
    %dma_wait3A_215 = tpu.memref_slice %arg2[%dma_wait3A_213, %dma_wait3A_214] : memref<10000x128xf32, #tpu.memory_space<hbm>> -> memref<10000x128xf32, #tpu.memory_space<hbm>>
    tpu.wait_indirect_dma semaphore(%arg18 : memref<!tpu.dma_semaphore, #tpu.memory_space<semaphore_mem>>) src(%dma_wait3A_215 : memref<10000x128xf32, #tpu.memory_space<hbm>>) dst(%arg11 : memref<80x128xf32, #tpu.memory_space<vmem>>)
    %dma_start3A_216 = arith.constant 1 : i32
    %dma_start3A_217 = arith.constant 0 : i32
    %dma_start3A_218 = tpu.memref_slice %arg9[%dma_start3A_216, %dma_start3A_217] : memref<2x80xi32, #tpu.memory_space<vmem>> -> memref<1x80xi32, #tpu.memory_space<vmem>>
    %dma_start3A_219 = tpu.memref_squeeze %dma_start3A_218 : memref<1x80xi32, #tpu.memory_space<vmem>> -> memref<80xi32, #tpu.memory_space<vmem>>
    %dma_start3A_220 = arith.constant 0 : i32
    %dma_start3A_221 = arith.constant 0 : i32
    %dma_start3A_222 = tpu.memref_slice %arg12[%dma_start3A_220, %dma_start3A_221] : memref<10000x128xf32, #tpu.memory_space<vmem_shared>> -> memref<10000x128xf32, #tpu.memory_space<vmem_shared>>
    tpu.enqueue_indirect_dma source(%arg11 : memref<80x128xf32, #tpu.memory_space<vmem>>) target(%dma_start3A_222 : memref<10000x128xf32, #tpu.memory_space<vmem_shared>>) offsets(%dma_start3A_219 : memref<80xi32, #tpu.memory_space<vmem>>) semaphore(%arg20 : memref<!tpu.dma_semaphore, #tpu.memory_space<semaphore_mem>>) {add = true}
    %dma_wait3A_223 = arith.constant 1 : i32
    %dma_wait3A_224 = arith.constant 0 : i32
    %dma_wait3A_225 = tpu.memref_slice %arg6[%dma_wait3A_223, %dma_wait3A_224] : memref<2x80xi32, #tpu.memory_space<vmem>> -> memref<1x80xi32, #tpu.memory_space<vmem>>
    %dma_wait3A_226 = tpu.memref_squeeze %dma_wait3A_225 : memref<1x80xi32, #tpu.memory_space<vmem>> -> memref<80xi32, #tpu.memory_space<vmem>>
    %dma_wait3A_227 = arith.constant 0 : i32
    %dma_wait3A_228 = arith.constant 0 : i32
    %dma_wait3A_229 = tpu.memref_slice %arg12[%dma_wait3A_227, %dma_wait3A_228] : memref<10000x128xf32, #tpu.memory_space<vmem_shared>> -> memref<10000x128xf32, #tpu.memory_space<vmem_shared>>
    tpu.wait_indirect_dma semaphore(%arg20 : memref<!tpu.dma_semaphore, #tpu.memory_space<semaphore_mem>>) src(%arg11 : memref<80x128xf32, #tpu.memory_space<vmem>>) dst(%dma_wait3A_229 : memref<10000x128xf32, #tpu.memory_space<vmem_shared>>)
    %dma_wait3A_230 = arith.constant 0 : i32
    %dma_wait3A_231 = arith.constant 0 : i32
    %dma_wait3A_232 = tpu.memref_slice %arg6[%dma_wait3A_230, %dma_wait3A_231] : memref<2x80xi32, #tpu.memory_space<vmem>> -> memref<1x80xi32, #tpu.memory_space<vmem>>
    %dma_wait3A_233 = tpu.memref_squeeze %dma_wait3A_232 : memref<1x80xi32, #tpu.memory_space<vmem>> -> memref<80xi32, #tpu.memory_space<vmem>>
    %dma_wait3A_234 = arith.constant 0 : i32
    %dma_wait3A_235 = arith.constant 0 : i32
    %dma_wait3A_236 = tpu.memref_slice %arg2[%dma_wait3A_234, %dma_wait3A_235] : memref<10000x128xf32, #tpu.memory_space<hbm>> -> memref<10000x128xf32, #tpu.memory_space<hbm>>
    tpu.wait_indirect_dma semaphore(%arg17 : memref<!tpu.dma_semaphore, #tpu.memory_space<semaphore_mem>>) src(%dma_wait3A_236 : memref<10000x128xf32, #tpu.memory_space<hbm>>) dst(%arg10 : memref<80x128xf32, #tpu.memory_space<vmem>>)
    %dma_start3A_237 = arith.constant 1 : i32
    %dma_start3A_238 = arith.constant 0 : i32
    %dma_start3A_239 = tpu.memref_slice %arg6[%dma_start3A_237, %dma_start3A_238] : memref<2x80xi32, #tpu.memory_space<vmem>> -> memref<1x80xi32, #tpu.memory_space<vmem>>
    %dma_start3A_240 = tpu.memref_squeeze %dma_start3A_239 : memref<1x80xi32, #tpu.memory_space<vmem>> -> memref<80xi32, #tpu.memory_space<vmem>>
    %dma_start3A_241 = arith.constant 0 : i32
    %dma_start3A_242 = arith.constant 0 : i32
    %dma_start3A_243 = tpu.memref_slice %arg12[%dma_start3A_241, %dma_start3A_242] : memref<10000x128xf32, #tpu.memory_space<vmem_shared>> -> memref<10000x128xf32, #tpu.memory_space<vmem_shared>>
    tpu.enqueue_indirect_dma source(%arg10 : memref<80x128xf32, #tpu.memory_space<vmem>>) target(%dma_start3A_243 : memref<10000x128xf32, #tpu.memory_space<vmem_shared>>) offsets(%dma_start3A_240 : memref<80xi32, #tpu.memory_space<vmem>>) semaphore(%arg19 : memref<!tpu.dma_semaphore, #tpu.memory_space<semaphore_mem>>) {add = true}
    %dma_wait3A_244 = arith.constant 1 : i32
    %dma_wait3A_245 = arith.constant 0 : i32
    %dma_wait3A_246 = tpu.memref_slice %arg6[%dma_wait3A_244, %dma_wait3A_245] : memref<2x80xi32, #tpu.memory_space<vmem>> -> memref<1x80xi32, #tpu.memory_space<vmem>>
    %dma_wait3A_247 = tpu.memref_squeeze %dma_wait3A_246 : memref<1x80xi32, #tpu.memory_space<vmem>> -> memref<80xi32, #tpu.memory_space<vmem>>
    %dma_wait3A_248 = arith.constant 0 : i32
    %dma_wait3A_249 = arith.constant 0 : i32
    %dma_wait3A_250 = tpu.memref_slice %arg12[%dma_wait3A_248, %dma_wait3A_249] : memref<10000x128xf32, #tpu.memory_space<vmem_shared>> -> memref<10000x128xf32, #tpu.memory_space<vmem_shared>>
    tpu.wait_indirect_dma semaphore(%arg19 : memref<!tpu.dma_semaphore, #tpu.memory_space<semaphore_mem>>) src(%arg10 : memref<80x128xf32, #tpu.memory_space<vmem>>) dst(%dma_wait3A_250 : memref<10000x128xf32, #tpu.memory_space<vmem_shared>>)
    %barrier3A_251 = arith.constant 0 : index
    tpu.barrier barrier_id(%barrier3A_251)
    "tpu.region"() ({
      %run_scoped3A = tpu.sem_alloc : memref<!tpu.dma_semaphore, #tpu.memory_space<semaphore_mem>>
      %dma_start3A_257 = arith.constant 0 : i32
      %dma_start3A_258 = tpu.memref_slice %arg5[%arg0, %mul3A_28, %dma_start3A_257] : memref<2x10000x128xf32, #tpu.memory_space<hbm>> -> memref<1x624x128xf32, #tpu.memory_space<hbm>>
      %dma_start3A_259 = tpu.memref_squeeze %dma_start3A_258 : memref<1x624x128xf32, #tpu.memory_space<hbm>> -> memref<624x128xf32, #tpu.memory_space<hbm>>
      %dma_start3A_260 = arith.constant 0 : i32
      %dma_start3A_261 = tpu.memref_slice %arg12[%mul3A_28, %dma_start3A_260] : memref<10000x128xf32, #tpu.memory_space<vmem_shared>> -> memref<624x128xf32, #tpu.memory_space<vmem_shared>>
      tpu.enqueue_dma source(%dma_start3A_261 : memref<624x128xf32, #tpu.memory_space<vmem_shared>>) target(%dma_start3A_259 : memref<624x128xf32, #tpu.memory_space<hbm>>) target_semaphore(%run_scoped3A : memref<!tpu.dma_semaphore, #tpu.memory_space<semaphore_mem>>)
      %dma_wait3A_262 = arith.constant 0 : i32
      %dma_wait3A_263 = tpu.memref_slice %arg5[%arg0, %mul3A_28, %dma_wait3A_262] : memref<2x10000x128xf32, #tpu.memory_space<hbm>> -> memref<1x624x128xf32, #tpu.memory_space<hbm>>
      %dma_wait3A_264 = tpu.memref_squeeze %dma_wait3A_263 : memref<1x624x128xf32, #tpu.memory_space<hbm>> -> memref<624x128xf32, #tpu.memory_space<hbm>>
      %dma_wait3A_265 = arith.constant 0 : i32
      %dma_wait3A_266 = tpu.memref_slice %arg12[%mul3A_28, %dma_wait3A_265] : memref<10000x128xf32, #tpu.memory_space<vmem_shared>> -> memref<624x128xf32, #tpu.memory_space<vmem_shared>>
      tpu.wait_dma2 semaphore(%run_scoped3A : memref<!tpu.dma_semaphore, #tpu.memory_space<semaphore_mem>>) src(%dma_wait3A_266 : memref<624x128xf32, #tpu.memory_space<vmem_shared>>) dst(%dma_wait3A_264 : memref<624x128xf32, #tpu.memory_space<hbm>>)
      tpu.yield
    }) : () -> ()
    %eq3A_252 = arith.constant 15 : i32
    %eq3A_253 = arith.cmpi eq, %arg1, %eq3A_252 : i32
    %convert_element_type3A_254 = arith.extui %eq3A_253 : i1 to i32
    %cond3A_255 = arith.constant 0 : i32
    %cond3A_256 = arith.cmpi ne, %convert_element_type3A_254, %cond3A_255 : i32
    scf.if %cond3A_256 {
      "tpu.region"() ({
        %run_scoped3A = tpu.sem_alloc : memref<!tpu.dma_semaphore, #tpu.memory_space<semaphore_mem>>
        %dma_start3A_257 = arith.constant 9984 : i32
        %dma_start3A_258 = arith.constant 0 : i32
        %dma_start3A_259 = tpu.memref_slice %arg5[%arg0, %dma_start3A_257, %dma_start3A_258] : memref<2x10000x128xf32, #tpu.memory_space<hbm>> -> memref<1x16x128xf32, #tpu.memory_space<hbm>>
        %dma_start3A_260 = tpu.memref_squeeze %dma_start3A_259 : memref<1x16x128xf32, #tpu.memory_space<hbm>> -> memref<16x128xf32, #tpu.memory_space<hbm>>
        %dma_start3A_261 = arith.constant 9984 : i32
        %dma_start3A_262 = arith.constant 0 : i32
        %dma_start3A_263 = tpu.memref_slice %arg12[%dma_start3A_261, %dma_start3A_262] : memref<10000x128xf32, #tpu.memory_space<vmem_shared>> -> memref<16x128xf32, #tpu.memory_space<vmem_shared>>
        tpu.enqueue_dma source(%dma_start3A_263 : memref<16x128xf32, #tpu.memory_space<vmem_shared>>) target(%dma_start3A_260 : memref<16x128xf32, #tpu.memory_space<hbm>>) target_semaphore(%run_scoped3A : memref<!tpu.dma_semaphore, #tpu.memory_space<semaphore_mem>>)
        %dma_wait3A_264 = arith.constant 9984 : i32
        %dma_wait3A_265 = arith.constant 0 : i32
        %dma_wait3A_266 = tpu.memref_slice %arg5[%arg0, %dma_wait3A_264, %dma_wait3A_265] : memref<2x10000x128xf32, #tpu.memory_space<hbm>> -> memref<1x16x128xf32, #tpu.memory_space<hbm>>
        %dma_wait3A_267 = tpu.memref_squeeze %dma_wait3A_266 : memref<1x16x128xf32, #tpu.memory_space<hbm>> -> memref<16x128xf32, #tpu.memory_space<hbm>>
        %dma_wait3A_268 = arith.constant 9984 : i32
        %dma_wait3A_269 = arith.constant 0 : i32
        %dma_wait3A_270 = tpu.memref_slice %arg12[%dma_wait3A_268, %dma_wait3A_269] : memref<10000x128xf32, #tpu.memory_space<vmem_shared>> -> memref<16x128xf32, #tpu.memory_space<vmem_shared>>
        tpu.wait_dma2 semaphore(%run_scoped3A : memref<!tpu.dma_semaphore, #tpu.memory_space<semaphore_mem>>) src(%dma_wait3A_270 : memref<16x128xf32, #tpu.memory_space<vmem_shared>>) dst(%dma_wait3A_267 : memref<16x128xf32, #tpu.memory_space<hbm>>)
        tpu.yield
      }) : () -> ()
    } else {
    }
    return
  }
}

module attributes {stable_mosaic.version = 14 : i64} {
  func.func @body(%arg0: i32, %arg1: memref<2x2000x128xf32, #tpu.memory_space<vmem>>, %arg2: memref<128x128xf32, #tpu.memory_space<vmem>>, %arg3: memref<128x128xf32, #tpu.memory_space<vmem>>, %arg4: memref<2000x128xf32, #tpu.memory_space<vmem>>) attributes {dimension_semantics = [#tpu.dimension_semantics<arbitrary>], iteration_bounds = array<i64: 5>, scalar_prefetch = 0 : i64, scratch_operands = 0 : i64, tpu.core_type = #tpu.core_type<tc>, window_params = [{transform_indices = @transform_0, window_bounds = array<i64: 2, 2000, 128>}, {pipeline_mode = #tpu.pipeline_mode<synchronous>, transform_indices = @transform_1, window_bounds = array<i64: 128, 128>}, {pipeline_mode = #tpu.pipeline_mode<synchronous>, transform_indices = @transform_2, window_bounds = array<i64: 128, 128>}, {transform_indices = @transform_3, window_bounds = array<i64: 2000, 128>}]} {
    %get3A = arith.constant 0 : index
    %get3A_0 = arith.constant 0 : index
    %get3A_1 = arith.constant 0 : index
    %get3A_2 = vector.load %arg1[%get3A, %get3A_0, %get3A_1] : memref<2x2000x128xf32, #tpu.memory_space<vmem>>, vector<1x2000x128xf32>
    %get3A_3 = vector.shape_cast %get3A_2 : vector<1x2000x128xf32> to vector<2000x128xf32>
    %get3A_4 = arith.constant 1 : index
    %get3A_5 = arith.constant 0 : index
    %get3A_6 = arith.constant 0 : index
    %get3A_7 = vector.load %arg1[%get3A_4, %get3A_5, %get3A_6] : memref<2x2000x128xf32, #tpu.memory_space<vmem>>, vector<1x2000x128xf32>
    %get3A_8 = vector.shape_cast %get3A_7 : vector<1x2000x128xf32> to vector<2000x128xf32>
    %add3A = arith.addf %get3A_3, %get3A_8 : vector<2000x128xf32>
    %get3A_9 = arith.constant 0 : index
    %get3A_10 = arith.constant 0 : index
    %get3A_11 = vector.load %arg2[%get3A_9, %get3A_10] : memref<128x128xf32, #tpu.memory_space<vmem>>, vector<128x128xf32>
    %dot_general3A = arith.constant dense<0.000000e+00> : vector<2000x128xf32>
    %dot_general3A_12 = tpu.matmul %add3A, %get3A_11, %dot_general3A {dimension_numbers = #tpu.dot_dimension_numbers<[1], [0], [0], [1], [0, 0, 1, 1], [], []>, transpose_lhs_hint = false} : vector<2000x128xf32>, vector<128x128xf32>, vector<2000x128xf32> -> vector<2000x128xf32>
    %max3A = arith.constant 0.000000e+00 : f32
    %max3A_13 = vector.broadcast %max3A : f32 to vector<2000x128xf32>
    %max3A_14 = arith.maximumf %dot_general3A_12, %max3A_13 : vector<2000x128xf32>
    %get3A_15 = arith.constant 0 : index
    %get3A_16 = arith.constant 0 : index
    %get3A_17 = vector.load %arg3[%get3A_15, %get3A_16] : memref<128x128xf32, #tpu.memory_space<vmem>>, vector<128x128xf32>
    %dot_general3A_18 = arith.constant dense<0.000000e+00> : vector<2000x128xf32>
    %dot_general3A_19 = tpu.matmul %max3A_14, %get3A_17, %dot_general3A_18 {dimension_numbers = #tpu.dot_dimension_numbers<[1], [0], [0], [1], [0, 0, 1, 1], [], []>, transpose_lhs_hint = false} : vector<2000x128xf32>, vector<128x128xf32>, vector<2000x128xf32> -> vector<2000x128xf32>
    %swap3A = arith.constant 0 : index
    %swap3A_20 = arith.constant 0 : index
    %swap3A_21 = vector.load %arg4[%swap3A, %swap3A_20] : memref<2000x128xf32, #tpu.memory_space<vmem>>, vector<2000x128xf32>
    tpu.vector_store %arg4[%swap3A, %swap3A_20], %dot_general3A_19 {strides = array<i32>} : memref<2000x128xf32, #tpu.memory_space<vmem>>, vector<2000x128xf32>,
    return
  }
  func.func @transform_0(%arg0: i32) -> (i32, i32, i32) {
    %c0_i32 = arith.constant 0 : i32
    %c0_i32_0 = arith.constant 0 : i32
    %c0_i32_1 = arith.constant 0 : i32
    return %c0_i32, %arg0, %c0_i32_0 : i32, i32, i32
  }
  func.func @transform_1(%arg0: i32) -> (i32, i32) {
    %c0_i32 = arith.constant 0 : i32
    %c0_i32_0 = arith.constant 0 : i32
    %c0_i32_1 = arith.constant 0 : i32
    return %c0_i32, %c0_i32_0 : i32, i32
  }
  func.func @transform_2(%arg0: i32) -> (i32, i32) {
    %c0_i32 = arith.constant 0 : i32
    %c0_i32_0 = arith.constant 0 : i32
    %c0_i32_1 = arith.constant 0 : i32
    return %c0_i32, %c0_i32_0 : i32, i32
  }
  func.func @transform_3(%arg0: i32) -> (i32, i32) {
    %c0_i32 = arith.constant 0 : i32
    %c0_i32_0 = arith.constant 0 : i32
    return %arg0, %c0_i32 : i32, i32
  }
}

module attributes {stable_mosaic.version = 14 : i64} {
  func.func @body(%arg0: i32, %arg1: memref<2x2000x128xf32, #tpu.memory_space<vmem>>, %arg2: memref<128x128xf32, #tpu.memory_space<vmem>>, %arg3: memref<128x128xf32, #tpu.memory_space<vmem>>, %arg4: memref<2000x128xf32, #tpu.memory_space<vmem>>) attributes {dimension_semantics = [#tpu.dimension_semantics<arbitrary>], iteration_bounds = array<i64: 5>, scalar_prefetch = 0 : i64, scratch_operands = 0 : i64, tpu.core_type = #tpu.core_type<tc>, window_params = [{transform_indices = @transform_0, window_bounds = array<i64: 2, 2000, 128>}, {pipeline_mode = #tpu.pipeline_mode<synchronous>, transform_indices = @transform_1, window_bounds = array<i64: 128, 128>}, {pipeline_mode = #tpu.pipeline_mode<synchronous>, transform_indices = @transform_2, window_bounds = array<i64: 128, 128>}, {transform_indices = @transform_3, window_bounds = array<i64: 2000, 128>}]} {
    %get3A = arith.constant 0 : index
    %get3A_0 = arith.constant 0 : index
    %get3A_1 = arith.constant 0 : index
    %get3A_2 = vector.load %arg1[%get3A, %get3A_0, %get3A_1] : memref<2x2000x128xf32, #tpu.memory_space<vmem>>, vector<1x2000x128xf32>
    %get3A_3 = vector.shape_cast %get3A_2 : vector<1x2000x128xf32> to vector<2000x128xf32>
    %get3A_4 = arith.constant 1 : index
    %get3A_5 = arith.constant 0 : index
    %get3A_6 = arith.constant 0 : index
    %get3A_7 = vector.load %arg1[%get3A_4, %get3A_5, %get3A_6] : memref<2x2000x128xf32, #tpu.memory_space<vmem>>, vector<1x2000x128xf32>
    %get3A_8 = vector.shape_cast %get3A_7 : vector<1x2000x128xf32> to vector<2000x128xf32>
    %add3A = arith.addf %get3A_3, %get3A_8 : vector<2000x128xf32>
    %get3A_9 = arith.constant 0 : index
    %get3A_10 = arith.constant 0 : index
    %get3A_11 = vector.load %arg2[%get3A_9, %get3A_10] : memref<128x128xf32, #tpu.memory_space<vmem>>, vector<128x128xf32>
    %dot_general3A = arith.constant dense<0.000000e+00> : vector<2000x128xf32>
    %dot_general3A_12 = tpu.matmul %add3A, %get3A_11, %dot_general3A {dimension_numbers = #tpu.dot_dimension_numbers<[1], [0], [0], [1], [0, 0, 1, 1], [], []>, transpose_lhs_hint = false} : vector<2000x128xf32>, vector<128x128xf32>, vector<2000x128xf32> -> vector<2000x128xf32>
    %max3A = arith.constant 0.000000e+00 : f32
    %max3A_13 = vector.broadcast %max3A : f32 to vector<2000x128xf32>
    %max3A_14 = arith.maximumf %dot_general3A_12, %max3A_13 : vector<2000x128xf32>
    %get3A_15 = arith.constant 0 : index
    %get3A_16 = arith.constant 0 : index
    %get3A_17 = vector.load %arg3[%get3A_15, %get3A_16] : memref<128x128xf32, #tpu.memory_space<vmem>>, vector<128x128xf32>
    %dot_general3A_18 = arith.constant dense<0.000000e+00> : vector<2000x128xf32>
    %dot_general3A_19 = tpu.matmul %max3A_14, %get3A_17, %dot_general3A_18 {dimension_numbers = #tpu.dot_dimension_numbers<[1], [0], [0], [1], [0, 0, 1, 1], [], []>, transpose_lhs_hint = false} : vector<2000x128xf32>, vector<128x128xf32>, vector<2000x128xf32> -> vector<2000x128xf32>
    %mul3A = arith.mulf %dot_general3A_19, %dot_general3A_19 : vector<2000x128xf32>
    %reduce_sum3A = arith.constant dense<0.000000e+00> : vector<2000xf32>
    %reduce_sum3A_20 = vector.multi_reduction <add>, %mul3A, %reduce_sum3A [1] : vector<2000x128xf32> to vector<2000xf32>
    %broadcast_in_dim3A = vector.shape_cast %reduce_sum3A_20 : vector<2000xf32> to vector<2000x1xf32>
    %sqrt3A = math.sqrt %broadcast_in_dim3A : vector<2000x1xf32>
    %max3A_21 = arith.constant 9.99999996E-13 : f32
    %max3A_22 = vector.broadcast %max3A_21 : f32 to vector<2000x1xf32>
    %max3A_23 = arith.maximumf %sqrt3A, %max3A_22 : vector<2000x1xf32>
    %div3A = vector.broadcast %max3A_23 : vector<2000x1xf32> to vector<2000x128xf32>
    %div3A_24 = arith.divf %dot_general3A_19, %div3A : vector<2000x128xf32>
    %swap3A = arith.constant 0 : index
    %swap3A_25 = arith.constant 0 : index
    %swap3A_26 = vector.load %arg4[%swap3A, %swap3A_25] : memref<2000x128xf32, #tpu.memory_space<vmem>>, vector<2000x128xf32>
    tpu.vector_store %arg4[%swap3A, %swap3A_25], %div3A_24 {strides = array<i32>} : memref<2000x128xf32, #tpu.memory_space<vmem>>, vector<2000x128xf32>,
    return
  }
  func.func @transform_0(%arg0: i32) -> (i32, i32, i32) {
    %c0_i32 = arith.constant 0 : i32
    %c0_i32_0 = arith.constant 0 : i32
    %c0_i32_1 = arith.constant 0 : i32
    return %c0_i32, %arg0, %c0_i32_0 : i32, i32, i32
  }
  func.func @transform_1(%arg0: i32) -> (i32, i32) {
    %c0_i32 = arith.constant 0 : i32
    %c0_i32_0 = arith.constant 0 : i32
    %c0_i32_1 = arith.constant 0 : i32
    return %c0_i32, %c0_i32_0 : i32, i32
  }
  func.func @transform_2(%arg0: i32) -> (i32, i32) {
    %c0_i32 = arith.constant 0 : i32
    %c0_i32_0 = arith.constant 0 : i32
    %c0_i32_1 = arith.constant 0 : i32
    return %c0_i32, %c0_i32_0 : i32, i32
  }
  func.func @transform_3(%arg0: i32) -> (i32, i32) {
    %c0_i32 = arith.constant 0 : i32
    %c0_i32_0 = arith.constant 0 : i32
    return %arg0, %c0_i32 : i32, i32
  }
}

</mosaic_0001>

<sc_bundles>
// kernel: kernel.6.cloned.1.call-start
scs
__scs_entry_jumppad:
0x0: {  	(pc) =	sbr.rel $0x88, $3  }
0x1: {  	(tag) =	ssettag $0x0;
	lr =	simm.s32 $0x1  }
0x2: {  	[smem:$0x3F9B] =	sst lr;
	_ =	strace $0xD0000000  }
0x3: {  	_ = 	snop  }
0x4: {  	_ = 	snop  }
0x5: {  	_ = 	snop  }
0x6: {  	_ = 	snop  }
0x7: {  	_ = 	snop  }
__scs_overlays_trampoline_lowered:
0x8: {  	[smem:$0x3FAA] =	sst s0  }
0x9: {  	[smem:$0x3FAB] =	sst s1  }
0xa: {  	[smem:$0x3FAC] =	sst s2  }
0xb: {  	[smem:$0x3FAD] =	sst s3  }
0xc: {  	[smem:$0x3FAE] =	sst s4  }
0xd: {  	[smem:$0x3FAF] =	sst s5  }
0xe: {  	[smem:$0x3FB0] =	sst s6  }
0xf: {  	[smem:$0x3FB1] =	sst s7  }
0x10: {  	[smem:$0x3FB2] =	sst s8  }
0x11: {  	[smem:$0x3FB3] =	sst s9;
	s0 =	simm.s32 @!p0 $0x0  }
0x12: {  	s1 =	sld [smem:$0x3F99];
	s0 =	simm.s32 @p0 $0x1  }
0x13: {  	[smem:$0x3FB4] =	sst s0;
	s0 =	simm.s32 @!p1 $0x0  }
0x14: {  	s2 =	sld [smem:$0x3F98];
	s0 =	simm.s32 @p1 $0x1  }
0x15: {  	[smem:$0x3FB5] =	sst s0;
	s0 =	simm.s32 @!p2 $0x0  }
0x16: {  	s3 =	sld [smem:$0x3FDB];
	s0 =	simm.s32 @p2 $0x1  }
0x17: {  	s4 =	simm.s32 $0x1BF5;
	[smem:$0x3FB7] =	sst s0  }
0x18: {  	s0 =	sld [smem:$0x3F9A];
	_ =	swait.ge [sflag:s4], $0x0  }
0x19: {  	s7 =	sld [smem:$0x3F9B]  }
0x1a: {  	s8 =	sadd.s32 $0xFFFFE003, lr  }
0x1b: {  	s9 =	sadd.s32 $0xFFFFFEF7, lr;
	s5 =	simm.s32 $0xFFFFFFFF;
	p2 =	slt.u32 s8, $0xFFFFF086  }
0x1c: {  	p1 =	slt.u32 s9, $0xF7A;
	s5 =	simm.s32 @!p2 $0x0  }
0x1d: {  	s5 =	simm.s32 @p1 $0x1;
	p0 =	seq.s32 s7, s2  }
0x1e: {  	s7 =	smul.u32 @!p0 $0xF7A, s2;
	p2 =	seq.s32 @!p0 s5, $0x0  }
0x1f: {  	s9 =	smul.u32 $0xF7A, s1;
	s8 =	simm.s32 @!p0 $0x1BF5;
	p2 =	por !p2, p0  }
0x20: {  	[sflag:s8] =	ssyncset.s32 @!p0 $0xFFFFF086;
	s6 =	sadd.s32 @!p0 s3, s7;
	s7 =	simm.s32 @!p0 $0x108  }
0x21: {  	s3 =	sadd.s32 s3, s9;
	s6 =	sadd.s32 @!p0 $0x88, s6;
	s7 =	simm.s32 @p2 $0x1082  }
0x22: {  	[simem:s7], [sflag:s8] =	dma.local @!p0 [hbm:s6], $0xF7A  }
0x23: {  	s9 =	sor.u32 $0xD0000000, s2;
	s6 =	simm.s32 $0x108;
	_ =	swait.ge @!p0 [sflag:s8], $0x0  }
0x24: {  	s3 =	sadd.s32 $0x88, s3;
	s6 =	simm.s32 @!p1 $0x1082;
	[sflag:s4] =	ssyncset.s32 $0xFFFFF086  }
0x25: {  	[simem:s6], [sflag:s4] =	dma.local [hbm:s3], $0xF7A  }
0x26: {  	[smem:$0x3F9B] =	sst s1;
	(tag) =	ssettag s2;
	_ =	strace s9  }
0x27: {  	s1 =	sld [smem:$0x3FAB]  }
0x28: {  	s2 =	sld [smem:$0x3FAC]  }
0x29: {  	s4 =	sld [smem:$0x3FAE]  }
0x2a: {  	p0 =	seq.s32 s5, $0x0;
	s5 =	sld [smem:$0x3FAF]  }
0x2b: {  	s6 =	sld [smem:$0x3FB0]  }
0x2c: {  	s7 =	sld [smem:$0x3FB1]  }
0x2d: {  	s3 =	simm.s32 $0x108;
	s8 =	sld [smem:$0x3FB2]  }
0x2e: {  	s3 =	simm.s32 @!p0 $0x1082;
	s9 =	sld [smem:$0x3FB3]  }
0x2f: {  	lr =	sadd.s32 s0, s3;
	s0 =	sld [smem:$0x3FAA]  }
0x30: {  	s3 =	sld [smem:$0x3FAD]  }
0x31: {  	[smem:$0x3FB6] =	sst s10  }
0x32: {  	s10 =	sld [smem:$0x3FB4];
	_ =	sdelay $0x3  }
0x33: {  	p0 =	seq.s32 s10, $0x1;
	s10 =	sld [smem:$0x3FB6];
	_ =	sdelay $0x3  }
0x34: {  	[smem:$0x3FB6] =	sst s10  }
0x35: {  	s10 =	sld [smem:$0x3FB5];
	_ =	sdelay $0x3  }
0x36: {  	p1 =	seq.s32 s10, $0x1;
	s10 =	sld [smem:$0x3FB6];
	_ =	sdelay $0x3  }
0x37: {  	[smem:$0x3FB6] =	sst s10  }
0x38: {  	s10 =	sld [smem:$0x3FB7]  }
0x39: {  	_ = 	snop;
	(pc) =	sbr.ind lr, $3  }
0x3a: {  	_ = 	snop  }
0x3b: {  	_ = 	snop  }
0x3c: {  	p2 =	seq.s32 s10, $0x1;
	s10 =	sld [smem:$0x3FB6]  }
0x3d: {  	_ =	shalt  }
0x3e: {  	_ =	shalt  }
0x3f: {  	_ =	shalt  }
0x40: {  	_ =	shalt  }
0x41: {  	_ =	shalt  }
0x42: {  	_ =	shalt  }
0x43: {  	_ =	shalt  }
0x44: {  	_ =	shalt  }
0x45: {  	_ =	shalt  }
0x46: {  	_ =	shalt  }
0x47: {  	_ =	shalt  }
0x48: {  	_ =	shalt  }
0x49: {  	_ =	shalt  }
0x4a: {  	_ =	shalt  }
0x4b: {  	_ =	shalt  }
0x4c: {  	_ =	shalt  }
0x4d: {  	_ =	shalt  }
0x4e: {  	_ =	shalt  }
0x4f: {  	_ =	shalt  }
0x50: {  	_ =	shalt  }
0x51: {  	_ =	shalt  }
0x52: {  	_ =	shalt  }
0x53: {  	_ =	shalt  }
0x54: {  	_ =	shalt  }
0x55: {  	_ =	shalt  }
0x56: {  	_ =	shalt  }
0x57: {  	_ =	shalt  }
0x58: {  	_ =	shalt  }
0x59: {  	_ =	shalt  }
0x5a: {  	_ =	shalt  }
0x5b: {  	_ =	shalt  }
0x5c: {  	_ =	shalt  }
0x5d: {  	_ =	shalt  }
0x5e: {  	_ =	shalt  }
0x5f: {  	_ =	shalt  }
0x60: {  	_ =	shalt  }
0x61: {  	_ =	shalt  }
0x62: {  	_ =	shalt  }
0x63: {  	_ =	shalt  }
0x64: {  	_ =	shalt  }
0x65: {  	_ =	shalt  }
0x66: {  	_ =	shalt  }
0x67: {  	_ =	shalt  }
0x68: {  	_ =	shalt  }
0x69: {  	_ =	shalt  }
0x6a: {  	_ =	shalt  }
0x6b: {  	_ =	shalt  }
0x6c: {  	_ =	shalt  }
0x6d: {  	_ =	shalt  }
0x6e: {  	_ =	shalt  }
0x6f: {  	_ =	shalt  }
0x70: {  	_ =	shalt  }
0x71: {  	_ =	shalt  }
0x72: {  	_ =	shalt  }
0x73: {  	_ =	shalt  }
0x74: {  	_ =	shalt  }
0x75: {  	_ =	shalt  }
0x76: {  	_ =	shalt  }
0x77: {  	_ =	shalt  }
0x78: {  	_ =	shalt  }
0x79: {  	_ =	shalt  }
0x7a: {  	_ =	shalt  }
0x7b: {  	_ =	shalt  }
0x7c: {  	_ =	shalt  }
0x7d: {  	_ =	shalt  }
0x7e: {  	_ =	shalt  }
0x7f: {  	_ =	shalt  }
0x80: {  	_ =	shalt  }
0x81: {  	_ =	shalt  }
0x82: {  	_ =	shalt  }
0x83: {  	_ =	shalt  }
0x84: {  	_ =	shalt  }
0x85: {  	_ =	shalt  }
0x86: {  	_ =	shalt  }
0x87: {  	_ =	shalt  }
.Lfunc_end0:
.L_simem_size_0:
called_computation_lowered:
.L_overlay_start_0:
0x88: {  	s2 =	sld [smem:$0x3FD9]  }
0x89: {  	s3 =	sld [smem:$0x3FFE];
	_ =	sdelay $0x1  }
0x8a: {  	s1 =	srdreg.scid  }
0x8b: {  	s0 =	sand.u32 $0x1, s1  }
0x8c: {  	s17 =	sshll.u32 s0, $0xA;
	s2 =	sadd.s32 s3, s2  }
0x8d: {  	s2 =	sadd.s32 s2, s17  }
0x8e: {  	[smem:$0x3FC2] =	sst s2  }
0x8f: {  	_ = 	snop  }
0x90: {  	s2 =	sld [smem:$0x3FC9]  }
0x91: {  	s18 =	sld [smem:$0x3FD0];
	(tm) =	ssettm $0x1  }
0x92: {  	s4 =	sld [smem:$0x3FFB];
	_ =	sdelay $0x3  }
0x93: {  	_ =	strace s4  }
0x94: {  	s4 =	sld [smem:$0x3FFC];
	_ =	sdelay $0x3  }
0x95: {  	_ =	strace s4  }
0x96: {  	s4 =	sld [smem:$0x3FFD];
	_ =	sdelay $0x3  }
0x97: {  	_ =	strace s4  }
0x98: {  	_ =	strace $0x8FFFFFFF  }
0x99: {  	s19 =	sld [smem:$0x3FDB];
	_ =	sdelay $0x1  }
0x9a: {  	s5 =	simm.s32 $_scs_section_size  }
0x9b: {  	s6 =	simm.s32 $_size__tile_overlayer_lowered;
	s7 =	simm.s32 $_tile_overlayer_lowered  }
0x9c: {  	s22 =	simm.s32 $0x1BFF;
	s21 =	sshll.u32 s7, $0x1;
	s4 =	sadd.s32 s5, s19  }
0x9d: {  	s8 =	simm.s32 $0x0;
	s20 =	sshll.u32 s6, $0x1;
	s6 =	sadd.s32 s21, s4  }
0x9e: {  	[timem:s8], [sflag:s22] =	dma.local [hbm:s6], s20  }
0x9f: {  	_ =	swait.ge [sflag:s22], s20  }
0xa0: {  	s5 =	ssub.s32 $0x0, s20;
	[sflag:s22] =	ssyncset.done $0x0  }
0xa1: {  	[sflag:s22] =	ssyncadd.s32 s5;
	_ =	sdelay $0x1  }
0xa2: {  	s23 =	simm.s32 $0x1B8B  }
0xa3: {  	_ =	swait.ge [sflag:s23], $0x1  }
0xa4: {  	[sflag:s23] =	ssyncset.done $0x0  }
0xa5: {  	s25 =	simm.s32 $0x1B8E;
	s24 =	sld [smem:$0x3FFE];
	[sflag:s23] =	ssyncadd.s32 $0xFFFFFFFF  }
0xa6: {  	s26 =	simm.s32 $execute0_lowered;
	[smem:$0x3FD2] =	sst s25  }
0xa7: {  	s6 =	sshll.u32 s26, $0x1;
	_ =	strace $0x80000046;
	[dreg:$0x1] =	wrdreg $0xFFFFFFFF  }
0xa8: {  	s28 =	simm.s32 $_size_execute0_lowered;
	s4 =	sadd.s32 s4, s6;
	[dreg:$0x0] =	wrdreg $0x0  }
0xa9: {  	s6 =	sshll.u32 s28, $0x1;
	[dreg:$0x2] =	wrdreg s4  }
0xaa: {  	[dreg:$0x3] =	wrdreg s6  }
0xab: {  	[dreg:$0x4] =	wrdreg $0xC0  }
0xac: {  	_ =	task [dreg:s8], $0x5FFFF  }
0xad: {  	[dreg:$0x1] =	wrdreg $0xFFFFFFFF  }
0xae: {  	[dreg:$0x0] =	wrdreg $0x60  }
0xaf: {  	[dreg:$0x2] =	wrdreg s2  }
0xb0: {  	[dreg:$0x3] =	wrdreg s24  }
0xb1: {  	[dreg:$0x4] =	wrdreg s18  }
0xb2: {  	[dreg:$0x5] =	wrdreg $0x54000  }
0xb3: {  	[dreg:$0x6] =	wrdreg $0x9  }
0xb4: {  	_ =	task.clear_ibuf [dreg:s8], $0x7FFFF;
	_ =	strace $0x90000046  }
0xb5: {  	s29 =	simm.s32 $0x9;
	_ =	strace $0x80000048  }
0xb6: {  	_ =	swait.ge [sflag:s29], $0x1  }
0xb7: {  	[sflag:s29] =	ssyncadd.s32 $0xFFFFFFFF  }
0xb8: {  	_ =	strace $0x90000048  }
0xb9: {  	_ =	sfence  }
0xba: {  	s30 =	sld [smem:$0x0];
	_ =	sdelay $0x2  }
0xbb: {  	s31 =	sshll.u32 s1, $0xD;
	s1 =	sshrl.u32 s1, $0x2  }
0xbc: {  	s3 =	sand.u32 $0x4000, s31;
	s1 =	sadd.s32 s1, s30  }
0xbd: {  	s0 =	sor.u32 s3, s0;
	s1 =	sshll.u32 s1, $0x11  }
0xbe: {  	s0 =	sor.u32 s1, s0  }
0xbf: {  	s0 =	sadd.s32 $0x8F2B, s0  }
0xc0: {  	[sflag:s0] =	ssyncadd.remote.s32 $0x1  }
0xc1: {  	_ =	sfence.sel $0xFFFF  }
0xc2: {  	[dreg:$0x0] =	wrdreg $0xFFFFFFFF;
	(pc) =	sbr.abs _section_cstart, $3  }
0xc3: {  	[dreg:$0x1] =	wrdreg $0xFFFFFFFF  }
0xc4: {  	_ =	task.clear_ibuf [dreg:s8], $0x2FFFF;
	_ =	strace $0x9FFFFFFF  }
0xc5: {  	(tm) =	ssettm $0x7FFFFFFF  }
tec
execute0_lowered:
.L_overlay_start_1:
0x0: {  	(tag) =	ssettag $0x1  }
0x1: {  	s1 =	rddreg [dreg:$0x0]  }
0x2: {  	s0 =	rddreg [dreg:$0x1]  }
0x3: {  	s11 =	rddreg [dreg:$0x2]  }
0x4: {  	s3 =	rddreg [dreg:$0x3];
	s5 =	simm.s32 $0x0  }
0x5: {  	s2 =	srdreg.scid;
	s12 =	stileid.u32;
	s29 =	simm.s32 $0x300  }
0x6: {  	s30 =	simm.s32 $0x2;
	s31 =	simm.s32 $0x2C00;
	[smem:$0x7FF] =	sst s5  }
0x7: {  	s2 =	sand.u32 $0x1, s2;
	s4 =	sadd.s32 $0xE00, s0;
	s10 =	smul.u32 $0x4E000, s12  }
0x8: {  	s6 =	sshll.u32 s12, $0x10;
	s0 =	sadd.s32 $0x20E00, s0;
	s28 =	smul.u32 $0x2700, s12  }
0x9: {  	s17 =	smul.u32 $0x13800, s12;
	s18 =	sadd.s32 $0x138000, s3;
	p1 =	seq.s32 s12, $0xF  }
0xa: {  	p2 =	sne.s32 s12, $0xF;
	s12 =	simm.s32 $0x3;
	_ =	strace $0x80000047  }
0xb: {  	s7 =	sshll.u32 s2, $0xF;
	s8 =	ssub.s32 $0x2, s2;
	s16 =	smul.u32 $0x138800, s2  }
0xc: {  	[dreg:$0xa] =	wrdreg s18;
	p0 =	sne.s32 s2, $0x0;
	s2 =	simm.s32 $0x80  }
0xd: {  	s6 =	sor.u32 s7, s6;
	s26 =	sshrl.u32 s8, $0x1;
	s15 =	sshrl.u32 s10, $0x2  }
0xe: {  	s11 =	sadd.s32 s11, s28;
	s10 =	simm.s32 $0x7;
	s9 =	sshrl.u32 s6, $0x3  }
0xf: {  	s7 =	ssub.s32 s8, s26;
	[dreg:$0x9] =	wrdreg s11;
	s8 =	sadd.s32 s1, s28  }
0x10: {  	s21 =	sadd.s32 s17, s16;
	s22 =	sshrl.u32 s16, $0x3;
	s23 =	sor.u32 $0x800, s6  }
0x11: {  	s26 =	sor.u32 $0x700, s6;
	s28 =	sor.u32 $0x600, s6;
	s6 =	sor.u32 $0x500, s6  }
0x12: {  	s16 =	simm.s32 $0x0;
	s13 =	sadd.s32 s4, s9;
	[dreg:$0xb] =	wrdreg s8  }
0x13: {  	s8 =	sshrl.u32 s21, $0x3;
	s24 =	sshrl.u32 s23, $0x3;
	s25 =	smax.u32 s7, $0x1  }
0x14: {  	s7 =	sshrl.u32 s28, $0x3;
	s6 =	sshrl.u32 s6, $0x3;
	s23 =	simm.s32 $0x200  }
0x15: {  	s9 =	sadd.s32 $0x20, s13;
	s14 =	sadd.s32 $0x40, s13;
	[dreg:$0x5] =	wrdreg s13  }
0x16: {  	s19 =	sadd.s32 $0x60, s13;
	s20 =	sadd.s32 $0x80, s13;
	[dreg:$0x10] =	wrdreg s25  }
0x17: {  	s8 =	sadd.s32 s0, s8;
	s0 =	sadd.s32 s0, s22;
	[dreg:$0x6] =	wrdreg s9  }
0x18: {  	s18 =	sadd.s32 s24, s4;
	s21 =	sadd.s32 s6, s4;
	[dreg:$0x7] =	wrdreg s14  }
0x19: {  	s22 =	simm.s32 $0x100;
	s24 =	simm.s32 $0x1;
	[dreg:$0xc] =	wrdreg s19  }
0x1a: {  	s25 =	simm.s32 $0x50;
	s13 =	simm.s32 $0x280;
	[dreg:$0xd] =	wrdreg s20  }
0x1b: {  	s9 =	sadd.s32 s15, s3;
	[dreg:$0xe] =	wrdreg s8;
	s0 =	sadd.s32 $0x27000, s0  }
0x1c: {  	s20 =	sadd.s32 s7, s4;
	s7 =	simm.s32 $0x180;
	[dreg:$0x8] =	wrdreg s9  }
0x1d: {  	s8 =	simm.s32 $0x8;
	s14 =	simm.s32 $0x380;
	[dreg:$0xf] =	wrdreg s0  }
0x1e: {  	s0 =	sshrl.u32 s26, $0x3;
	s26 =	simm.s32 $0x400;
	s9 =	simm.s32 $0x4  }
0x1f: {  	s19 =	sadd.s32 s0, s4;
	s0 =	simm.s32 $0x5;
	s4 =	simm.s32 $0x6  }
.LBB2_1:
0x20: {  	s6 =	rddreg [dreg:$0x5]  }
0x21: {  	s11 =	rddreg [dreg:$0x6]  }
0x22: {  	[tilespmem:s5], [sflag:$0x1] =	stream.linear.gather [hbm4b:s6+s5], $0x100, $0x38;
	[tilespmem:$0x18C80] =	vst v63  }
.Ltmp0:
0x23: {  	s17 =	stileid.u32;
	(pc) =	sbr.rel @p0 .LBB2_4-.Ltmp0, $4  }
0x24: {  	s28 =	rddreg [dreg:$0x8];
	s17 =	sshll.u32 s17, $0x6  }
0x25: {  	[tilespmem:s22], [sflag:$0x2] =	stream.linear.gather [hbm4b:s11+s5], $0x100, $0x38;
	[tilespmem:$0x18C80] =	vst v63  }
0x26: {  	s15 =	rddreg [dreg:$0x7];
	s6 =	sshrl.u32 s28, $0x3;
	s11 =	sor.u32 $0x1C09, s17  }
0x27: {  	[tilespmem:s23], [sflag:$0x3] =	stream.linear.gather [hbm4b:s15+s5], $0x100, $0x38;
	[tilespmem:$0x18C80] =	vst v63  }
.Ltmp1:
0x28: {  	(pc) =	sbr.rel @p1 .LBB2_5-.Ltmp1, $4  }
0x29: {  	_ = 	snop  }
0x2a: {  	s11 =	sor.u32 $0x1C09, s17;
	s15 =	rddreg [dreg:$0xb]  }
0x2b: {  	[spmem:s6], [sflag:s11] =	dma.local [hbm:s15], $0x2700  }
0x2c: {  	s15 =	smov.u32 s1  }
.LBB2_3:
0x2d: {  	_ =	swait.ge [sflag:s24], $0x100  }
0x2e: {  	[sflag:s24] =	ssyncset.done $0x0  }
.Ltmp2:
0x2f: {  	s11 =	simm.s32 $0x9;
	[sflag:s24] =	ssyncadd.s32 $0xFFFFFF00;
	(pc) =	sbr.rel .LBB2_6-.Ltmp2, $4  }
0x30: {  	[tilespmem:s26], [sflag:$0x5] =	stream.indirect.gather [hbm4b:s1+s25], $0x80, s5, s25, $0xb8;
	[tilespmem:$0x18C80] =	vst v63  }
0x31: {  	_ =	swait.ge [sflag:s11], $0x2700  }
0x32: {  	[sflag:s11] =	ssyncset.done $0x0  }
0x33: {  	[sflag:s11] =	ssyncadd.s32 $0xFFFFD900  }
.LBB2_4:
.Ltmp3:
0x34: {  	(pc) =	sbr.rel @p2 .LBB2_3-.Ltmp3, $4  }
0x35: {  	_ = 	snop  }
0x36: {  	s15 =	rddreg [dreg:$0x9]  }
0x37: {  	[spmem:s6], [sflag:s11] =	dma.local [hbm:s15], $0x2700  }
0x38: {  	s15 =	rddreg [dreg:$0x2]  }
.LBB2_5:
0x39: {  	s28 =	rddreg [dreg:$0xa]  }
0x3a: {  	s15 =	sadd.s32 $0x27000, s15;
	s28 =	sshrl.u32 s28, $0x3  }
0x3b: {  	[spmem:s28], [sflag:s11] =	dma.local [hbm:s15], $0x100  }
0x3c: {  	_ =	swait.ge [sflag:s24], $0x100  }
0x3d: {  	[sflag:s24] =	ssyncset.done $0x0  }
0x3e: {  	s28 =	simm.s32 $0x9;
	[sflag:s24] =	ssyncadd.s32 $0xFFFFFF00  }
0x3f: {  	[tilespmem:s26], [sflag:$0x5] =	stream.indirect.gather [hbm4b:s1+s25], $0x80, s5, s25, $0xb8;
	[tilespmem:$0x18C80] =	vst v63  }
0x40: {  	_ =	swait.ge [sflag:s28], $0x2700  }
0x41: {  	[sflag:s28] =	ssyncset.done $0x0  }
0x42: {  	[sflag:s28] =	ssyncadd.s32 $0xFFFFD900  }
0x43: {  	_ =	swait.ge [sflag:s28], $0x100  }
0x44: {  	[sflag:s28] =	ssyncset.done $0x0  }
0x45: {  	[sflag:s28] =	ssyncadd.s32 $0xFFFFFF00  }
.LBB2_6:
0x46: {  	[bflag:$0x0] =	sbarrier.arrive $0xFFFF  }
0x47: {  	s11 =	simm.s32 $0x0;
	s15 =	rddreg [dreg:$0xc]  }
0x48: {  	[tilespmem:s29], [sflag:$0x4] =	stream.linear.gather [hbm4b:s15+s11], $0x100, $0x38;
	[tilespmem:$0x18C80] =	vst v63  }
0x49: {  	_ =	swait.ge [sflag:s30], $0x100  }
0x4a: {  	[sflag:s30] =	ssyncset.done $0x0  }
0x4b: {  	[sflag:s30] =	ssyncadd.s32 $0xFFFFFF00  }
0x4c: {  	[tilespmem:s31], [sflag:$0x6] =	stream.indirect.gather [hbm4b:s1+s25], $0x80, s22, s25, $0xb8;
	[tilespmem:$0x18C80] =	vst v63  }
0x4d: {  	_ =	swait.ge [sflag:s0], $0x2800  }
0x4e: {  	[sflag:s0] =	ssyncset.done $0x0  }
0x4f: {  	[sflag:s0] =	ssyncadd.s32 $0xFFFFD800  }
0x50: {  	[spmem:s3] =	stream.indirect.scatter.add.f32 [tilespmem:s26], [sflag:$0x7], $0x80, s2, s25, $0xb8;
	[tilespmem:$0x18C80] =	vst v63  }
0x51: {  	_ =	swait.ge [sflag:s10], $0x2800  }
0x52: {  	[sflag:s10] =	ssyncset.done $0x0  }
0x53: {  	s28 =	rddreg [dreg:$0xd];
	[sflag:s10] =	ssyncadd.s32 $0xFFFFD800  }
0x54: {  	[tilespmem:s11], [sflag:$0x1] =	stream.linear.gather [hbm4b:s28+s11], $0x100, $0x38;
	[tilespmem:$0x18C80] =	vst v63  }
0x55: {  	_ =	swait.ge [sflag:s12], $0x100  }
0x56: {  	[sflag:s12] =	ssyncset.done $0x0  }
0x57: {  	[sflag:s12] =	ssyncadd.s32 $0xFFFFFF00  }
0x58: {  	[tilespmem:s26], [sflag:$0x5] =	stream.indirect.gather [hbm4b:s1+s25], $0x80, s23, s25, $0xb8;
	[tilespmem:$0x18C80] =	vst v63  }
0x59: {  	_ =	swait.ge [sflag:s4], $0x2800  }
0x5a: {  	[sflag:s4] =	ssyncset.done $0x0  }
0x5b: {  	[sflag:s4] =	ssyncadd.s32 $0xFFFFD800  }
0x5c: {  	[spmem:s3] =	stream.indirect.scatter.add.f32 [tilespmem:s31], [sflag:$0x8], $0x80, s7, s25, $0xb8;
	[tilespmem:$0x18C80] =	vst v63  }
0x5d: {  	_ =	swait.ge [sflag:s8], $0x2800  }
0x5e: {  	[sflag:s8] =	ssyncset.done $0x0  }
0x5f: {  	s15 =	sadd.s32 $0x0, s21;
	[sflag:s8] =	ssyncadd.s32 $0xFFFFD800  }
0x60: {  	[tilespmem:s22], [sflag:$0x2] =	stream.linear.gather [hbm4b:s15+s5], $0x100, $0x38;
	[tilespmem:$0x18C80] =	vst v63  }
0x61: {  	_ =	swait.ge [sflag:s9], $0x100  }
0x62: {  	[sflag:s9] =	ssyncset.done $0x0  }
0x63: {  	[sflag:s9] =	ssyncadd.s32 $0xFFFFFF00  }
0x64: {  	[tilespmem:s31], [sflag:$0x6] =	stream.indirect.gather [hbm4b:s1+s25], $0x80, s29, s25, $0xb8;
	[tilespmem:$0x18C80] =	vst v63  }
0x65: {  	_ =	swait.ge [sflag:s0], $0x2800  }
0x66: {  	[sflag:s0] =	ssyncset.done $0x0  }
0x67: {  	[sflag:s0] =	ssyncadd.s32 $0xFFFFD800  }
0x68: {  	[spmem:s3] =	stream.indirect.scatter.add.f32 [tilespmem:s26], [sflag:$0x7], $0x80, s13, s25, $0xb8;
	[tilespmem:$0x18C80] =	vst v63  }
0x69: {  	_ =	swait.ge [sflag:s10], $0x2800  }
0x6a: {  	[sflag:s10] =	ssyncset.done $0x0  }
0x6b: {  	s28 =	sadd.s32 $0x0, s20;
	[sflag:s10] =	ssyncadd.s32 $0xFFFFD800  }
0x6c: {  	[tilespmem:s23], [sflag:$0x3] =	stream.linear.gather [hbm4b:s28+s5], $0x100, $0x38;
	[tilespmem:$0x18C80] =	vst v63  }
0x6d: {  	_ =	swait.ge [sflag:s24], $0x100  }
0x6e: {  	[sflag:s24] =	ssyncset.done $0x0  }
0x6f: {  	[sflag:s24] =	ssyncadd.s32 $0xFFFFFF00  }
0x70: {  	[tilespmem:s26], [sflag:$0x5] =	stream.indirect.gather [hbm4b:s1+s25], $0x80, s5, s25, $0xb8;
	[tilespmem:$0x18C80] =	vst v63  }
0x71: {  	_ =	swait.ge [sflag:s4], $0x2800  }
0x72: {  	[sflag:s4] =	ssyncset.done $0x0  }
0x73: {  	[sflag:s4] =	ssyncadd.s32 $0xFFFFD800  }
0x74: {  	[spmem:s3] =	stream.indirect.scatter.add.f32 [tilespmem:s31], [sflag:$0x8], $0x80, s14, s25, $0xb8;
	[tilespmem:$0x18C80] =	vst v63  }
0x75: {  	_ =	swait.ge [sflag:s8], $0x2800  }
0x76: {  	[sflag:s8] =	ssyncset.done $0x0  }
0x77: {  	s15 =	sadd.s32 $0x0, s19;
	[sflag:s8] =	ssyncadd.s32 $0xFFFFD800  }
0x78: {  	[tilespmem:s29], [sflag:$0x4] =	stream.linear.gather [hbm4b:s15+s5], $0x100, $0x38;
	[tilespmem:$0x18C80] =	vst v63  }
0x79: {  	_ =	swait.ge [sflag:s30], $0x100  }
0x7a: {  	[sflag:s30] =	ssyncset.done $0x0  }
0x7b: {  	[sflag:s30] =	ssyncadd.s32 $0xFFFFFF00  }
0x7c: {  	[tilespmem:s31], [sflag:$0x6] =	stream.indirect.gather [hbm4b:s1+s25], $0x80, s22, s25, $0xb8;
	[tilespmem:$0x18C80] =	vst v63  }
0x7d: {  	_ =	swait.ge [sflag:s0], $0x2800  }
0x7e: {  	[sflag:s0] =	ssyncset.done $0x0  }
0x7f: {  	[sflag:s0] =	ssyncadd.s32 $0xFFFFD800  }
0x80: {  	[spmem:s3] =	stream.indirect.scatter.add.f32 [tilespmem:s26], [sflag:$0x7], $0x80, s2, s25, $0xb8;
	[tilespmem:$0x18C80] =	vst v63  }
0x81: {  	_ =	swait.ge [sflag:s10], $0x2800  }
0x82: {  	[sflag:s10] =	ssyncset.done $0x0  }
0x83: {  	s28 =	sadd.s32 $0x0, s18;
	[sflag:s10] =	ssyncadd.s32 $0xFFFFD800  }
0x84: {  	[tilespmem:s5], [sflag:$0x1] =	stream.linear.gather [hbm4b:s28+s5], $0x100, $0x38;
	[tilespmem:$0x18C80] =	vst v63  }
0x85: {  	_ =	swait.ge [sflag:s12], $0x100  }
0x86: {  	[sflag:s12] =	ssyncset.done $0x0  }
0x87: {  	[sflag:s12] =	ssyncadd.s32 $0xFFFFFF00  }
0x88: {  	[tilespmem:s26], [sflag:$0x5] =	stream.indirect.gather [hbm4b:s1+s25], $0x80, s23, s25, $0xb8;
	[tilespmem:$0x18C80] =	vst v63  }
0x89: {  	_ =	swait.ge [sflag:s4], $0x2800  }
0x8a: {  	[sflag:s4] =	ssyncset.done $0x0  }
0x8b: {  	s11 =	simm.s32 $0x80;
	[sflag:s4] =	ssyncadd.s32 $0xFFFFD800  }
.LBB2_7:
0x8c: {  	[spmem:s3] =	stream.indirect.scatter.add.f32 [tilespmem:s31], [sflag:$0x8], $0x80, s7, s25, $0xb8;
	[tilespmem:$0x18C80] =	vst v63  }
0x8d: {  	s15 =	smov.u32 s11  }
0x8e: {  	p3 =	sne.s32 s11, $0xE80;
	s11 =	sadd.s32 $0x80, s11;
	_ =	swait.ge [sflag:s8], $0x2800  }
0x8f: {  	[sflag:s8] =	ssyncset.done $0x0  }
0x90: {  	s28 =	sadd.s32 s15, s21;
	[sflag:s8] =	ssyncadd.s32 $0xFFFFD800  }
0x91: {  	[tilespmem:s22], [sflag:$0x2] =	stream.linear.gather [hbm4b:s28+s5], $0x100, $0x38;
	[tilespmem:$0x18C80] =	vst v63  }
0x92: {  	_ =	swait.ge [sflag:s9], $0x100  }
0x93: {  	[sflag:s9] =	ssyncset.done $0x0  }
0x94: {  	[sflag:s9] =	ssyncadd.s32 $0xFFFFFF00  }
0x95: {  	[tilespmem:s31], [sflag:$0x6] =	stream.indirect.gather [hbm4b:s1+s25], $0x80, s29, s25, $0xb8;
	[tilespmem:$0x18C80] =	vst v63  }
0x96: {  	_ =	swait.ge [sflag:s0], $0x2800  }
0x97: {  	[sflag:s0] =	ssyncset.done $0x0  }
0x98: {  	[sflag:s0] =	ssyncadd.s32 $0xFFFFD800  }
0x99: {  	[spmem:s3] =	stream.indirect.scatter.add.f32 [tilespmem:s26], [sflag:$0x7], $0x80, s13, s25, $0xb8;
	[tilespmem:$0x18C80] =	vst v63  }
0x9a: {  	_ =	swait.ge [sflag:s10], $0x2800  }
0x9b: {  	[sflag:s10] =	ssyncset.done $0x0  }
0x9c: {  	s28 =	sadd.s32 s15, s20;
	[sflag:s10] =	ssyncadd.s32 $0xFFFFD800  }
0x9d: {  	[tilespmem:s23], [sflag:$0x3] =	stream.linear.gather [hbm4b:s28+s5], $0x100, $0x38;
	[tilespmem:$0x18C80] =	vst v63  }
0x9e: {  	_ =	swait.ge [sflag:s24], $0x100  }
0x9f: {  	[sflag:s24] =	ssyncset.done $0x0  }
0xa0: {  	[sflag:s24] =	ssyncadd.s32 $0xFFFFFF00  }
0xa1: {  	[tilespmem:s26], [sflag:$0x5] =	stream.indirect.gather [hbm4b:s1+s25], $0x80, s5, s25, $0xb8;
	[tilespmem:$0x18C80] =	vst v63  }
0xa2: {  	_ =	swait.ge [sflag:s4], $0x2800  }
0xa3: {  	[sflag:s4] =	ssyncset.done $0x0  }
0xa4: {  	[sflag:s4] =	ssyncadd.s32 $0xFFFFD800  }
0xa5: {  	[spmem:s3] =	stream.indirect.scatter.add.f32 [tilespmem:s31], [sflag:$0x8], $0x80, s14, s25, $0xb8;
	[tilespmem:$0x18C80] =	vst v63  }
0xa6: {  	_ =	swait.ge [sflag:s8], $0x2800  }
0xa7: {  	[sflag:s8] =	ssyncset.done $0x0  }
0xa8: {  	s28 =	sadd.s32 s15, s19;
	[sflag:s8] =	ssyncadd.s32 $0xFFFFD800  }
0xa9: {  	[tilespmem:s29], [sflag:$0x4] =	stream.linear.gather [hbm4b:s28+s5], $0x100, $0x38;
	[tilespmem:$0x18C80] =	vst v63  }
0xaa: {  	_ =	swait.ge [sflag:s30], $0x100  }
0xab: {  	[sflag:s30] =	ssyncset.done $0x0  }
0xac: {  	[sflag:s30] =	ssyncadd.s32 $0xFFFFFF00  }
0xad: {  	[tilespmem:s31], [sflag:$0x6] =	stream.indirect.gather [hbm4b:s1+s25], $0x80, s22, s25, $0xb8;
	[tilespmem:$0x18C80] =	vst v63  }
0xae: {  	_ =	swait.ge [sflag:s0], $0x2800  }
0xaf: {  	[sflag:s0] =	ssyncset.done $0x0  }
0xb0: {  	[sflag:s0] =	ssyncadd.s32 $0xFFFFD800  }
0xb1: {  	[spmem:s3] =	stream.indirect.scatter.add.f32 [tilespmem:s26], [sflag:$0x7], $0x80, s2, s25, $0xb8;
	[tilespmem:$0x18C80] =	vst v63  }
0xb2: {  	_ =	swait.ge [sflag:s10], $0x2800  }
0xb3: {  	[sflag:s10] =	ssyncset.done $0x0  }
0xb4: {  	s15 =	sadd.s32 s15, s18;
	[sflag:s10] =	ssyncadd.s32 $0xFFFFD800  }
0xb5: {  	[tilespmem:s5], [sflag:$0x1] =	stream.linear.gather [hbm4b:s15+s5], $0x100, $0x38;
	[tilespmem:$0x18C80] =	vst v63  }
0xb6: {  	_ =	swait.ge [sflag:s12], $0x100  }
0xb7: {  	[sflag:s12] =	ssyncset.done $0x0  }
.Ltmp4:
0xb8: {  	[sflag:s12] =	ssyncadd.s32 $0xFFFFFF00;
	(pc) =	sbr.rel @p3 .LBB2_7-.Ltmp4, $4  }
0xb9: {  	[tilespmem:s26], [sflag:$0x5] =	stream.indirect.gather [hbm4b:s1+s25], $0x80, s23, s25, $0xb8;
	[tilespmem:$0x18C80] =	vst v63  }
0xba: {  	_ =	swait.ge [sflag:s4], $0x2800  }
0xbb: {  	[sflag:s4] =	ssyncset.done $0x0  }
0xbc: {  	[sflag:s4] =	ssyncadd.s32 $0xFFFFD800  }
0xbd: {  	[spmem:s3] =	stream.indirect.scatter.add.f32 [tilespmem:s31], [sflag:$0x8], $0x80, s7, s25, $0xb8;
	[tilespmem:$0x18C80] =	vst v63  }
0xbe: {  	_ =	swait.ge [sflag:s8], $0x2800  }
0xbf: {  	[sflag:s8] =	ssyncset.done $0x0  }
0xc0: {  	[sflag:s8] =	ssyncadd.s32 $0xFFFFD800  }
0xc1: {  	_ =	swait.ge [sflag:s9], $0x100  }
0xc2: {  	[sflag:s9] =	ssyncset.done $0x0  }
0xc3: {  	[sflag:s9] =	ssyncadd.s32 $0xFFFFFF00  }
0xc4: {  	[tilespmem:s31], [sflag:$0x6] =	stream.indirect.gather [hbm4b:s1+s25], $0x80, s29, s25, $0xb8;
	[tilespmem:$0x18C80] =	vst v63  }
0xc5: {  	_ =	swait.ge [sflag:s0], $0x2800  }
0xc6: {  	[sflag:s0] =	ssyncset.done $0x0  }
0xc7: {  	[sflag:s0] =	ssyncadd.s32 $0xFFFFD800  }
0xc8: {  	[spmem:s3] =	stream.indirect.scatter.add.f32 [tilespmem:s26], [sflag:$0x7], $0x80, s13, s25, $0xb8;
	[tilespmem:$0x18C80] =	vst v63  }
0xc9: {  	_ =	swait.ge [sflag:s10], $0x2800  }
0xca: {  	[sflag:s10] =	ssyncset.done $0x0  }
0xcb: {  	[sflag:s10] =	ssyncadd.s32 $0xFFFFD800  }
0xcc: {  	_ =	swait.ge [sflag:s24], $0x100  }
0xcd: {  	[sflag:s24] =	ssyncset.done $0x0  }
0xce: {  	[sflag:s24] =	ssyncadd.s32 $0xFFFFFF00  }
0xcf: {  	[tilespmem:s26], [sflag:$0x5] =	stream.indirect.gather [hbm4b:s1+s25], $0x80, s5, s25, $0xb8;
	[tilespmem:$0x18C80] =	vst v63  }
0xd0: {  	_ =	swait.ge [sflag:s4], $0x2800  }
0xd1: {  	[sflag:s4] =	ssyncset.done $0x0  }
0xd2: {  	[sflag:s4] =	ssyncadd.s32 $0xFFFFD800  }
0xd3: {  	[spmem:s3] =	stream.indirect.scatter.add.f32 [tilespmem:s31], [sflag:$0x8], $0x80, s14, s25, $0xb8;
	[tilespmem:$0x18C80] =	vst v63  }
0xd4: {  	_ =	swait.ge [sflag:s8], $0x2800  }
0xd5: {  	[sflag:s8] =	ssyncset.done $0x0  }
0xd6: {  	[sflag:s8] =	ssyncadd.s32 $0xFFFFD800  }
0xd7: {  	_ =	swait.ge [sflag:s0], $0x2800  }
0xd8: {  	[sflag:s0] =	ssyncset.done $0x0  }
0xd9: {  	[sflag:s0] =	ssyncadd.s32 $0xFFFFD800  }
0xda: {  	[spmem:s3] =	stream.indirect.scatter.add.f32 [tilespmem:s26], [sflag:$0x7], $0x80, s2, s25, $0xb8;
	[tilespmem:$0x18C80] =	vst v63  }
0xdb: {  	_ =	swait.ge [sflag:s10], $0x2800  }
0xdc: {  	[sflag:s10] =	ssyncset.done $0x0  }
0xdd: {  	[sflag:s10] =	ssyncadd.s32 $0xFFFFD800  }
0xde: {  	[bflag:$0x0] =	sbarrier.arrive $0xFFFF  }
0xdf: {  	s11 =	sor.u32 $0x1C0A, s17;
	s17 =	simm.s32 $0xA;
	s15 =	rddreg [dreg:$0xe]  }
0xe0: {  	[hbm:s15], [sflag:s11] =	dma.local [spmem:s6], $0x2700  }
0xe1: {  	_ =	swait.ge [sflag:s17], $0x2700  }
0xe2: {  	[sflag:s17] =	ssyncset.done $0x0;
	s6 =	rddreg [dreg:$0xa]  }
0xe3: {  	s15 =	rddreg [dreg:$0xf];
	[sflag:s17] =	ssyncadd.s32 $0xFFFFD900;
	s6 =	sshrl.u32 @!p2 s6, $0x3  }
0xe4: {  	[hbm:s15], [sflag:s11] =	dma.local @!p2 [spmem:s6], $0x100  }
0xe5: {  	s6 =	simm.s32 @!p2 $0xA  }
0xe6: {  	_ =	swait.ge @!p2 [sflag:s6], $0x100  }
0xe7: {  	s16 =	sadd.s32 $0x1, s16;
	s28 =	rddreg [dreg:$0x10]  }
0xe8: {  	p3 =	sne.s32 s16, s28  }
.Ltmp5:
0xe9: {  	_ = 	snop;
	(pc) =	sbr.rel @p3 .LBB2_1-.Ltmp5, $3  }
0xea: {  	_ =	sdelay $0x1  }
0xeb: {  	[sflag:s6] =	ssyncset.done @!p2 $0x0  }
0xec: {  	[sflag:s6] =	ssyncadd.s32 @!p2 $0xFFFFFF00  }
0xed: {  	_ =	sfence.sel $0x180000  }
0xee: {  	[bflag:$0x0] =	sbarrier.arrive $0xFFFF  }
0xef: {  	_ =	strace $0x90000047  }
0xf0: {  	s0 =	stileid.u32;
	[bflag:$0x2] =	sbarrier.arrive $0xFFFF  }
0xf1: {  	p0 =	sne.s32 s0, $0x0;
	s0 =	rddreg [dreg:$0x4]  }
0xf2: {  	s0 =	sadd.s32 @!p0 $0x100000, s0  }
0xf3: {  	[sflag:s0] =	ssyncadd.tile.s32 @!p0 $0x1;
	_ =	shalt  }
.Lfunc_end2:
_tile_overlayer_lowered:
.L_overlay_start_2:
0xf4: {  	(tag) =	ssettag $0x2  }
0xf5: {  	s0 =	rddreg [dreg:$0x0];
	s2 =	stileid.u32  }
0xf6: {  	s1 =	rddreg [dreg:$0x1];
	p0 =	sne.s32 s2, $0x0  }
0xf7: {  	s3 =	rddreg [dreg:$0x2];
	[bflag:$0x3] =	sbarrier.arrive $0xFFFF;
	s2 =	simm.s32 @!p0 $0x1C0A  }
0xf8: {  	[timem:s3], [sflag:s2] =	dma.local @!p0 [hbm:s0], s1  }
0xf9: {  	s0 =	simm.s32 @!p0 $0xA  }
0xfa: {  	_ =	swait.ge @!p0 [sflag:s0], s1  }
0xfb: {  	s1 =	ssub.s32 @!p0 $0x0, s1;
	[sflag:s0] =	ssyncset.done @!p0 $0x0  }
0xfc: {  	[sflag:s0] =	ssyncadd.s32 @!p0 s1  }
0xfd: {  	[bflag:$0x3] =	sbarrier.arrive $0xFFFF  }
0xfe: {  	_ =	shalt  }

// kernel: kernel.9.cloned.1.call-start
scs
__scs_entry_jumppad:
0x0: {  	(pc) =	sbr.rel $0x88, $3  }
0x1: {  	(tag) =	ssettag $0x0;
	lr =	simm.s32 $0x1  }
0x2: {  	[smem:$0x3F9B] =	sst lr;
	_ =	strace $0xD0000000  }
0x3: {  	_ = 	snop  }
0x4: {  	_ = 	snop  }
0x5: {  	_ = 	snop  }
0x6: {  	_ = 	snop  }
0x7: {  	_ = 	snop  }
__scs_overlays_trampoline_lowered:
0x8: {  	[smem:$0x3FAA] =	sst s0  }
0x9: {  	[smem:$0x3FAB] =	sst s1  }
0xa: {  	[smem:$0x3FAC] =	sst s2  }
0xb: {  	[smem:$0x3FAD] =	sst s3  }
0xc: {  	[smem:$0x3FAE] =	sst s4  }
0xd: {  	[smem:$0x3FAF] =	sst s5  }
0xe: {  	[smem:$0x3FB0] =	sst s6  }
0xf: {  	[smem:$0x3FB1] =	sst s7  }
0x10: {  	[smem:$0x3FB2] =	sst s8  }
0x11: {  	[smem:$0x3FB3] =	sst s9;
	s0 =	simm.s32 @!p0 $0x0  }
0x12: {  	s1 =	sld [smem:$0x3F99];
	s0 =	simm.s32 @p0 $0x1  }
0x13: {  	[smem:$0x3FB4] =	sst s0;
	s0 =	simm.s32 @!p1 $0x0  }
0x14: {  	s2 =	sld [smem:$0x3F98];
	s0 =	simm.s32 @p1 $0x1  }
0x15: {  	[smem:$0x3FB5] =	sst s0;
	s0 =	simm.s32 @!p2 $0x0  }
0x16: {  	s3 =	sld [smem:$0x3FDB];
	s0 =	simm.s32 @p2 $0x1  }
0x17: {  	s4 =	simm.s32 $0x1BF5;
	[smem:$0x3FB7] =	sst s0  }
0x18: {  	s0 =	sld [smem:$0x3F9A];
	_ =	swait.ge [sflag:s4], $0x0  }
0x19: {  	s7 =	sld [smem:$0x3F9B]  }
0x1a: {  	s8 =	sadd.s32 $0xFFFFE003, lr  }
0x1b: {  	s9 =	sadd.s32 $0xFFFFFEF7, lr;
	s5 =	simm.s32 $0xFFFFFFFF;
	p2 =	slt.u32 s8, $0xFFFFF086  }
0x1c: {  	p1 =	slt.u32 s9, $0xF7A;
	s5 =	simm.s32 @!p2 $0x0  }
0x1d: {  	s5 =	simm.s32 @p1 $0x1;
	p0 =	seq.s32 s7, s2  }
0x1e: {  	s7 =	smul.u32 @!p0 $0xF7A, s2;
	p2 =	seq.s32 @!p0 s5, $0x0  }
0x1f: {  	s9 =	smul.u32 $0xF7A, s1;
	s8 =	simm.s32 @!p0 $0x1BF5;
	p2 =	por !p2, p0  }
0x20: {  	[sflag:s8] =	ssyncset.s32 @!p0 $0xFFFFF086;
	s6 =	sadd.s32 @!p0 s3, s7;
	s7 =	simm.s32 @!p0 $0x108  }
0x21: {  	s3 =	sadd.s32 s3, s9;
	s6 =	sadd.s32 @!p0 $0x88, s6;
	s7 =	simm.s32 @p2 $0x1082  }
0x22: {  	[simem:s7], [sflag:s8] =	dma.local @!p0 [hbm:s6], $0xF7A  }
0x23: {  	s9 =	sor.u32 $0xD0000000, s2;
	s6 =	simm.s32 $0x108;
	_ =	swait.ge @!p0 [sflag:s8], $0x0  }
0x24: {  	s3 =	sadd.s32 $0x88, s3;
	s6 =	simm.s32 @!p1 $0x1082;
	[sflag:s4] =	ssyncset.s32 $0xFFFFF086  }
0x25: {  	[simem:s6], [sflag:s4] =	dma.local [hbm:s3], $0xF7A  }
0x26: {  	[smem:$0x3F9B] =	sst s1;
	(tag) =	ssettag s2;
	_ =	strace s9  }
0x27: {  	s1 =	sld [smem:$0x3FAB]  }
0x28: {  	s2 =	sld [smem:$0x3FAC]  }
0x29: {  	s4 =	sld [smem:$0x3FAE]  }
0x2a: {  	p0 =	seq.s32 s5, $0x0;
	s5 =	sld [smem:$0x3FAF]  }
0x2b: {  	s6 =	sld [smem:$0x3FB0]  }
0x2c: {  	s7 =	sld [smem:$0x3FB1]  }
0x2d: {  	s3 =	simm.s32 $0x108;
	s8 =	sld [smem:$0x3FB2]  }
0x2e: {  	s3 =	simm.s32 @!p0 $0x1082;
	s9 =	sld [smem:$0x3FB3]  }
0x2f: {  	lr =	sadd.s32 s0, s3;
	s0 =	sld [smem:$0x3FAA]  }
0x30: {  	s3 =	sld [smem:$0x3FAD]  }
0x31: {  	[smem:$0x3FB6] =	sst s10  }
0x32: {  	s10 =	sld [smem:$0x3FB4];
	_ =	sdelay $0x3  }
0x33: {  	p0 =	seq.s32 s10, $0x1;
	s10 =	sld [smem:$0x3FB6];
	_ =	sdelay $0x3  }
0x34: {  	[smem:$0x3FB6] =	sst s10  }
0x35: {  	s10 =	sld [smem:$0x3FB5];
	_ =	sdelay $0x3  }
0x36: {  	p1 =	seq.s32 s10, $0x1;
	s10 =	sld [smem:$0x3FB6];
	_ =	sdelay $0x3  }
0x37: {  	[smem:$0x3FB6] =	sst s10  }
0x38: {  	s10 =	sld [smem:$0x3FB7]  }
0x39: {  	_ = 	snop;
	(pc) =	sbr.ind lr, $3  }
0x3a: {  	_ = 	snop  }
0x3b: {  	_ = 	snop  }
0x3c: {  	p2 =	seq.s32 s10, $0x1;
	s10 =	sld [smem:$0x3FB6]  }
0x3d: {  	_ =	shalt  }
0x3e: {  	_ =	shalt  }
0x3f: {  	_ =	shalt  }
0x40: {  	_ =	shalt  }
0x41: {  	_ =	shalt  }
0x42: {  	_ =	shalt  }
0x43: {  	_ =	shalt  }
0x44: {  	_ =	shalt  }
0x45: {  	_ =	shalt  }
0x46: {  	_ =	shalt  }
0x47: {  	_ =	shalt  }
0x48: {  	_ =	shalt  }
0x49: {  	_ =	shalt  }
0x4a: {  	_ =	shalt  }
0x4b: {  	_ =	shalt  }
0x4c: {  	_ =	shalt  }
0x4d: {  	_ =	shalt  }
0x4e: {  	_ =	shalt  }
0x4f: {  	_ =	shalt  }
0x50: {  	_ =	shalt  }
0x51: {  	_ =	shalt  }
0x52: {  	_ =	shalt  }
0x53: {  	_ =	shalt  }
0x54: {  	_ =	shalt  }
0x55: {  	_ =	shalt  }
0x56: {  	_ =	shalt  }
0x57: {  	_ =	shalt  }
0x58: {  	_ =	shalt  }
0x59: {  	_ =	shalt  }
0x5a: {  	_ =	shalt  }
0x5b: {  	_ =	shalt  }
0x5c: {  	_ =	shalt  }
0x5d: {  	_ =	shalt  }
0x5e: {  	_ =	shalt  }
0x5f: {  	_ =	shalt  }
0x60: {  	_ =	shalt  }
0x61: {  	_ =	shalt  }
0x62: {  	_ =	shalt  }
0x63: {  	_ =	shalt  }
0x64: {  	_ =	shalt  }
0x65: {  	_ =	shalt  }
0x66: {  	_ =	shalt  }
0x67: {  	_ =	shalt  }
0x68: {  	_ =	shalt  }
0x69: {  	_ =	shalt  }
0x6a: {  	_ =	shalt  }
0x6b: {  	_ =	shalt  }
0x6c: {  	_ =	shalt  }
0x6d: {  	_ =	shalt  }
0x6e: {  	_ =	shalt  }
0x6f: {  	_ =	shalt  }
0x70: {  	_ =	shalt  }
0x71: {  	_ =	shalt  }
0x72: {  	_ =	shalt  }
0x73: {  	_ =	shalt  }
0x74: {  	_ =	shalt  }
0x75: {  	_ =	shalt  }
0x76: {  	_ =	shalt  }
0x77: {  	_ =	shalt  }
0x78: {  	_ =	shalt  }
0x79: {  	_ =	shalt  }
0x7a: {  	_ =	shalt  }
0x7b: {  	_ =	shalt  }
0x7c: {  	_ =	shalt  }
0x7d: {  	_ =	shalt  }
0x7e: {  	_ =	shalt  }
0x7f: {  	_ =	shalt  }
0x80: {  	_ =	shalt  }
0x81: {  	_ =	shalt  }
0x82: {  	_ =	shalt  }
0x83: {  	_ =	shalt  }
0x84: {  	_ =	shalt  }
0x85: {  	_ =	shalt  }
0x86: {  	_ =	shalt  }
0x87: {  	_ =	shalt  }
.Lfunc_end0:
.L_simem_size_0:
called_computation.1_lowered:
.L_overlay_start_0:
0x88: {  	s2 =	sld [smem:$0x3FD9]  }
0x89: {  	s3 =	sld [smem:$0x3FFE];
	_ =	sdelay $0x1  }
0x8a: {  	s1 =	srdreg.scid  }
0x8b: {  	s0 =	sand.u32 $0x1, s1  }
0x8c: {  	s17 =	sshll.u32 s0, $0xA;
	s2 =	sadd.s32 s3, s2  }
0x8d: {  	s2 =	sadd.s32 s2, s17  }
0x8e: {  	[smem:$0x3FC2] =	sst s2  }
0x8f: {  	_ = 	snop  }
0x90: {  	s2 =	sld [smem:$0x3FD0];
	(tm) =	ssettm $0x1  }
0x91: {  	s18 =	sld [smem:$0x3FFB];
	_ =	sdelay $0x3  }
0x92: {  	_ =	strace s18  }
0x93: {  	s3 =	sld [smem:$0x3FFC];
	_ =	sdelay $0x3  }
0x94: {  	_ =	strace s3  }
0x95: {  	s3 =	sld [smem:$0x3FFD];
	_ =	sdelay $0x3  }
0x96: {  	_ =	strace s3  }
0x97: {  	_ =	strace $0x8FFFFFFF  }
0x98: {  	s19 =	sld [smem:$0x3FDB];
	_ =	sdelay $0x1  }
0x99: {  	s4 =	simm.s32 $_scs_section_size  }
0x9a: {  	s5 =	simm.s32 $_size__tile_overlayer_lowered;
	s6 =	simm.s32 $_tile_overlayer_lowered  }
0x9b: {  	s22 =	simm.s32 $0x1BFF;
	s21 =	sshll.u32 s6, $0x1;
	s3 =	sadd.s32 s4, s19  }
0x9c: {  	s7 =	simm.s32 $0x0;
	s20 =	sshll.u32 s5, $0x1;
	s5 =	sadd.s32 s21, s3  }
0x9d: {  	[timem:s7], [sflag:s22] =	dma.local [hbm:s5], s20  }
0x9e: {  	_ =	swait.ge [sflag:s22], s20  }
0x9f: {  	s4 =	ssub.s32 $0x0, s20;
	[sflag:s22] =	ssyncset.done $0x0  }
0xa0: {  	[sflag:s22] =	ssyncadd.s32 s4;
	_ =	sdelay $0x1  }
0xa1: {  	s23 =	simm.s32 $0x1B8B  }
0xa2: {  	_ =	swait.ge [sflag:s23], $0x1  }
0xa3: {  	[sflag:s23] =	ssyncset.done $0x0  }
0xa4: {  	s25 =	simm.s32 $0x1B8E;
	s24 =	sld [smem:$0x3FFE];
	[sflag:s23] =	ssyncadd.s32 $0xFFFFFFFF  }
0xa5: {  	s26 =	simm.s32 $execute0_lowered;
	[smem:$0x3FD2] =	sst s25  }
0xa6: {  	s5 =	sshll.u32 s26, $0x1;
	_ =	strace $0x80000049;
	[dreg:$0x1] =	wrdreg $0xFFFFFFFF  }
0xa7: {  	s28 =	simm.s32 $_size_execute0_lowered;
	s3 =	sadd.s32 s3, s5;
	[dreg:$0x0] =	wrdreg $0x0  }
0xa8: {  	s5 =	sshll.u32 s28, $0x1;
	[dreg:$0x2] =	wrdreg s3  }
0xa9: {  	[dreg:$0x3] =	wrdreg s5  }
0xaa: {  	[dreg:$0x4] =	wrdreg $0xC0  }
0xab: {  	_ =	task [dreg:s7], $0x5FFFF  }
0xac: {  	[dreg:$0x1] =	wrdreg $0xFFFFFFFF  }
0xad: {  	[dreg:$0x0] =	wrdreg $0x60  }
0xae: {  	[dreg:$0x2] =	wrdreg s24  }
0xaf: {  	[dreg:$0x3] =	wrdreg s2  }
0xb0: {  	[dreg:$0x4] =	wrdreg $0x54000  }
0xb1: {  	[dreg:$0x5] =	wrdreg $0x9  }
0xb2: {  	_ =	task.clear_ibuf [dreg:s7], $0x6FFFF;
	_ =	strace $0x90000049  }
0xb3: {  	s29 =	simm.s32 $0x9;
	_ =	strace $0x8000004B  }
0xb4: {  	_ =	swait.ge [sflag:s29], $0x1  }
0xb5: {  	[sflag:s29] =	ssyncadd.s32 $0xFFFFFFFF  }
0xb6: {  	_ =	strace $0x9000004B  }
0xb7: {  	_ =	sfence  }
0xb8: {  	s30 =	sld [smem:$0x0];
	_ =	sdelay $0x2  }
0xb9: {  	s31 =	sshll.u32 s1, $0xD;
	s1 =	sshrl.u32 s1, $0x2  }
0xba: {  	s3 =	sand.u32 $0x4000, s31;
	s1 =	sadd.s32 s1, s30  }
0xbb: {  	s0 =	sor.u32 s3, s0;
	s1 =	sshll.u32 s1, $0x11  }
0xbc: {  	s0 =	sor.u32 s1, s0  }
0xbd: {  	s0 =	sadd.s32 $0x8F2B, s0  }
0xbe: {  	[sflag:s0] =	ssyncadd.remote.s32 $0x1  }
0xbf: {  	_ =	sfence.sel $0xFFFF  }
0xc0: {  	[dreg:$0x0] =	wrdreg $0xFFFFFFFF;
	(pc) =	sbr.abs _section_cstart, $3  }
0xc1: {  	[dreg:$0x1] =	wrdreg $0xFFFFFFFF  }
0xc2: {  	_ =	task.clear_ibuf [dreg:s7], $0x2FFFF;
	_ =	strace $0x9FFFFFFF  }
0xc3: {  	(tm) =	ssettm $0x7FFFFFFF  }
tec
execute0_lowered:
.L_overlay_start_1:
0x0: {  	(tag) =	ssettag $0x1  }
0x1: {  	s0 =	rddreg [dreg:$0x0]  }
0x2: {  	s11 =	rddreg [dreg:$0x1]  }
0x3: {  	s2 =	rddreg [dreg:$0x2];
	s3 =	simm.s32 $0x0;
	s1 =	srdreg.scid  }
0x4: {  	s12 =	stileid.u32;
	s29 =	simm.s32 $0x300;
	s30 =	simm.s32 $0x2  }
0x5: {  	s31 =	simm.s32 $0x2C00;
	[smem:$0x7FF] =	sst s3;
	s5 =	sadd.s32 $0x20E00, s0  }
0x6: {  	s1 =	sand.u32 $0x1, s1;
	s4 =	sadd.s32 $0xE00, s0;
	s10 =	smul.u32 $0x4E000, s12  }
0x7: {  	s6 =	sshll.u32 s12, $0x10;
	s0 =	sadd.s32 $0x48000, s0;
	s28 =	smul.u32 $0x2700, s12  }
0x8: {  	s17 =	smul.u32 $0x13800, s12;
	s18 =	sadd.s32 $0x138000, s2;
	p1 =	seq.s32 s12, $0xF  }
0x9: {  	p2 =	sne.s32 s12, $0xF;
	s12 =	simm.s32 $0x3;
	_ =	strace $0x8000004A  }
0xa: {  	s7 =	sshll.u32 s1, $0xF;
	s8 =	ssub.s32 $0x2, s1;
	s16 =	smul.u32 $0x138800, s1  }
0xb: {  	[dreg:$0x9] =	wrdreg s18;
	p0 =	sne.s32 s1, $0x0;
	s1 =	simm.s32 $0x80  }
0xc: {  	s6 =	sor.u32 s7, s6;
	s26 =	sshrl.u32 s8, $0x1;
	s15 =	sshrl.u32 s10, $0x2  }
0xd: {  	s11 =	sadd.s32 s11, s28;
	s10 =	simm.s32 $0x7;
	s9 =	sshrl.u32 s6, $0x3  }
0xe: {  	s7 =	ssub.s32 s8, s26;
	[dreg:$0x8] =	wrdreg s11;
	s8 =	sadd.s32 s5, s28  }
0xf: {  	s21 =	sadd.s32 s17, s16;
	s22 =	sshrl.u32 s16, $0x3;
	s23 =	sor.u32 $0x800, s6  }
0x10: {  	s26 =	sor.u32 $0x700, s6;
	s28 =	sor.u32 $0x600, s6;
	s6 =	sor.u32 $0x500, s6  }
0x11: {  	s16 =	simm.s32 $0x0;
	s13 =	sadd.s32 s4, s9;
	[dreg:$0xa] =	wrdreg s8  }
0x12: {  	s8 =	sshrl.u32 s21, $0x3;
	s24 =	sshrl.u32 s23, $0x3;
	s25 =	smax.u32 s7, $0x1  }
0x13: {  	s7 =	sshrl.u32 s28, $0x3;
	s6 =	sshrl.u32 s6, $0x3;
	s23 =	simm.s32 $0x200  }
0x14: {  	s9 =	sadd.s32 $0x20, s13;
	s14 =	sadd.s32 $0x40, s13;
	[dreg:$0x4] =	wrdreg s13  }
0x15: {  	s19 =	sadd.s32 $0x60, s13;
	s20 =	sadd.s32 $0x80, s13;
	[dreg:$0xf] =	wrdreg s25  }
0x16: {  	s8 =	sadd.s32 s0, s8;
	s0 =	sadd.s32 s0, s22;
	[dreg:$0x5] =	wrdreg s9  }
0x17: {  	s18 =	sadd.s32 s24, s4;
	s21 =	sadd.s32 s6, s4;
	[dreg:$0x6] =	wrdreg s14  }
0x18: {  	s22 =	simm.s32 $0x100;
	s24 =	simm.s32 $0x1;
	[dreg:$0xb] =	wrdreg s19  }
0x19: {  	s25 =	simm.s32 $0x50;
	s13 =	simm.s32 $0x280;
	[dreg:$0xc] =	wrdreg s20  }
0x1a: {  	s9 =	sadd.s32 s15, s2;
	[dreg:$0xd] =	wrdreg s8;
	s0 =	sadd.s32 $0x27000, s0  }
0x1b: {  	s20 =	sadd.s32 s7, s4;
	s7 =	simm.s32 $0x180;
	[dreg:$0x7] =	wrdreg s9  }
0x1c: {  	s8 =	simm.s32 $0x8;
	s14 =	simm.s32 $0x380;
	[dreg:$0xe] =	wrdreg s0  }
0x1d: {  	s0 =	sshrl.u32 s26, $0x3;
	s26 =	simm.s32 $0x400;
	s9 =	simm.s32 $0x4  }
0x1e: {  	s19 =	sadd.s32 s0, s4;
	s0 =	simm.s32 $0x5;
	s4 =	simm.s32 $0x6  }
.LBB2_1:
0x1f: {  	s6 =	rddreg [dreg:$0x4]  }
0x20: {  	s11 =	rddreg [dreg:$0x5]  }
0x21: {  	[tilespmem:s3], [sflag:$0x1] =	stream.linear.gather [hbm4b:s6+s3], $0x100, $0x38;
	[tilespmem:$0x18C80] =	vst v63  }
.Ltmp0:
0x22: {  	s17 =	stileid.u32;
	(pc) =	sbr.rel @p0 .LBB2_4-.Ltmp0, $4  }
0x23: {  	s28 =	rddreg [dreg:$0x7];
	s17 =	sshll.u32 s17, $0x6  }
0x24: {  	[tilespmem:s22], [sflag:$0x2] =	stream.linear.gather [hbm4b:s11+s3], $0x100, $0x38;
	[tilespmem:$0x18C80] =	vst v63  }
0x25: {  	s15 =	rddreg [dreg:$0x6];
	s6 =	sshrl.u32 s28, $0x3;
	s11 =	sor.u32 $0x1C09, s17  }
0x26: {  	[tilespmem:s23], [sflag:$0x3] =	stream.linear.gather [hbm4b:s15+s3], $0x100, $0x38;
	[tilespmem:$0x18C80] =	vst v63  }
.Ltmp1:
0x27: {  	(pc) =	sbr.rel @p1 .LBB2_5-.Ltmp1, $4  }
0x28: {  	_ = 	snop  }
0x29: {  	s11 =	sor.u32 $0x1C09, s17;
	s15 =	rddreg [dreg:$0xa]  }
0x2a: {  	[spmem:s6], [sflag:s11] =	dma.local [hbm:s15], $0x2700  }
0x2b: {  	s15 =	smov.u32 s5  }
.LBB2_3:
0x2c: {  	_ =	swait.ge [sflag:s24], $0x100  }
0x2d: {  	[sflag:s24] =	ssyncset.done $0x0  }
.Ltmp2:
0x2e: {  	s11 =	simm.s32 $0x9;
	[sflag:s24] =	ssyncadd.s32 $0xFFFFFF00;
	(pc) =	sbr.rel .LBB2_6-.Ltmp2, $4  }
0x2f: {  	[tilespmem:s26], [sflag:$0x5] =	stream.indirect.gather [hbm4b:s5+s25], $0x80, s3, s25, $0xb8;
	[tilespmem:$0x18C80] =	vst v63  }
0x30: {  	_ =	swait.ge [sflag:s11], $0x2700  }
0x31: {  	[sflag:s11] =	ssyncset.done $0x0  }
0x32: {  	[sflag:s11] =	ssyncadd.s32 $0xFFFFD900  }
.LBB2_4:
.Ltmp3:
0x33: {  	(pc) =	sbr.rel @p2 .LBB2_3-.Ltmp3, $4  }
0x34: {  	_ = 	snop  }
0x35: {  	s15 =	rddreg [dreg:$0x8]  }
0x36: {  	[spmem:s6], [sflag:s11] =	dma.local [hbm:s15], $0x2700  }
0x37: {  	s15 =	rddreg [dreg:$0x1]  }
.LBB2_5:
0x38: {  	s28 =	rddreg [dreg:$0x9]  }
0x39: {  	s15 =	sadd.s32 $0x27000, s15;
	s28 =	sshrl.u32 s28, $0x3  }
0x3a: {  	[spmem:s28], [sflag:s11] =	dma.local [hbm:s15], $0x100  }
0x3b: {  	_ =	swait.ge [sflag:s24], $0x100  }
0x3c: {  	[sflag:s24] =	ssyncset.done $0x0  }
0x3d: {  	s28 =	simm.s32 $0x9;
	[sflag:s24] =	ssyncadd.s32 $0xFFFFFF00  }
0x3e: {  	[tilespmem:s26], [sflag:$0x5] =	stream.indirect.gather [hbm4b:s5+s25], $0x80, s3, s25, $0xb8;
	[tilespmem:$0x18C80] =	vst v63  }
0x3f: {  	_ =	swait.ge [sflag:s28], $0x2700  }
0x40: {  	[sflag:s28] =	ssyncset.done $0x0  }
0x41: {  	[sflag:s28] =	ssyncadd.s32 $0xFFFFD900  }
0x42: {  	_ =	swait.ge [sflag:s28], $0x100  }
0x43: {  	[sflag:s28] =	ssyncset.done $0x0  }
0x44: {  	[sflag:s28] =	ssyncadd.s32 $0xFFFFFF00  }
.LBB2_6:
0x45: {  	[bflag:$0x0] =	sbarrier.arrive $0xFFFF  }
0x46: {  	s11 =	simm.s32 $0x0;
	s15 =	rddreg [dreg:$0xb]  }
0x47: {  	[tilespmem:s29], [sflag:$0x4] =	stream.linear.gather [hbm4b:s15+s11], $0x100, $0x38;
	[tilespmem:$0x18C80] =	vst v63  }
0x48: {  	_ =	swait.ge [sflag:s30], $0x100  }
0x49: {  	[sflag:s30] =	ssyncset.done $0x0  }
0x4a: {  	[sflag:s30] =	ssyncadd.s32 $0xFFFFFF00  }
0x4b: {  	[tilespmem:s31], [sflag:$0x6] =	stream.indirect.gather [hbm4b:s5+s25], $0x80, s22, s25, $0xb8;
	[tilespmem:$0x18C80] =	vst v63  }
0x4c: {  	_ =	swait.ge [sflag:s0], $0x2800  }
0x4d: {  	[sflag:s0] =	ssyncset.done $0x0  }
0x4e: {  	[sflag:s0] =	ssyncadd.s32 $0xFFFFD800  }
0x4f: {  	[spmem:s2] =	stream.indirect.scatter.add.f32 [tilespmem:s26], [sflag:$0x7], $0x80, s1, s25, $0xb8;
	[tilespmem:$0x18C80] =	vst v63  }
0x50: {  	_ =	swait.ge [sflag:s10], $0x2800  }
0x51: {  	[sflag:s10] =	ssyncset.done $0x0  }
0x52: {  	s28 =	rddreg [dreg:$0xc];
	[sflag:s10] =	ssyncadd.s32 $0xFFFFD800  }
0x53: {  	[tilespmem:s11], [sflag:$0x1] =	stream.linear.gather [hbm4b:s28+s11], $0x100, $0x38;
	[tilespmem:$0x18C80] =	vst v63  }
0x54: {  	_ =	swait.ge [sflag:s12], $0x100  }
0x55: {  	[sflag:s12] =	ssyncset.done $0x0  }
0x56: {  	[sflag:s12] =	ssyncadd.s32 $0xFFFFFF00  }
0x57: {  	[tilespmem:s26], [sflag:$0x5] =	stream.indirect.gather [hbm4b:s5+s25], $0x80, s23, s25, $0xb8;
	[tilespmem:$0x18C80] =	vst v63  }
0x58: {  	_ =	swait.ge [sflag:s4], $0x2800  }
0x59: {  	[sflag:s4] =	ssyncset.done $0x0  }
0x5a: {  	[sflag:s4] =	ssyncadd.s32 $0xFFFFD800  }
0x5b: {  	[spmem:s2] =	stream.indirect.scatter.add.f32 [tilespmem:s31], [sflag:$0x8], $0x80, s7, s25, $0xb8;
	[tilespmem:$0x18C80] =	vst v63  }
0x5c: {  	_ =	swait.ge [sflag:s8], $0x2800  }
0x5d: {  	[sflag:s8] =	ssyncset.done $0x0  }
0x5e: {  	s15 =	sadd.s32 $0x0, s21;
	[sflag:s8] =	ssyncadd.s32 $0xFFFFD800  }
0x5f: {  	[tilespmem:s22], [sflag:$0x2] =	stream.linear.gather [hbm4b:s15+s3], $0x100, $0x38;
	[tilespmem:$0x18C80] =	vst v63  }
0x60: {  	_ =	swait.ge [sflag:s9], $0x100  }
0x61: {  	[sflag:s9] =	ssyncset.done $0x0  }
0x62: {  	[sflag:s9] =	ssyncadd.s32 $0xFFFFFF00  }
0x63: {  	[tilespmem:s31], [sflag:$0x6] =	stream.indirect.gather [hbm4b:s5+s25], $0x80, s29, s25, $0xb8;
	[tilespmem:$0x18C80] =	vst v63  }
0x64: {  	_ =	swait.ge [sflag:s0], $0x2800  }
0x65: {  	[sflag:s0] =	ssyncset.done $0x0  }
0x66: {  	[sflag:s0] =	ssyncadd.s32 $0xFFFFD800  }
0x67: {  	[spmem:s2] =	stream.indirect.scatter.add.f32 [tilespmem:s26], [sflag:$0x7], $0x80, s13, s25, $0xb8;
	[tilespmem:$0x18C80] =	vst v63  }
0x68: {  	_ =	swait.ge [sflag:s10], $0x2800  }
0x69: {  	[sflag:s10] =	ssyncset.done $0x0  }
0x6a: {  	s28 =	sadd.s32 $0x0, s20;
	[sflag:s10] =	ssyncadd.s32 $0xFFFFD800  }
0x6b: {  	[tilespmem:s23], [sflag:$0x3] =	stream.linear.gather [hbm4b:s28+s3], $0x100, $0x38;
	[tilespmem:$0x18C80] =	vst v63  }
0x6c: {  	_ =	swait.ge [sflag:s24], $0x100  }
0x6d: {  	[sflag:s24] =	ssyncset.done $0x0  }
0x6e: {  	[sflag:s24] =	ssyncadd.s32 $0xFFFFFF00  }
0x6f: {  	[tilespmem:s26], [sflag:$0x5] =	stream.indirect.gather [hbm4b:s5+s25], $0x80, s3, s25, $0xb8;
	[tilespmem:$0x18C80] =	vst v63  }
0x70: {  	_ =	swait.ge [sflag:s4], $0x2800  }
0x71: {  	[sflag:s4] =	ssyncset.done $0x0  }
0x72: {  	[sflag:s4] =	ssyncadd.s32 $0xFFFFD800  }
0x73: {  	[spmem:s2] =	stream.indirect.scatter.add.f32 [tilespmem:s31], [sflag:$0x8], $0x80, s14, s25, $0xb8;
	[tilespmem:$0x18C80] =	vst v63  }
0x74: {  	_ =	swait.ge [sflag:s8], $0x2800  }
0x75: {  	[sflag:s8] =	ssyncset.done $0x0  }
0x76: {  	s15 =	sadd.s32 $0x0, s19;
	[sflag:s8] =	ssyncadd.s32 $0xFFFFD800  }
0x77: {  	[tilespmem:s29], [sflag:$0x4] =	stream.linear.gather [hbm4b:s15+s3], $0x100, $0x38;
	[tilespmem:$0x18C80] =	vst v63  }
0x78: {  	_ =	swait.ge [sflag:s30], $0x100  }
0x79: {  	[sflag:s30] =	ssyncset.done $0x0  }
0x7a: {  	[sflag:s30] =	ssyncadd.s32 $0xFFFFFF00  }
0x7b: {  	[tilespmem:s31], [sflag:$0x6] =	stream.indirect.gather [hbm4b:s5+s25], $0x80, s22, s25, $0xb8;
	[tilespmem:$0x18C80] =	vst v63  }
0x7c: {  	_ =	swait.ge [sflag:s0], $0x2800  }
0x7d: {  	[sflag:s0] =	ssyncset.done $0x0  }
0x7e: {  	[sflag:s0] =	ssyncadd.s32 $0xFFFFD800  }
0x7f: {  	[spmem:s2] =	stream.indirect.scatter.add.f32 [tilespmem:s26], [sflag:$0x7], $0x80, s1, s25, $0xb8;
	[tilespmem:$0x18C80] =	vst v63  }
0x80: {  	_ =	swait.ge [sflag:s10], $0x2800  }
0x81: {  	[sflag:s10] =	ssyncset.done $0x0  }
0x82: {  	s28 =	sadd.s32 $0x0, s18;
	[sflag:s10] =	ssyncadd.s32 $0xFFFFD800  }
0x83: {  	[tilespmem:s3], [sflag:$0x1] =	stream.linear.gather [hbm4b:s28+s3], $0x100, $0x38;
	[tilespmem:$0x18C80] =	vst v63  }
0x84: {  	_ =	swait.ge [sflag:s12], $0x100  }
0x85: {  	[sflag:s12] =	ssyncset.done $0x0  }
0x86: {  	[sflag:s12] =	ssyncadd.s32 $0xFFFFFF00  }
0x87: {  	[tilespmem:s26], [sflag:$0x5] =	stream.indirect.gather [hbm4b:s5+s25], $0x80, s23, s25, $0xb8;
	[tilespmem:$0x18C80] =	vst v63  }
0x88: {  	_ =	swait.ge [sflag:s4], $0x2800  }
0x89: {  	[sflag:s4] =	ssyncset.done $0x0  }
0x8a: {  	s11 =	simm.s32 $0x80;
	[sflag:s4] =	ssyncadd.s32 $0xFFFFD800  }
.LBB2_7:
0x8b: {  	[spmem:s2] =	stream.indirect.scatter.add.f32 [tilespmem:s31], [sflag:$0x8], $0x80, s7, s25, $0xb8;
	[tilespmem:$0x18C80] =	vst v63  }
0x8c: {  	s15 =	smov.u32 s11  }
0x8d: {  	p3 =	sne.s32 s11, $0xE80;
	s11 =	sadd.s32 $0x80, s11;
	_ =	swait.ge [sflag:s8], $0x2800  }
0x8e: {  	[sflag:s8] =	ssyncset.done $0x0  }
0x8f: {  	s28 =	sadd.s32 s15, s21;
	[sflag:s8] =	ssyncadd.s32 $0xFFFFD800  }
0x90: {  	[tilespmem:s22], [sflag:$0x2] =	stream.linear.gather [hbm4b:s28+s3], $0x100, $0x38;
	[tilespmem:$0x18C80] =	vst v63  }
0x91: {  	_ =	swait.ge [sflag:s9], $0x100  }
0x92: {  	[sflag:s9] =	ssyncset.done $0x0  }
0x93: {  	[sflag:s9] =	ssyncadd.s32 $0xFFFFFF00  }
0x94: {  	[tilespmem:s31], [sflag:$0x6] =	stream.indirect.gather [hbm4b:s5+s25], $0x80, s29, s25, $0xb8;
	[tilespmem:$0x18C80] =	vst v63  }
0x95: {  	_ =	swait.ge [sflag:s0], $0x2800  }
0x96: {  	[sflag:s0] =	ssyncset.done $0x0  }
0x97: {  	[sflag:s0] =	ssyncadd.s32 $0xFFFFD800  }
0x98: {  	[spmem:s2] =	stream.indirect.scatter.add.f32 [tilespmem:s26], [sflag:$0x7], $0x80, s13, s25, $0xb8;
	[tilespmem:$0x18C80] =	vst v63  }
0x99: {  	_ =	swait.ge [sflag:s10], $0x2800  }
0x9a: {  	[sflag:s10] =	ssyncset.done $0x0  }
0x9b: {  	s28 =	sadd.s32 s15, s20;
	[sflag:s10] =	ssyncadd.s32 $0xFFFFD800  }
0x9c: {  	[tilespmem:s23], [sflag:$0x3] =	stream.linear.gather [hbm4b:s28+s3], $0x100, $0x38;
	[tilespmem:$0x18C80] =	vst v63  }
0x9d: {  	_ =	swait.ge [sflag:s24], $0x100  }
0x9e: {  	[sflag:s24] =	ssyncset.done $0x0  }
0x9f: {  	[sflag:s24] =	ssyncadd.s32 $0xFFFFFF00  }
0xa0: {  	[tilespmem:s26], [sflag:$0x5] =	stream.indirect.gather [hbm4b:s5+s25], $0x80, s3, s25, $0xb8;
	[tilespmem:$0x18C80] =	vst v63  }
0xa1: {  	_ =	swait.ge [sflag:s4], $0x2800  }
0xa2: {  	[sflag:s4] =	ssyncset.done $0x0  }
0xa3: {  	[sflag:s4] =	ssyncadd.s32 $0xFFFFD800  }
0xa4: {  	[spmem:s2] =	stream.indirect.scatter.add.f32 [tilespmem:s31], [sflag:$0x8], $0x80, s14, s25, $0xb8;
	[tilespmem:$0x18C80] =	vst v63  }
0xa5: {  	_ =	swait.ge [sflag:s8], $0x2800  }
0xa6: {  	[sflag:s8] =	ssyncset.done $0x0  }
0xa7: {  	s28 =	sadd.s32 s15, s19;
	[sflag:s8] =	ssyncadd.s32 $0xFFFFD800  }
0xa8: {  	[tilespmem:s29], [sflag:$0x4] =	stream.linear.gather [hbm4b:s28+s3], $0x100, $0x38;
	[tilespmem:$0x18C80] =	vst v63  }
0xa9: {  	_ =	swait.ge [sflag:s30], $0x100  }
0xaa: {  	[sflag:s30] =	ssyncset.done $0x0  }
0xab: {  	[sflag:s30] =	ssyncadd.s32 $0xFFFFFF00  }
0xac: {  	[tilespmem:s31], [sflag:$0x6] =	stream.indirect.gather [hbm4b:s5+s25], $0x80, s22, s25, $0xb8;
	[tilespmem:$0x18C80] =	vst v63  }
0xad: {  	_ =	swait.ge [sflag:s0], $0x2800  }
0xae: {  	[sflag:s0] =	ssyncset.done $0x0  }
0xaf: {  	[sflag:s0] =	ssyncadd.s32 $0xFFFFD800  }
0xb0: {  	[spmem:s2] =	stream.indirect.scatter.add.f32 [tilespmem:s26], [sflag:$0x7], $0x80, s1, s25, $0xb8;
	[tilespmem:$0x18C80] =	vst v63  }
0xb1: {  	_ =	swait.ge [sflag:s10], $0x2800  }
0xb2: {  	[sflag:s10] =	ssyncset.done $0x0  }
0xb3: {  	s15 =	sadd.s32 s15, s18;
	[sflag:s10] =	ssyncadd.s32 $0xFFFFD800  }
0xb4: {  	[tilespmem:s3], [sflag:$0x1] =	stream.linear.gather [hbm4b:s15+s3], $0x100, $0x38;
	[tilespmem:$0x18C80] =	vst v63  }
0xb5: {  	_ =	swait.ge [sflag:s12], $0x100  }
0xb6: {  	[sflag:s12] =	ssyncset.done $0x0  }
.Ltmp4:
0xb7: {  	[sflag:s12] =	ssyncadd.s32 $0xFFFFFF00;
	(pc) =	sbr.rel @p3 .LBB2_7-.Ltmp4, $4  }
0xb8: {  	[tilespmem:s26], [sflag:$0x5] =	stream.indirect.gather [hbm4b:s5+s25], $0x80, s23, s25, $0xb8;
	[tilespmem:$0x18C80] =	vst v63  }
0xb9: {  	_ =	swait.ge [sflag:s4], $0x2800  }
0xba: {  	[sflag:s4] =	ssyncset.done $0x0  }
0xbb: {  	[sflag:s4] =	ssyncadd.s32 $0xFFFFD800  }
0xbc: {  	[spmem:s2] =	stream.indirect.scatter.add.f32 [tilespmem:s31], [sflag:$0x8], $0x80, s7, s25, $0xb8;
	[tilespmem:$0x18C80] =	vst v63  }
0xbd: {  	_ =	swait.ge [sflag:s8], $0x2800  }
0xbe: {  	[sflag:s8] =	ssyncset.done $0x0  }
0xbf: {  	[sflag:s8] =	ssyncadd.s32 $0xFFFFD800  }
0xc0: {  	_ =	swait.ge [sflag:s9], $0x100  }
0xc1: {  	[sflag:s9] =	ssyncset.done $0x0  }
0xc2: {  	[sflag:s9] =	ssyncadd.s32 $0xFFFFFF00  }
0xc3: {  	[tilespmem:s31], [sflag:$0x6] =	stream.indirect.gather [hbm4b:s5+s25], $0x80, s29, s25, $0xb8;
	[tilespmem:$0x18C80] =	vst v63  }
0xc4: {  	_ =	swait.ge [sflag:s0], $0x2800  }
0xc5: {  	[sflag:s0] =	ssyncset.done $0x0  }
0xc6: {  	[sflag:s0] =	ssyncadd.s32 $0xFFFFD800  }
0xc7: {  	[spmem:s2] =	stream.indirect.scatter.add.f32 [tilespmem:s26], [sflag:$0x7], $0x80, s13, s25, $0xb8;
	[tilespmem:$0x18C80] =	vst v63  }
0xc8: {  	_ =	swait.ge [sflag:s10], $0x2800  }
0xc9: {  	[sflag:s10] =	ssyncset.done $0x0  }
0xca: {  	[sflag:s10] =	ssyncadd.s32 $0xFFFFD800  }
0xcb: {  	_ =	swait.ge [sflag:s24], $0x100  }
0xcc: {  	[sflag:s24] =	ssyncset.done $0x0  }
0xcd: {  	[sflag:s24] =	ssyncadd.s32 $0xFFFFFF00  }
0xce: {  	[tilespmem:s26], [sflag:$0x5] =	stream.indirect.gather [hbm4b:s5+s25], $0x80, s3, s25, $0xb8;
	[tilespmem:$0x18C80] =	vst v63  }
0xcf: {  	_ =	swait.ge [sflag:s4], $0x2800  }
0xd0: {  	[sflag:s4] =	ssyncset.done $0x0  }
0xd1: {  	[sflag:s4] =	ssyncadd.s32 $0xFFFFD800  }
0xd2: {  	[spmem:s2] =	stream.indirect.scatter.add.f32 [tilespmem:s31], [sflag:$0x8], $0x80, s14, s25, $0xb8;
	[tilespmem:$0x18C80] =	vst v63  }
0xd3: {  	_ =	swait.ge [sflag:s8], $0x2800  }
0xd4: {  	[sflag:s8] =	ssyncset.done $0x0  }
0xd5: {  	[sflag:s8] =	ssyncadd.s32 $0xFFFFD800  }
0xd6: {  	_ =	swait.ge [sflag:s0], $0x2800  }
0xd7: {  	[sflag:s0] =	ssyncset.done $0x0  }
0xd8: {  	[sflag:s0] =	ssyncadd.s32 $0xFFFFD800  }
0xd9: {  	[spmem:s2] =	stream.indirect.scatter.add.f32 [tilespmem:s26], [sflag:$0x7], $0x80, s1, s25, $0xb8;
	[tilespmem:$0x18C80] =	vst v63  }
0xda: {  	_ =	swait.ge [sflag:s10], $0x2800  }
0xdb: {  	[sflag:s10] =	ssyncset.done $0x0  }
0xdc: {  	[sflag:s10] =	ssyncadd.s32 $0xFFFFD800  }
0xdd: {  	[bflag:$0x0] =	sbarrier.arrive $0xFFFF  }
0xde: {  	s11 =	sor.u32 $0x1C0A, s17;
	s17 =	simm.s32 $0xA;
	s15 =	rddreg [dreg:$0xd]  }
0xdf: {  	[hbm:s15], [sflag:s11] =	dma.local [spmem:s6], $0x2700  }
0xe0: {  	_ =	swait.ge [sflag:s17], $0x2700  }
0xe1: {  	[sflag:s17] =	ssyncset.done $0x0;
	s6 =	rddreg [dreg:$0x9]  }
0xe2: {  	s15 =	rddreg [dreg:$0xe];
	[sflag:s17] =	ssyncadd.s32 $0xFFFFD900;
	s6 =	sshrl.u32 @!p2 s6, $0x3  }
0xe3: {  	[hbm:s15], [sflag:s11] =	dma.local @!p2 [spmem:s6], $0x100  }
0xe4: {  	s6 =	simm.s32 @!p2 $0xA  }
0xe5: {  	_ =	swait.ge @!p2 [sflag:s6], $0x100  }
0xe6: {  	s16 =	sadd.s32 $0x1, s16;
	s28 =	rddreg [dreg:$0xf]  }
0xe7: {  	p3 =	sne.s32 s16, s28  }
.Ltmp5:
0xe8: {  	_ = 	snop;
	(pc) =	sbr.rel @p3 .LBB2_1-.Ltmp5, $3  }
0xe9: {  	_ =	sdelay $0x1  }
0xea: {  	[sflag:s6] =	ssyncset.done @!p2 $0x0  }
0xeb: {  	[sflag:s6] =	ssyncadd.s32 @!p2 $0xFFFFFF00  }
0xec: {  	_ =	sfence.sel $0x180000  }
0xed: {  	[bflag:$0x0] =	sbarrier.arrive $0xFFFF  }
0xee: {  	_ =	strace $0x9000004A  }
0xef: {  	s0 =	stileid.u32;
	[bflag:$0x2] =	sbarrier.arrive $0xFFFF  }
0xf0: {  	p0 =	sne.s32 s0, $0x0;
	s0 =	rddreg [dreg:$0x3]  }
0xf1: {  	s0 =	sadd.s32 @!p0 $0x100000, s0  }
0xf2: {  	[sflag:s0] =	ssyncadd.tile.s32 @!p0 $0x1;
	_ =	shalt  }
.Lfunc_end2:
_tile_overlayer_lowered:
.L_overlay_start_2:
0xf3: {  	(tag) =	ssettag $0x2  }
0xf4: {  	s0 =	rddreg [dreg:$0x0];
	s2 =	stileid.u32  }
0xf5: {  	s1 =	rddreg [dreg:$0x1];
	p0 =	sne.s32 s2, $0x0  }
0xf6: {  	s3 =	rddreg [dreg:$0x2];
	[bflag:$0x3] =	sbarrier.arrive $0xFFFF;
	s2 =	simm.s32 @!p0 $0x1C0A  }
0xf7: {  	[timem:s3], [sflag:s2] =	dma.local @!p0 [hbm:s0], s1  }
0xf8: {  	s0 =	simm.s32 @!p0 $0xA  }
0xf9: {  	_ =	swait.ge @!p0 [sflag:s0], s1  }
0xfa: {  	s1 =	ssub.s32 @!p0 $0x0, s1;
	[sflag:s0] =	ssyncset.done @!p0 $0x0  }
0xfb: {  	[sflag:s0] =	ssyncadd.s32 @!p0 s1  }
0xfc: {  	[bflag:$0x3] =	sbarrier.arrive $0xFFFF  }
0xfd: {  	_ =	shalt  }

</sc_bundles>
